<compile_context>
chip_gen: v7x
topology: tpu7x:2x2x1
jax: 0.10.2.dev20260603
libtpu: 0.0.44.dev20260713+nightly
codegen_flags: <defaults>
</compile_context>

<pallas_src>
import functools

import jax
import jax.numpy as jnp
from jax import lax
from jax.experimental import pallas as pl
from jax.experimental.pallas import tpu as pltpu
from jax.experimental.pallas import tpu_sc as plsc

_NC = 2
_NS = 16
_NW = _NC * _NS
_LANES = 16


def _bow_sums_sc(x2, table):
    b2, chunk = x2.shape
    batch = b2 // 2
    hid = table.shape[1]
    nh = hid // _LANES
    b_per_w = batch // _NW
    rows_per_w = 2 * b_per_w

    mesh = plsc.VectorSubcoreMesh(
        core_axis_name="c", subcore_axis_name="s",
        num_cores=_NC, num_subcores=_NS,
    )

    @functools.partial(
        pl.kernel,
        out_type=jax.ShapeDtypeStruct((batch, hid), jnp.float32),
        mesh=mesh,
        scratch_types=[
            pltpu.VMEM((rows_per_w, chunk), jnp.int32),
            pltpu.VMEM((6, chunk, hid), jnp.float32),
            pltpu.VMEM((b_per_w, hid), jnp.float32),
            pltpu.SemaphoreType.DMA,
            pltpu.SemaphoreType.DMA,
            pltpu.SemaphoreType.DMA,
            pltpu.SemaphoreType.DMA,
            pltpu.SemaphoreType.DMA,
            pltpu.SemaphoreType.DMA,
        ],
    )
    def bow_kernel(x_hbm, table_hbm, out_hbm, idx_v, rows_v, bow_v,
                   sem0, sem1, sem2, sem3, sem4, sem5):
        wid = lax.axis_index("s") * _NC + lax.axis_index("c")
        row_base = wid * rows_per_w
        pltpu.sync_copy(x_hbm.at[pl.ds(row_base, rows_per_w)], idx_v)
        sems = (sem0, sem1, sem2, sem3, sem4, sem5)

        def gather(r, buf):
            return pltpu.make_async_copy(
                table_hbm.at[idx_v.at[r]], rows_v.at[buf], sems[buf]
            )

        def accum_pair(buf0, buf1, accs):
            def body(i, accs):
                new = list(accs)
                for buf in (buf0, buf1):
                    for h in range(nh):
                        new[h] = new[h] + rows_v[
                            buf, i, pl.ds(h * _LANES, _LANES)
                        ]
                return tuple(new)
            return lax.fori_loop(0, chunk, body, accs, unroll=2)

        def zeros():
            return tuple(jnp.zeros((_LANES,), jnp.float32) for _ in range(nh))

        def flush(b, accs):
            for h in range(nh):
                bow_v[b, pl.ds(h * _LANES, _LANES)] = accs[h]

        n_chunks = rows_per_w
        for c in range(5):
            gather(c, c).start()
        n_trips = b_per_w // 3
        tail_base = 3 * n_trips

        def per_trip(p, _):
            c0 = 6 * p
            gather(c0 + 5, 5).start()
            for s in range(3):
                b0, b1 = 2 * s, 2 * s + 1
                gather(c0 + b0, b0).wait()
                gather(c0 + b1, b1).wait()
                accs = accum_pair(b0, b1, zeros())
                flush(3 * p + s, accs)
                for buf in (b0, b1):
                    if buf < 5:
                        @pl.when(c0 + 6 + buf < n_chunks)
                        def _():
                            gather(c0 + 6 + buf, buf).start()

            return 0

        lax.fori_loop(0, n_trips, per_trip, 0)
        c0 = 6 * n_trips
        for s in range(b_per_w - tail_base):
            b0, b1 = 2 * s, 2 * s + 1
            gather(c0 + b0, b0).wait()
            gather(c0 + b1, b1).wait()
            accs = accum_pair(b0, b1, zeros())
            flush(tail_base + s, accs)
        pltpu.sync_copy(bow_v, out_hbm.at[pl.ds(wid * b_per_w, b_per_w)])

    return bow_kernel(x2, table)


def _mlp_tc(bow_sums, t, w1, b1, w2t, b2, inv_l):
    batch, hid = bow_sums.shape

    def mlp_body(bow_ref, t_ref, w1_ref, b1_ref, w2_ref, b2_ref,
                 logits_ref, loss_ref):
        bow = bow_ref[...] * inv_l
        h = jnp.maximum(
            jnp.dot(bow, w1_ref[...], preferred_element_type=jnp.float32)
            + b1_ref[...],
            0.0,
        )
        z = jnp.sum(h * w2_ref[...], axis=1) + b2_ref[0]
        logits_ref[...] = z
        per = (jnp.maximum(z, 0.0) - z * t_ref[...]
               + jnp.log1p(jnp.exp(-jnp.abs(z))))
        loss_ref[0] = jnp.sum(per) * (1.0 / batch)

    vmem = pl.BlockSpec(memory_space=pltpu.VMEM)
    smem = pl.BlockSpec(memory_space=pltpu.SMEM)
    return pl.pallas_call(
        mlp_body,
        in_specs=[vmem, vmem, vmem, vmem, vmem, smem],
        out_specs=[vmem, smem],
        out_shape=[
            jax.ShapeDtypeStruct((batch,), jnp.float32),
            jax.ShapeDtypeStruct((1,), jnp.float32),
        ],
    )(bow_sums, t, w1, b1, w2t, b2)


def kernel(x, t, table, W1, b1, W2, b2):
    batch, seq = x.shape
    bow_sums = _bow_sums_sc(
        x.astype(jnp.int32).reshape(batch * 2, seq // 2), table
    )
    logits, loss = _mlp_tc(
        bow_sums,
        t,
        W1,
        b1.reshape(1, -1),
        W2.reshape(1, -1),
        b2,
        1.0 / seq,
    )
    return (loss[0], logits)

# --- scband reference (transcript-rebuilt; emitter-appended) ---
"""Pipeline reference for scband-bow-model-11570641895853 (READ-ONLY COPY).

The authoritative reference and input builder live on the scoring server;
editing this copy changes nothing except your own understanding.
"""

import jax, jax.numpy as jnp
import numpy as np

VOCAB = 1000000
HID = 128
B = 4096
L = 200


def setup_inputs(seed: int = 0) -> dict:
    key = jax.random.key(seed)
    k1, k2, k3, k4, k5 = jax.random.split(key, 5)
    x = jax.random.randint(k1, (B, L), 0, VOCAB)
    t = jax.random.uniform(k2, (B,), dtype=jnp.float32)
    table = jax.random.normal(k3, (VOCAB, HID), dtype=jnp.float32)
    W1 = jax.random.normal(k4, (HID, HID), dtype=jnp.float32) * (1.0 / np.sqrt(HID))
    b1 = jnp.zeros((HID,), jnp.float32)
    W2 = jax.random.normal(k5, (HID, 1), dtype=jnp.float32) * (1.0 / np.sqrt(HID))
    b2 = jnp.zeros((1,), jnp.float32)
    return {"x": x, "t": t, "table": table, "W1": W1, "b1": b1, "W2": W2, "b2": b2}


def reference(x, t, table, W1, b1, W2, b2):
    # Bag-of-words: embedding lookup + mean pool per sample
    embed = jnp.take(table, x, axis=0)          # [B, L, H]
    bow = embed.mean(axis=1)                    # [B, H]
    # fc_hidden + relu (dropout treated as eval-mode identity)
    h = jax.nn.relu(bow @ W1 + b1)
    # fc_output -> logits [B]
    logits = (h @ W2 + b2)[:, 0]
    # BCEWithLogitsLoss (numerically stable, mean reduction)
    z = logits
    loss = jnp.mean(jnp.maximum(z, 0.0) - z * t + jnp.log1p(jnp.exp(-jnp.abs(z))))
    return (loss, logits)

if __name__ == "__main__":
    import jax
    _d = setup_inputs()
    print(jax.jit(kernel)(*tuple(_d.values())))

</pallas_src>

<mosaic_0001>
#map = affine_map<(d0, d1) -> (0, 0)>
module attributes {stable_mosaic.version = 14 : i64} {
  func.func @bow_kernel(%arg0: i32, %arg1: i32, %arg2: memref<8192x100xi32, #tpu.memory_space<hbm>>, %arg3: memref<1000000x128xf32, #tpu.memory_space<hbm>>, %arg4: memref<4096x128xf32, #tpu.memory_space<hbm>>, %arg5: memref<256x100xi32, #tpu.memory_space<vmem>>, %arg6: memref<6x100x128xf32, #tpu.memory_space<vmem>>, %arg7: memref<128x128xf32, #tpu.memory_space<vmem>>, %arg8: memref<!tpu.dma_semaphore, #tpu.memory_space<semaphore_mem>>, %arg9: memref<!tpu.dma_semaphore, #tpu.memory_space<semaphore_mem>>, %arg10: memref<!tpu.dma_semaphore, #tpu.memory_space<semaphore_mem>>, %arg11: memref<!tpu.dma_semaphore, #tpu.memory_space<semaphore_mem>>, %arg12: memref<!tpu.dma_semaphore, #tpu.memory_space<semaphore_mem>>, %arg13: memref<!tpu.dma_semaphore, #tpu.memory_space<semaphore_mem>>) attributes {dimension_semantics = [#tpu.dimension_semantics<core_parallel>, #tpu.dimension_semantics<subcore_parallel>], iteration_bounds = array<i64: 2, 16>, scalar_prefetch = 0 : i64, scratch_operands = 9 : i64, tpu.core_type = #tpu.core_type<sc_vector_subcore>, window_params = [{transform_indices = #map}, {transform_indices = #map}, {transform_indices = #map}]} {
    %mul3A = arith.constant 2 : i32
    %mul3A_0 = arith.muli %arg1, %mul3A : i32
    %add3A = arith.addi %mul3A_0, %arg0 : i32
    %mul3A_1 = arith.constant 256 : i32
    %mul3A_2 = arith.muli %add3A, %mul3A_1 : i32
    "tpu.region"() ({
      %run_scoped3A = tpu.sem_alloc : memref<!tpu.dma_semaphore, #tpu.memory_space<semaphore_mem>>
      %dma_start3A_255 = arith.constant 0 : i32
      %dma_start3A_256 = tpu.memref_slice %arg2[%mul3A_2, %dma_start3A_255] : memref<8192x100xi32, #tpu.memory_space<hbm>> -> memref<256x100xi32, #tpu.memory_space<hbm>>
      %dma_start3A_257 = arith.constant 0 : i32
      %dma_start3A_258 = tpu.memref_slice %arg2[%mul3A_2, %dma_start3A_257] : memref<8192x100xi32, #tpu.memory_space<hbm>> -> memref<256x100xi32, #tpu.memory_space<hbm>>
      tpu.enqueue_dma source(%dma_start3A_258 : memref<256x100xi32, #tpu.memory_space<hbm>>) target(%arg5 : memref<256x100xi32, #tpu.memory_space<vmem>>) target_semaphore(%run_scoped3A : memref<!tpu.dma_semaphore, #tpu.memory_space<semaphore_mem>>)
      %dma_wait3A_259 = arith.constant 0 : i32
      %dma_wait3A_260 = tpu.memref_slice %arg2[%mul3A_2, %dma_wait3A_259] : memref<8192x100xi32, #tpu.memory_space<hbm>> -> memref<256x100xi32, #tpu.memory_space<hbm>>
      %dma_wait3A_261 = arith.constant 0 : i32
      %dma_wait3A_262 = tpu.memref_slice %arg2[%mul3A_2, %dma_wait3A_261] : memref<8192x100xi32, #tpu.memory_space<hbm>> -> memref<256x100xi32, #tpu.memory_space<hbm>>
      tpu.wait_dma2 semaphore(%run_scoped3A : memref<!tpu.dma_semaphore, #tpu.memory_space<semaphore_mem>>) src(%dma_wait3A_262 : memref<256x100xi32, #tpu.memory_space<hbm>>) dst(%arg5 : memref<256x100xi32, #tpu.memory_space<vmem>>)
      tpu.yield
    }) : () -> ()
    %dma_start3A = arith.constant 0 : i32
    %dma_start3A_3 = arith.constant 0 : i32
    %dma_start3A_4 = arith.constant 0 : i32
    %dma_start3A_5 = arith.constant 0 : i32
    %dma_start3A_6 = tpu.memref_slice %arg6[%dma_start3A_3, %dma_start3A_4, %dma_start3A_5] : memref<6x100x128xf32, #tpu.memory_space<vmem>> -> memref<1x100x128xf32, #tpu.memory_space<vmem>>
    %dma_start3A_7 = tpu.memref_squeeze %dma_start3A_6 : memref<1x100x128xf32, #tpu.memory_space<vmem>> -> memref<100x128xf32, #tpu.memory_space<vmem>>
    %dma_start3A_8 = arith.constant 0 : i32
    %dma_start3A_9 = tpu.memref_slice %arg5[%dma_start3A, %dma_start3A_8] : memref<256x100xi32, #tpu.memory_space<vmem>> -> memref<1x100xi32, #tpu.memory_space<vmem>>
    %dma_start3A_10 = tpu.memref_squeeze %dma_start3A_9 : memref<1x100xi32, #tpu.memory_space<vmem>> -> memref<100xi32, #tpu.memory_space<vmem>>
    %dma_start3A_11 = arith.constant 0 : i32
    %dma_start3A_12 = arith.constant 0 : i32
    %dma_start3A_13 = tpu.memref_slice %arg3[%dma_start3A_11, %dma_start3A_12] : memref<1000000x128xf32, #tpu.memory_space<hbm>> -> memref<1000000x128xf32, #tpu.memory_space<hbm>>
    tpu.enqueue_indirect_dma source(%dma_start3A_13 : memref<1000000x128xf32, #tpu.memory_space<hbm>>) target(%dma_start3A_7 : memref<100x128xf32, #tpu.memory_space<vmem>>) offsets(%dma_start3A_10 : memref<100xi32, #tpu.memory_space<vmem>>) semaphore(%arg8 : memref<!tpu.dma_semaphore, #tpu.memory_space<semaphore_mem>>)
    %dma_start3A_14 = arith.constant 1 : i32
    %dma_start3A_15 = arith.constant 1 : i32
    %dma_start3A_16 = arith.constant 0 : i32
    %dma_start3A_17 = arith.constant 0 : i32
    %dma_start3A_18 = tpu.memref_slice %arg6[%dma_start3A_15, %dma_start3A_16, %dma_start3A_17] : memref<6x100x128xf32, #tpu.memory_space<vmem>> -> memref<1x100x128xf32, #tpu.memory_space<vmem>>
    %dma_start3A_19 = tpu.memref_squeeze %dma_start3A_18 : memref<1x100x128xf32, #tpu.memory_space<vmem>> -> memref<100x128xf32, #tpu.memory_space<vmem>>
    %dma_start3A_20 = arith.constant 0 : i32
    %dma_start3A_21 = tpu.memref_slice %arg5[%dma_start3A_14, %dma_start3A_20] : memref<256x100xi32, #tpu.memory_space<vmem>> -> memref<1x100xi32, #tpu.memory_space<vmem>>
    %dma_start3A_22 = tpu.memref_squeeze %dma_start3A_21 : memref<1x100xi32, #tpu.memory_space<vmem>> -> memref<100xi32, #tpu.memory_space<vmem>>
    %dma_start3A_23 = arith.constant 0 : i32
    %dma_start3A_24 = arith.constant 0 : i32
    %dma_start3A_25 = tpu.memref_slice %arg3[%dma_start3A_23, %dma_start3A_24] : memref<1000000x128xf32, #tpu.memory_space<hbm>> -> memref<1000000x128xf32, #tpu.memory_space<hbm>>
    tpu.enqueue_indirect_dma source(%dma_start3A_25 : memref<1000000x128xf32, #tpu.memory_space<hbm>>) target(%dma_start3A_19 : memref<100x128xf32, #tpu.memory_space<vmem>>) offsets(%dma_start3A_22 : memref<100xi32, #tpu.memory_space<vmem>>) semaphore(%arg9 : memref<!tpu.dma_semaphore, #tpu.memory_space<semaphore_mem>>)
    %dma_start3A_26 = arith.constant 2 : i32
    %dma_start3A_27 = arith.constant 2 : i32
    %dma_start3A_28 = arith.constant 0 : i32
    %dma_start3A_29 = arith.constant 0 : i32
    %dma_start3A_30 = tpu.memref_slice %arg6[%dma_start3A_27, %dma_start3A_28, %dma_start3A_29] : memref<6x100x128xf32, #tpu.memory_space<vmem>> -> memref<1x100x128xf32, #tpu.memory_space<vmem>>
    %dma_start3A_31 = tpu.memref_squeeze %dma_start3A_30 : memref<1x100x128xf32, #tpu.memory_space<vmem>> -> memref<100x128xf32, #tpu.memory_space<vmem>>
    %dma_start3A_32 = arith.constant 0 : i32
    %dma_start3A_33 = tpu.memref_slice %arg5[%dma_start3A_26, %dma_start3A_32] : memref<256x100xi32, #tpu.memory_space<vmem>> -> memref<1x100xi32, #tpu.memory_space<vmem>>
    %dma_start3A_34 = tpu.memref_squeeze %dma_start3A_33 : memref<1x100xi32, #tpu.memory_space<vmem>> -> memref<100xi32, #tpu.memory_space<vmem>>
    %dma_start3A_35 = arith.constant 0 : i32
    %dma_start3A_36 = arith.constant 0 : i32
    %dma_start3A_37 = tpu.memref_slice %arg3[%dma_start3A_35, %dma_start3A_36] : memref<1000000x128xf32, #tpu.memory_space<hbm>> -> memref<1000000x128xf32, #tpu.memory_space<hbm>>
    tpu.enqueue_indirect_dma source(%dma_start3A_37 : memref<1000000x128xf32, #tpu.memory_space<hbm>>) target(%dma_start3A_31 : memref<100x128xf32, #tpu.memory_space<vmem>>) offsets(%dma_start3A_34 : memref<100xi32, #tpu.memory_space<vmem>>) semaphore(%arg10 : memref<!tpu.dma_semaphore, #tpu.memory_space<semaphore_mem>>)
    %dma_start3A_38 = arith.constant 3 : i32
    %dma_start3A_39 = arith.constant 3 : i32
    %dma_start3A_40 = arith.constant 0 : i32
    %dma_start3A_41 = arith.constant 0 : i32
    %dma_start3A_42 = tpu.memref_slice %arg6[%dma_start3A_39, %dma_start3A_40, %dma_start3A_41] : memref<6x100x128xf32, #tpu.memory_space<vmem>> -> memref<1x100x128xf32, #tpu.memory_space<vmem>>
    %dma_start3A_43 = tpu.memref_squeeze %dma_start3A_42 : memref<1x100x128xf32, #tpu.memory_space<vmem>> -> memref<100x128xf32, #tpu.memory_space<vmem>>
    %dma_start3A_44 = arith.constant 0 : i32
    %dma_start3A_45 = tpu.memref_slice %arg5[%dma_start3A_38, %dma_start3A_44] : memref<256x100xi32, #tpu.memory_space<vmem>> -> memref<1x100xi32, #tpu.memory_space<vmem>>
    %dma_start3A_46 = tpu.memref_squeeze %dma_start3A_45 : memref<1x100xi32, #tpu.memory_space<vmem>> -> memref<100xi32, #tpu.memory_space<vmem>>
    %dma_start3A_47 = arith.constant 0 : i32
    %dma_start3A_48 = arith.constant 0 : i32
    %dma_start3A_49 = tpu.memref_slice %arg3[%dma_start3A_47, %dma_start3A_48] : memref<1000000x128xf32, #tpu.memory_space<hbm>> -> memref<1000000x128xf32, #tpu.memory_space<hbm>>
    tpu.enqueue_indirect_dma source(%dma_start3A_49 : memref<1000000x128xf32, #tpu.memory_space<hbm>>) target(%dma_start3A_43 : memref<100x128xf32, #tpu.memory_space<vmem>>) offsets(%dma_start3A_46 : memref<100xi32, #tpu.memory_space<vmem>>) semaphore(%arg11 : memref<!tpu.dma_semaphore, #tpu.memory_space<semaphore_mem>>)
    %dma_start3A_50 = arith.constant 4 : i32
    %dma_start3A_51 = arith.constant 4 : i32
    %dma_start3A_52 = arith.constant 0 : i32
    %dma_start3A_53 = arith.constant 0 : i32
    %dma_start3A_54 = tpu.memref_slice %arg6[%dma_start3A_51, %dma_start3A_52, %dma_start3A_53] : memref<6x100x128xf32, #tpu.memory_space<vmem>> -> memref<1x100x128xf32, #tpu.memory_space<vmem>>
    %dma_start3A_55 = tpu.memref_squeeze %dma_start3A_54 : memref<1x100x128xf32, #tpu.memory_space<vmem>> -> memref<100x128xf32, #tpu.memory_space<vmem>>
    %dma_start3A_56 = arith.constant 0 : i32
    %dma_start3A_57 = tpu.memref_slice %arg5[%dma_start3A_50, %dma_start3A_56] : memref<256x100xi32, #tpu.memory_space<vmem>> -> memref<1x100xi32, #tpu.memory_space<vmem>>
    %dma_start3A_58 = tpu.memref_squeeze %dma_start3A_57 : memref<1x100xi32, #tpu.memory_space<vmem>> -> memref<100xi32, #tpu.memory_space<vmem>>
    %dma_start3A_59 = arith.constant 0 : i32
    %dma_start3A_60 = arith.constant 0 : i32
    %dma_start3A_61 = tpu.memref_slice %arg3[%dma_start3A_59, %dma_start3A_60] : memref<1000000x128xf32, #tpu.memory_space<hbm>> -> memref<1000000x128xf32, #tpu.memory_space<hbm>>
    tpu.enqueue_indirect_dma source(%dma_start3A_61 : memref<1000000x128xf32, #tpu.memory_space<hbm>>) target(%dma_start3A_55 : memref<100x128xf32, #tpu.memory_space<vmem>>) offsets(%dma_start3A_58 : memref<100xi32, #tpu.memory_space<vmem>>) semaphore(%arg12 : memref<!tpu.dma_semaphore, #tpu.memory_space<semaphore_mem>>)
    %scan3A = arith.constant 0 : i32
    %scan3A_62 = arith.constant 0 : i32
    %scan3A_63 = arith.constant 42 : i32
    %scan3A_64 = arith.addi %scan3A_62, %scan3A_63 : i32
    %scan3A_65 = arith.constant 1 : i32
    %scan3A_66 = scf.for %scan3A_255 = %scan3A_62 to %scan3A_64 step %scan3A_65 iter_args(%scan3A_256 = %scan3A) -> (i32)  : i32 {
      %mul3A_257 = arith.constant 6 : i32
      %mul3A_258 = arith.muli %mul3A_257, %scan3A_255 : i32
      %add3A_259 = arith.constant 5 : i32
      %add3A_260 = arith.addi %mul3A_258, %add3A_259 : i32
      %dma_start3A_261 = arith.constant 5 : i32
      %dma_start3A_262 = arith.constant 0 : i32
      %dma_start3A_263 = arith.constant 0 : i32
      %dma_start3A_264 = tpu.memref_slice %arg6[%dma_start3A_261, %dma_start3A_262, %dma_start3A_263] : memref<6x100x128xf32, #tpu.memory_space<vmem>> -> memref<1x100x128xf32, #tpu.memory_space<vmem>>
      %dma_start3A_265 = tpu.memref_squeeze %dma_start3A_264 : memref<1x100x128xf32, #tpu.memory_space<vmem>> -> memref<100x128xf32, #tpu.memory_space<vmem>>
      %dma_start3A_266 = arith.constant 0 : i32
      %dma_start3A_267 = tpu.memref_slice %arg5[%add3A_260, %dma_start3A_266] : memref<256x100xi32, #tpu.memory_space<vmem>> -> memref<1x100xi32, #tpu.memory_space<vmem>>
      %dma_start3A_268 = tpu.memref_squeeze %dma_start3A_267 : memref<1x100xi32, #tpu.memory_space<vmem>> -> memref<100xi32, #tpu.memory_space<vmem>>
      %dma_start3A_269 = arith.constant 0 : i32
      %dma_start3A_270 = arith.constant 0 : i32
      %dma_start3A_271 = tpu.memref_slice %arg3[%dma_start3A_269, %dma_start3A_270] : memref<1000000x128xf32, #tpu.memory_space<hbm>> -> memref<1000000x128xf32, #tpu.memory_space<hbm>>
      tpu.enqueue_indirect_dma source(%dma_start3A_271 : memref<1000000x128xf32, #tpu.memory_space<hbm>>) target(%dma_start3A_265 : memref<100x128xf32, #tpu.memory_space<vmem>>) offsets(%dma_start3A_268 : memref<100xi32, #tpu.memory_space<vmem>>) semaphore(%arg13 : memref<!tpu.dma_semaphore, #tpu.memory_space<semaphore_mem>>)
      %add3A_272 = arith.constant 0 : i32
      %add3A_273 = arith.addi %mul3A_258, %add3A_272 : i32
      %dma_wait3A_274 = arith.constant 0 : i32
      %dma_wait3A_275 = arith.constant 0 : i32
      %dma_wait3A_276 = arith.constant 0 : i32
      %dma_wait3A_277 = tpu.memref_slice %arg6[%dma_wait3A_274, %dma_wait3A_275, %dma_wait3A_276] : memref<6x100x128xf32, #tpu.memory_space<vmem>> -> memref<1x100x128xf32, #tpu.memory_space<vmem>>
      %dma_wait3A_278 = tpu.memref_squeeze %dma_wait3A_277 : memref<1x100x128xf32, #tpu.memory_space<vmem>> -> memref<100x128xf32, #tpu.memory_space<vmem>>
      %dma_wait3A_279 = arith.constant 0 : i32
      %dma_wait3A_280 = tpu.memref_slice %arg5[%add3A_273, %dma_wait3A_279] : memref<256x100xi32, #tpu.memory_space<vmem>> -> memref<1x100xi32, #tpu.memory_space<vmem>>
      %dma_wait3A_281 = tpu.memref_squeeze %dma_wait3A_280 : memref<1x100xi32, #tpu.memory_space<vmem>> -> memref<100xi32, #tpu.memory_space<vmem>>
      %dma_wait3A_282 = arith.constant 0 : i32
      %dma_wait3A_283 = arith.constant 0 : i32
      %dma_wait3A_284 = tpu.memref_slice %arg3[%dma_wait3A_282, %dma_wait3A_283] : memref<1000000x128xf32, #tpu.memory_space<hbm>> -> memref<1000000x128xf32, #tpu.memory_space<hbm>>
      tpu.wait_indirect_dma semaphore(%arg8 : memref<!tpu.dma_semaphore, #tpu.memory_space<semaphore_mem>>) src(%dma_wait3A_284 : memref<1000000x128xf32, #tpu.memory_space<hbm>>) dst(%dma_wait3A_278 : memref<100x128xf32, #tpu.memory_space<vmem>>)
      %add3A_285 = arith.constant 1 : i32
      %add3A_286 = arith.addi %mul3A_258, %add3A_285 : i32
      %dma_wait3A_287 = arith.constant 1 : i32
      %dma_wait3A_288 = arith.constant 0 : i32
      %dma_wait3A_289 = arith.constant 0 : i32
      %dma_wait3A_290 = tpu.memref_slice %arg6[%dma_wait3A_287, %dma_wait3A_288, %dma_wait3A_289] : memref<6x100x128xf32, #tpu.memory_space<vmem>> -> memref<1x100x128xf32, #tpu.memory_space<vmem>>
      %dma_wait3A_291 = tpu.memref_squeeze %dma_wait3A_290 : memref<1x100x128xf32, #tpu.memory_space<vmem>> -> memref<100x128xf32, #tpu.memory_space<vmem>>
      %dma_wait3A_292 = arith.constant 0 : i32
      %dma_wait3A_293 = tpu.memref_slice %arg5[%add3A_286, %dma_wait3A_292] : memref<256x100xi32, #tpu.memory_space<vmem>> -> memref<1x100xi32, #tpu.memory_space<vmem>>
      %dma_wait3A_294 = tpu.memref_squeeze %dma_wait3A_293 : memref<1x100xi32, #tpu.memory_space<vmem>> -> memref<100xi32, #tpu.memory_space<vmem>>
      %dma_wait3A_295 = arith.constant 0 : i32
      %dma_wait3A_296 = arith.constant 0 : i32
      %dma_wait3A_297 = tpu.memref_slice %arg3[%dma_wait3A_295, %dma_wait3A_296] : memref<1000000x128xf32, #tpu.memory_space<hbm>> -> memref<1000000x128xf32, #tpu.memory_space<hbm>>
      tpu.wait_indirect_dma semaphore(%arg9 : memref<!tpu.dma_semaphore, #tpu.memory_space<semaphore_mem>>) src(%dma_wait3A_297 : memref<1000000x128xf32, #tpu.memory_space<hbm>>) dst(%dma_wait3A_291 : memref<100x128xf32, #tpu.memory_space<vmem>>)
      %broadcast_in_dim3A_298 = arith.constant 0.000000e+00 : f32
      %broadcast_in_dim3A_299 = vector.broadcast %broadcast_in_dim3A_298 : f32 to vector<16xf32>
      %broadcast_in_dim3A_300 = arith.constant 0.000000e+00 : f32
      %broadcast_in_dim3A_301 = vector.broadcast %broadcast_in_dim3A_300 : f32 to vector<16xf32>
      %broadcast_in_dim3A_302 = arith.constant 0.000000e+00 : f32
      %broadcast_in_dim3A_303 = vector.broadcast %broadcast_in_dim3A_302 : f32 to vector<16xf32>
      %broadcast_in_dim3A_304 = arith.constant 0.000000e+00 : f32
      %broadcast_in_dim3A_305 = vector.broadcast %broadcast_in_dim3A_304 : f32 to vector<16xf32>
      %broadcast_in_dim3A_306 = arith.constant 0.000000e+00 : f32
      %broadcast_in_dim3A_307 = vector.broadcast %broadcast_in_dim3A_306 : f32 to vector<16xf32>
      %broadcast_in_dim3A_308 = arith.constant 0.000000e+00 : f32
      %broadcast_in_dim3A_309 = vector.broadcast %broadcast_in_dim3A_308 : f32 to vector<16xf32>
      %broadcast_in_dim3A_310 = arith.constant 0.000000e+00 : f32
      %broadcast_in_dim3A_311 = vector.broadcast %broadcast_in_dim3A_310 : f32 to vector<16xf32>
      %broadcast_in_dim3A_312 = arith.constant 0.000000e+00 : f32
      %broadcast_in_dim3A_313 = vector.broadcast %broadcast_in_dim3A_312 : f32 to vector<16xf32>
      %scan3A_314 = arith.constant 0 : i32
      %scan3A_315 = arith.constant 100 : i32
      %scan3A_316 = arith.addi %scan3A_314, %scan3A_315 : i32
      %scan3A_317 = arith.constant 2 : i32
      %scan3A_318:8 = scf.for %scan3A_591 = %scan3A_314 to %scan3A_316 step %scan3A_317 iter_args(%scan3A_592 = %broadcast_in_dim3A_299, %scan3A_593 = %broadcast_in_dim3A_301, %scan3A_594 = %broadcast_in_dim3A_303, %scan3A_595 = %broadcast_in_dim3A_305, %scan3A_596 = %broadcast_in_dim3A_307, %scan3A_597 = %broadcast_in_dim3A_309, %scan3A_598 = %broadcast_in_dim3A_311, %scan3A_599 = %broadcast_in_dim3A_313) -> (vector<16xf32>, vector<16xf32>, vector<16xf32>, vector<16xf32>, vector<16xf32>, vector<16xf32>, vector<16xf32>, vector<16xf32>)  : i32 {
        %get3A = arith.constant 0 : i32
        %get3A_600 = arith.index_cast %get3A : i32 to index
        %get3A_601 = arith.index_cast %scan3A_591 : i32 to index
        %get3A_602 = arith.constant 0 : index
        %get3A_603 = tpu.vector_load %arg6[%get3A_600, %get3A_601, %get3A_602] {strides = array<i32>} : memref<6x100x128xf32, #tpu.memory_space<vmem>>, vector<1x1x16xf32>,
        %get3A_604 = vector.shape_cast %get3A_603 : vector<1x1x16xf32> to vector<16xf32>
        %add3A_605 = arith.addf %scan3A_592, %get3A_604 : vector<16xf32>
        %get3A_606 = arith.constant 0 : i32
        %get3A_607 = arith.index_cast %get3A_606 : i32 to index
        %get3A_608 = arith.index_cast %scan3A_591 : i32 to index
        %get3A_609 = arith.constant 16 : index
        %get3A_610 = tpu.vector_load %arg6[%get3A_607, %get3A_608, %get3A_609] {strides = array<i32>} : memref<6x100x128xf32, #tpu.memory_space<vmem>>, vector<1x1x16xf32>,
        %get3A_611 = vector.shape_cast %get3A_610 : vector<1x1x16xf32> to vector<16xf32>
        %add3A_612 = arith.addf %scan3A_593, %get3A_611 : vector<16xf32>
        %get3A_613 = arith.constant 0 : i32
        %get3A_614 = arith.index_cast %get3A_613 : i32 to index
        %get3A_615 = arith.index_cast %scan3A_591 : i32 to index
        %get3A_616 = arith.constant 32 : index
        %get3A_617 = tpu.vector_load %arg6[%get3A_614, %get3A_615, %get3A_616] {strides = array<i32>} : memref<6x100x128xf32, #tpu.memory_space<vmem>>, vector<1x1x16xf32>,
        %get3A_618 = vector.shape_cast %get3A_617 : vector<1x1x16xf32> to vector<16xf32>
        %add3A_619 = arith.addf %scan3A_594, %get3A_618 : vector<16xf32>
        %get3A_620 = arith.constant 0 : i32
        %get3A_621 = arith.index_cast %get3A_620 : i32 to index
        %get3A_622 = arith.index_cast %scan3A_591 : i32 to index
        %get3A_623 = arith.constant 48 : index
        %get3A_624 = tpu.vector_load %arg6[%get3A_621, %get3A_622, %get3A_623] {strides = array<i32>} : memref<6x100x128xf32, #tpu.memory_space<vmem>>, vector<1x1x16xf32>,
        %get3A_625 = vector.shape_cast %get3A_624 : vector<1x1x16xf32> to vector<16xf32>
        %add3A_626 = arith.addf %scan3A_595, %get3A_625 : vector<16xf32>
        %get3A_627 = arith.constant 0 : i32
        %get3A_628 = arith.index_cast %get3A_627 : i32 to index
        %get3A_629 = arith.index_cast %scan3A_591 : i32 to index
        %get3A_630 = arith.constant 64 : index
        %get3A_631 = tpu.vector_load %arg6[%get3A_628, %get3A_629, %get3A_630] {strides = array<i32>} : memref<6x100x128xf32, #tpu.memory_space<vmem>>, vector<1x1x16xf32>,
        %get3A_632 = vector.shape_cast %get3A_631 : vector<1x1x16xf32> to vector<16xf32>
        %add3A_633 = arith.addf %scan3A_596, %get3A_632 : vector<16xf32>
        %get3A_634 = arith.constant 0 : i32
        %get3A_635 = arith.index_cast %get3A_634 : i32 to index
        %get3A_636 = arith.index_cast %scan3A_591 : i32 to index
        %get3A_637 = arith.constant 80 : index
        %get3A_638 = tpu.vector_load %arg6[%get3A_635, %get3A_636, %get3A_637] {strides = array<i32>} : memref<6x100x128xf32, #tpu.memory_space<vmem>>, vector<1x1x16xf32>,
        %get3A_639 = vector.shape_cast %get3A_638 : vector<1x1x16xf32> to vector<16xf32>
        %add3A_640 = arith.addf %scan3A_597, %get3A_639 : vector<16xf32>
        %get3A_641 = arith.constant 0 : i32
        %get3A_642 = arith.index_cast %get3A_641 : i32 to index
        %get3A_643 = arith.index_cast %scan3A_591 : i32 to index
        %get3A_644 = arith.constant 96 : index
        %get3A_645 = tpu.vector_load %arg6[%get3A_642, %get3A_643, %get3A_644] {strides = array<i32>} : memref<6x100x128xf32, #tpu.memory_space<vmem>>, vector<1x1x16xf32>,
        %get3A_646 = vector.shape_cast %get3A_645 : vector<1x1x16xf32> to vector<16xf32>
        %add3A_647 = arith.addf %scan3A_598, %get3A_646 : vector<16xf32>
        %get3A_648 = arith.constant 0 : i32
        %get3A_649 = arith.index_cast %get3A_648 : i32 to index
        %get3A_650 = arith.index_cast %scan3A_591 : i32 to index
        %get3A_651 = arith.constant 112 : index
        %get3A_652 = tpu.vector_load %arg6[%get3A_649, %get3A_650, %get3A_651] {strides = array<i32>} : memref<6x100x128xf32, #tpu.memory_space<vmem>>, vector<1x1x16xf32>,
        %get3A_653 = vector.shape_cast %get3A_652 : vector<1x1x16xf32> to vector<16xf32>
        %add3A_654 = arith.addf %scan3A_599, %get3A_653 : vector<16xf32>
        %get3A_655 = arith.constant 1 : i32
        %get3A_656 = arith.index_cast %get3A_655 : i32 to index
        %get3A_657 = arith.index_cast %scan3A_591 : i32 to index
        %get3A_658 = arith.constant 0 : index
        %get3A_659 = tpu.vector_load %arg6[%get3A_656, %get3A_657, %get3A_658] {strides = array<i32>} : memref<6x100x128xf32, #tpu.memory_space<vmem>>, vector<1x1x16xf32>,
        %get3A_660 = vector.shape_cast %get3A_659 : vector<1x1x16xf32> to vector<16xf32>
        %add3A_661 = arith.addf %add3A_605, %get3A_660 : vector<16xf32>
        %get3A_662 = arith.constant 1 : i32
        %get3A_663 = arith.index_cast %get3A_662 : i32 to index
        %get3A_664 = arith.index_cast %scan3A_591 : i32 to index
        %get3A_665 = arith.constant 16 : index
        %get3A_666 = tpu.vector_load %arg6[%get3A_663, %get3A_664, %get3A_665] {strides = array<i32>} : memref<6x100x128xf32, #tpu.memory_space<vmem>>, vector<1x1x16xf32>,
        %get3A_667 = vector.shape_cast %get3A_666 : vector<1x1x16xf32> to vector<16xf32>
        %add3A_668 = arith.addf %add3A_612, %get3A_667 : vector<16xf32>
        %get3A_669 = arith.constant 1 : i32
        %get3A_670 = arith.index_cast %get3A_669 : i32 to index
        %get3A_671 = arith.index_cast %scan3A_591 : i32 to index
        %get3A_672 = arith.constant 32 : index
        %get3A_673 = tpu.vector_load %arg6[%get3A_670, %get3A_671, %get3A_672] {strides = array<i32>} : memref<6x100x128xf32, #tpu.memory_space<vmem>>, vector<1x1x16xf32>,
        %get3A_674 = vector.shape_cast %get3A_673 : vector<1x1x16xf32> to vector<16xf32>
        %add3A_675 = arith.addf %add3A_619, %get3A_674 : vector<16xf32>
        %get3A_676 = arith.constant 1 : i32
        %get3A_677 = arith.index_cast %get3A_676 : i32 to index
        %get3A_678 = arith.index_cast %scan3A_591 : i32 to index
        %get3A_679 = arith.constant 48 : index
        %get3A_680 = tpu.vector_load %arg6[%get3A_677, %get3A_678, %get3A_679] {strides = array<i32>} : memref<6x100x128xf32, #tpu.memory_space<vmem>>, vector<1x1x16xf32>,
        %get3A_681 = vector.shape_cast %get3A_680 : vector<1x1x16xf32> to vector<16xf32>
        %add3A_682 = arith.addf %add3A_626, %get3A_681 : vector<16xf32>
        %get3A_683 = arith.constant 1 : i32
        %get3A_684 = arith.index_cast %get3A_683 : i32 to index
        %get3A_685 = arith.index_cast %scan3A_591 : i32 to index
        %get3A_686 = arith.constant 64 : index
        %get3A_687 = tpu.vector_load %arg6[%get3A_684, %get3A_685, %get3A_686] {strides = array<i32>} : memref<6x100x128xf32, #tpu.memory_space<vmem>>, vector<1x1x16xf32>,
        %get3A_688 = vector.shape_cast %get3A_687 : vector<1x1x16xf32> to vector<16xf32>
        %add3A_689 = arith.addf %add3A_633, %get3A_688 : vector<16xf32>
        %get3A_690 = arith.constant 1 : i32
        %get3A_691 = arith.index_cast %get3A_690 : i32 to index
        %get3A_692 = arith.index_cast %scan3A_591 : i32 to index
        %get3A_693 = arith.constant 80 : index
        %get3A_694 = tpu.vector_load %arg6[%get3A_691, %get3A_692, %get3A_693] {strides = array<i32>} : memref<6x100x128xf32, #tpu.memory_space<vmem>>, vector<1x1x16xf32>,
        %get3A_695 = vector.shape_cast %get3A_694 : vector<1x1x16xf32> to vector<16xf32>
        %add3A_696 = arith.addf %add3A_640, %get3A_695 : vector<16xf32>
        %get3A_697 = arith.constant 1 : i32
        %get3A_698 = arith.index_cast %get3A_697 : i32 to index
        %get3A_699 = arith.index_cast %scan3A_591 : i32 to index
        %get3A_700 = arith.constant 96 : index
        %get3A_701 = tpu.vector_load %arg6[%get3A_698, %get3A_699, %get3A_700] {strides = array<i32>} : memref<6x100x128xf32, #tpu.memory_space<vmem>>, vector<1x1x16xf32>,
        %get3A_702 = vector.shape_cast %get3A_701 : vector<1x1x16xf32> to vector<16xf32>
        %add3A_703 = arith.addf %add3A_647, %get3A_702 : vector<16xf32>
        %get3A_704 = arith.constant 1 : i32
        %get3A_705 = arith.index_cast %get3A_704 : i32 to index
        %get3A_706 = arith.index_cast %scan3A_591 : i32 to index
        %get3A_707 = arith.constant 112 : index
        %get3A_708 = tpu.vector_load %arg6[%get3A_705, %get3A_706, %get3A_707] {strides = array<i32>} : memref<6x100x128xf32, #tpu.memory_space<vmem>>, vector<1x1x16xf32>,
        %get3A_709 = vector.shape_cast %get3A_708 : vector<1x1x16xf32> to vector<16xf32>
        %add3A_710 = arith.addf %add3A_654, %get3A_709 : vector<16xf32>
        %scan3A_711 = arith.constant 1 : i32
        %scan3A_712 = arith.addi %scan3A_591, %scan3A_711 : i32
        %get3A_713 = arith.constant 0 : i32
        %get3A_714 = arith.index_cast %get3A_713 : i32 to index
        %get3A_715 = arith.index_cast %scan3A_712 : i32 to index
        %get3A_716 = arith.constant 0 : index
        %get3A_717 = tpu.vector_load %arg6[%get3A_714, %get3A_715, %get3A_716] {strides = array<i32>} : memref<6x100x128xf32, #tpu.memory_space<vmem>>, vector<1x1x16xf32>,
        %get3A_718 = vector.shape_cast %get3A_717 : vector<1x1x16xf32> to vector<16xf32>
        %add3A_719 = arith.addf %add3A_661, %get3A_718 : vector<16xf32>
        %get3A_720 = arith.constant 0 : i32
        %get3A_721 = arith.index_cast %get3A_720 : i32 to index
        %get3A_722 = arith.index_cast %scan3A_712 : i32 to index
        %get3A_723 = arith.constant 16 : index
        %get3A_724 = tpu.vector_load %arg6[%get3A_721, %get3A_722, %get3A_723] {strides = array<i32>} : memref<6x100x128xf32, #tpu.memory_space<vmem>>, vector<1x1x16xf32>,
        %get3A_725 = vector.shape_cast %get3A_724 : vector<1x1x16xf32> to vector<16xf32>
        %add3A_726 = arith.addf %add3A_668, %get3A_725 : vector<16xf32>
        %get3A_727 = arith.constant 0 : i32
        %get3A_728 = arith.index_cast %get3A_727 : i32 to index
        %get3A_729 = arith.index_cast %scan3A_712 : i32 to index
        %get3A_730 = arith.constant 32 : index
        %get3A_731 = tpu.vector_load %arg6[%get3A_728, %get3A_729, %get3A_730] {strides = array<i32>} : memref<6x100x128xf32, #tpu.memory_space<vmem>>, vector<1x1x16xf32>,
        %get3A_732 = vector.shape_cast %get3A_731 : vector<1x1x16xf32> to vector<16xf32>
        %add3A_733 = arith.addf %add3A_675, %get3A_732 : vector<16xf32>
        %get3A_734 = arith.constant 0 : i32
        %get3A_735 = arith.index_cast %get3A_734 : i32 to index
        %get3A_736 = arith.index_cast %scan3A_712 : i32 to index
        %get3A_737 = arith.constant 48 : index
        %get3A_738 = tpu.vector_load %arg6[%get3A_735, %get3A_736, %get3A_737] {strides = array<i32>} : memref<6x100x128xf32, #tpu.memory_space<vmem>>, vector<1x1x16xf32>,
        %get3A_739 = vector.shape_cast %get3A_738 : vector<1x1x16xf32> to vector<16xf32>
        %add3A_740 = arith.addf %add3A_682, %get3A_739 : vector<16xf32>
        %get3A_741 = arith.constant 0 : i32
        %get3A_742 = arith.index_cast %get3A_741 : i32 to index
        %get3A_743 = arith.index_cast %scan3A_712 : i32 to index
        %get3A_744 = arith.constant 64 : index
        %get3A_745 = tpu.vector_load %arg6[%get3A_742, %get3A_743, %get3A_744] {strides = array<i32>} : memref<6x100x128xf32, #tpu.memory_space<vmem>>, vector<1x1x16xf32>,
        %get3A_746 = vector.shape_cast %get3A_745 : vector<1x1x16xf32> to vector<16xf32>
        %add3A_747 = arith.addf %add3A_689, %get3A_746 : vector<16xf32>
        %get3A_748 = arith.constant 0 : i32
        %get3A_749 = arith.index_cast %get3A_748 : i32 to index
        %get3A_750 = arith.index_cast %scan3A_712 : i32 to index
        %get3A_751 = arith.constant 80 : index
        %get3A_752 = tpu.vector_load %arg6[%get3A_749, %get3A_750, %get3A_751] {strides = array<i32>} : memref<6x100x128xf32, #tpu.memory_space<vmem>>, vector<1x1x16xf32>,
        %get3A_753 = vector.shape_cast %get3A_752 : vector<1x1x16xf32> to vector<16xf32>
        %add3A_754 = arith.addf %add3A_696, %get3A_753 : vector<16xf32>
        %get3A_755 = arith.constant 0 : i32
        %get3A_756 = arith.index_cast %get3A_755 : i32 to index
        %get3A_757 = arith.index_cast %scan3A_712 : i32 to index
        %get3A_758 = arith.constant 96 : index
        %get3A_759 = tpu.vector_load %arg6[%get3A_756, %get3A_757, %get3A_758] {strides = array<i32>} : memref<6x100x128xf32, #tpu.memory_space<vmem>>, vector<1x1x16xf32>,
        %get3A_760 = vector.shape_cast %get3A_759 : vector<1x1x16xf32> to vector<16xf32>
        %add3A_761 = arith.addf %add3A_703, %get3A_760 : vector<16xf32>
        %get3A_762 = arith.constant 0 : i32
        %get3A_763 = arith.index_cast %get3A_762 : i32 to index
        %get3A_764 = arith.index_cast %scan3A_712 : i32 to index
        %get3A_765 = arith.constant 112 : index
        %get3A_766 = tpu.vector_load %arg6[%get3A_763, %get3A_764, %get3A_765] {strides = array<i32>} : memref<6x100x128xf32, #tpu.memory_space<vmem>>, vector<1x1x16xf32>,
        %get3A_767 = vector.shape_cast %get3A_766 : vector<1x1x16xf32> to vector<16xf32>
        %add3A_768 = arith.addf %add3A_710, %get3A_767 : vector<16xf32>
        %get3A_769 = arith.constant 1 : i32
        %get3A_770 = arith.index_cast %get3A_769 : i32 to index
        %get3A_771 = arith.index_cast %scan3A_712 : i32 to index
        %get3A_772 = arith.constant 0 : index
        %get3A_773 = tpu.vector_load %arg6[%get3A_770, %get3A_771, %get3A_772] {strides = array<i32>} : memref<6x100x128xf32, #tpu.memory_space<vmem>>, vector<1x1x16xf32>,
        %get3A_774 = vector.shape_cast %get3A_773 : vector<1x1x16xf32> to vector<16xf32>
        %add3A_775 = arith.addf %add3A_719, %get3A_774 : vector<16xf32>
        %get3A_776 = arith.constant 1 : i32
        %get3A_777 = arith.index_cast %get3A_776 : i32 to index
        %get3A_778 = arith.index_cast %scan3A_712 : i32 to index
        %get3A_779 = arith.constant 16 : index
        %get3A_780 = tpu.vector_load %arg6[%get3A_777, %get3A_778, %get3A_779] {strides = array<i32>} : memref<6x100x128xf32, #tpu.memory_space<vmem>>, vector<1x1x16xf32>,
        %get3A_781 = vector.shape_cast %get3A_780 : vector<1x1x16xf32> to vector<16xf32>
        %add3A_782 = arith.addf %add3A_726, %get3A_781 : vector<16xf32>
        %get3A_783 = arith.constant 1 : i32
        %get3A_784 = arith.index_cast %get3A_783 : i32 to index
        %get3A_785 = arith.index_cast %scan3A_712 : i32 to index
        %get3A_786 = arith.constant 32 : index
        %get3A_787 = tpu.vector_load %arg6[%get3A_784, %get3A_785, %get3A_786] {strides = array<i32>} : memref<6x100x128xf32, #tpu.memory_space<vmem>>, vector<1x1x16xf32>,
        %get3A_788 = vector.shape_cast %get3A_787 : vector<1x1x16xf32> to vector<16xf32>
        %add3A_789 = arith.addf %add3A_733, %get3A_788 : vector<16xf32>
        %get3A_790 = arith.constant 1 : i32
        %get3A_791 = arith.index_cast %get3A_790 : i32 to index
        %get3A_792 = arith.index_cast %scan3A_712 : i32 to index
        %get3A_793 = arith.constant 48 : index
        %get3A_794 = tpu.vector_load %arg6[%get3A_791, %get3A_792, %get3A_793] {strides = array<i32>} : memref<6x100x128xf32, #tpu.memory_space<vmem>>, vector<1x1x16xf32>,
        %get3A_795 = vector.shape_cast %get3A_794 : vector<1x1x16xf32> to vector<16xf32>
        %add3A_796 = arith.addf %add3A_740, %get3A_795 : vector<16xf32>
        %get3A_797 = arith.constant 1 : i32
        %get3A_798 = arith.index_cast %get3A_797 : i32 to index
        %get3A_799 = arith.index_cast %scan3A_712 : i32 to index
        %get3A_800 = arith.constant 64 : index
        %get3A_801 = tpu.vector_load %arg6[%get3A_798, %get3A_799, %get3A_800] {strides = array<i32>} : memref<6x100x128xf32, #tpu.memory_space<vmem>>, vector<1x1x16xf32>,
        %get3A_802 = vector.shape_cast %get3A_801 : vector<1x1x16xf32> to vector<16xf32>
        %add3A_803 = arith.addf %add3A_747, %get3A_802 : vector<16xf32>
        %get3A_804 = arith.constant 1 : i32
        %get3A_805 = arith.index_cast %get3A_804 : i32 to index
        %get3A_806 = arith.index_cast %scan3A_712 : i32 to index
        %get3A_807 = arith.constant 80 : index
        %get3A_808 = tpu.vector_load %arg6[%get3A_805, %get3A_806, %get3A_807] {strides = array<i32>} : memref<6x100x128xf32, #tpu.memory_space<vmem>>, vector<1x1x16xf32>,
        %get3A_809 = vector.shape_cast %get3A_808 : vector<1x1x16xf32> to vector<16xf32>
        %add3A_810 = arith.addf %add3A_754, %get3A_809 : vector<16xf32>
        %get3A_811 = arith.constant 1 : i32
        %get3A_812 = arith.index_cast %get3A_811 : i32 to index
        %get3A_813 = arith.index_cast %scan3A_712 : i32 to index
        %get3A_814 = arith.constant 96 : index
        %get3A_815 = tpu.vector_load %arg6[%get3A_812, %get3A_813, %get3A_814] {strides = array<i32>} : memref<6x100x128xf32, #tpu.memory_space<vmem>>, vector<1x1x16xf32>,
        %get3A_816 = vector.shape_cast %get3A_815 : vector<1x1x16xf32> to vector<16xf32>
        %add3A_817 = arith.addf %add3A_761, %get3A_816 : vector<16xf32>
        %get3A_818 = arith.constant 1 : i32
        %get3A_819 = arith.index_cast %get3A_818 : i32 to index
        %get3A_820 = arith.index_cast %scan3A_712 : i32 to index
        %get3A_821 = arith.constant 112 : index
        %get3A_822 = tpu.vector_load %arg6[%get3A_819, %get3A_820, %get3A_821] {strides = array<i32>} : memref<6x100x128xf32, #tpu.memory_space<vmem>>, vector<1x1x16xf32>,
        %get3A_823 = vector.shape_cast %get3A_822 : vector<1x1x16xf32> to vector<16xf32>
        %add3A_824 = arith.addf %add3A_768, %get3A_823 : vector<16xf32>
        scf.yield %add3A_775, %add3A_782, %add3A_789, %add3A_796, %add3A_803, %add3A_810, %add3A_817, %add3A_824 : vector<16xf32>, vector<16xf32>, vector<16xf32>, vector<16xf32>, vector<16xf32>, vector<16xf32>, vector<16xf32>, vector<16xf32>
      }
      %scan3A_319 = arith.constant 100 : i32
      %mul3A_320 = arith.constant 3 : i32
      %mul3A_321 = arith.muli %mul3A_320, %scan3A_255 : i32
      %add3A_322 = arith.constant 0 : i32
      %add3A_323 = arith.addi %mul3A_321, %add3A_322 : i32
      %swap3A_324 = arith.index_cast %add3A_323 : i32 to index
      %swap3A_325 = arith.constant 0 : index
      %swap3A_326 = tpu.vector_load %arg7[%swap3A_324, %swap3A_325] {strides = array<i32>} : memref<128x128xf32, #tpu.memory_space<vmem>>, vector<1x16xf32>,
      %swap3A_327 = vector.shape_cast %swap3A_326 : vector<1x16xf32> to vector<16xf32>
      %swap3A_328 = vector.shape_cast %scan3A_318#0 : vector<16xf32> to vector<1x16xf32>
      tpu.vector_store %arg7[%swap3A_324, %swap3A_325], %swap3A_328 {strides = array<i32>} : memref<128x128xf32, #tpu.memory_space<vmem>>, vector<1x16xf32>,
      %swap3A_329 = arith.index_cast %add3A_323 : i32 to index
      %swap3A_330 = arith.constant 16 : index
      %swap3A_331 = tpu.vector_load %arg7[%swap3A_329, %swap3A_330] {strides = array<i32>} : memref<128x128xf32, #tpu.memory_space<vmem>>, vector<1x16xf32>,
      %swap3A_332 = vector.shape_cast %swap3A_331 : vector<1x16xf32> to vector<16xf32>
      %swap3A_333 = vector.shape_cast %scan3A_318#1 : vector<16xf32> to vector<1x16xf32>
      tpu.vector_store %arg7[%swap3A_329, %swap3A_330], %swap3A_333 {strides = array<i32>} : memref<128x128xf32, #tpu.memory_space<vmem>>, vector<1x16xf32>,
      %swap3A_334 = arith.index_cast %add3A_323 : i32 to index
      %swap3A_335 = arith.constant 32 : index
      %swap3A_336 = tpu.vector_load %arg7[%swap3A_334, %swap3A_335] {strides = array<i32>} : memref<128x128xf32, #tpu.memory_space<vmem>>, vector<1x16xf32>,
      %swap3A_337 = vector.shape_cast %swap3A_336 : vector<1x16xf32> to vector<16xf32>
      %swap3A_338 = vector.shape_cast %scan3A_318#2 : vector<16xf32> to vector<1x16xf32>
      tpu.vector_store %arg7[%swap3A_334, %swap3A_335], %swap3A_338 {strides = array<i32>} : memref<128x128xf32, #tpu.memory_space<vmem>>, vector<1x16xf32>,
      %swap3A_339 = arith.index_cast %add3A_323 : i32 to index
      %swap3A_340 = arith.constant 48 : index
      %swap3A_341 = tpu.vector_load %arg7[%swap3A_339, %swap3A_340] {strides = array<i32>} : memref<128x128xf32, #tpu.memory_space<vmem>>, vector<1x16xf32>,
      %swap3A_342 = vector.shape_cast %swap3A_341 : vector<1x16xf32> to vector<16xf32>
      %swap3A_343 = vector.shape_cast %scan3A_318#3 : vector<16xf32> to vector<1x16xf32>
      tpu.vector_store %arg7[%swap3A_339, %swap3A_340], %swap3A_343 {strides = array<i32>} : memref<128x128xf32, #tpu.memory_space<vmem>>, vector<1x16xf32>,
      %swap3A_344 = arith.index_cast %add3A_323 : i32 to index
      %swap3A_345 = arith.constant 64 : index
      %swap3A_346 = tpu.vector_load %arg7[%swap3A_344, %swap3A_345] {strides = array<i32>} : memref<128x128xf32, #tpu.memory_space<vmem>>, vector<1x16xf32>,
      %swap3A_347 = vector.shape_cast %swap3A_346 : vector<1x16xf32> to vector<16xf32>
      %swap3A_348 = vector.shape_cast %scan3A_318#4 : vector<16xf32> to vector<1x16xf32>
      tpu.vector_store %arg7[%swap3A_344, %swap3A_345], %swap3A_348 {strides = array<i32>} : memref<128x128xf32, #tpu.memory_space<vmem>>, vector<1x16xf32>,
      %swap3A_349 = arith.index_cast %add3A_323 : i32 to index
      %swap3A_350 = arith.constant 80 : index
      %swap3A_351 = tpu.vector_load %arg7[%swap3A_349, %swap3A_350] {strides = array<i32>} : memref<128x128xf32, #tpu.memory_space<vmem>>, vector<1x16xf32>,
      %swap3A_352 = vector.shape_cast %swap3A_351 : vector<1x16xf32> to vector<16xf32>
      %swap3A_353 = vector.shape_cast %scan3A_318#5 : vector<16xf32> to vector<1x16xf32>
      tpu.vector_store %arg7[%swap3A_349, %swap3A_350], %swap3A_353 {strides = array<i32>} : memref<128x128xf32, #tpu.memory_space<vmem>>, vector<1x16xf32>,
      %swap3A_354 = arith.index_cast %add3A_323 : i32 to index
      %swap3A_355 = arith.constant 96 : index
      %swap3A_356 = tpu.vector_load %arg7[%swap3A_354, %swap3A_355] {strides = array<i32>} : memref<128x128xf32, #tpu.memory_space<vmem>>, vector<1x16xf32>,
      %swap3A_357 = vector.shape_cast %swap3A_356 : vector<1x16xf32> to vector<16xf32>
      %swap3A_358 = vector.shape_cast %scan3A_318#6 : vector<16xf32> to vector<1x16xf32>
      tpu.vector_store %arg7[%swap3A_354, %swap3A_355], %swap3A_358 {strides = array<i32>} : memref<128x128xf32, #tpu.memory_space<vmem>>, vector<1x16xf32>,
      %swap3A_359 = arith.index_cast %add3A_323 : i32 to index
      %swap3A_360 = arith.constant 112 : index
      %swap3A_361 = tpu.vector_load %arg7[%swap3A_359, %swap3A_360] {strides = array<i32>} : memref<128x128xf32, #tpu.memory_space<vmem>>, vector<1x16xf32>,
      %swap3A_362 = vector.shape_cast %swap3A_361 : vector<1x16xf32> to vector<16xf32>
      %swap3A_363 = vector.shape_cast %scan3A_318#7 : vector<16xf32> to vector<1x16xf32>
      tpu.vector_store %arg7[%swap3A_359, %swap3A_360], %swap3A_363 {strides = array<i32>} : memref<128x128xf32, #tpu.memory_space<vmem>>, vector<1x16xf32>,
      %add3A_364 = arith.constant 6 : i32
      %add3A_365 = arith.addi %mul3A_258, %add3A_364 : i32
      %add3A_366 = arith.constant 0 : i32
      %add3A_367 = arith.addi %add3A_365, %add3A_366 : i32
      %lt3A = arith.constant 256 : i32
      %lt3A_368 = arith.cmpi slt, %add3A_367, %lt3A : i32
      %convert_element_type3A = arith.extui %lt3A_368 : i1 to i32
      %cond3A = arith.constant 0 : i32
      %cond3A_369 = arith.cmpi ne, %convert_element_type3A, %cond3A : i32
      scf.if %cond3A_369 {
        %add3A_591 = arith.constant 6 : i32
        %add3A_592 = arith.addi %mul3A_258, %add3A_591 : i32
        %add3A_593 = arith.constant 0 : i32
        %add3A_594 = arith.addi %add3A_592, %add3A_593 : i32
        %dma_start3A_595 = arith.constant 0 : i32
        %dma_start3A_596 = arith.constant 0 : i32
        %dma_start3A_597 = arith.constant 0 : i32
        %dma_start3A_598 = tpu.memref_slice %arg6[%dma_start3A_595, %dma_start3A_596, %dma_start3A_597] : memref<6x100x128xf32, #tpu.memory_space<vmem>> -> memref<1x100x128xf32, #tpu.memory_space<vmem>>
        %dma_start3A_599 = tpu.memref_squeeze %dma_start3A_598 : memref<1x100x128xf32, #tpu.memory_space<vmem>> -> memref<100x128xf32, #tpu.memory_space<vmem>>
        %dma_start3A_600 = arith.constant 0 : i32
        %dma_start3A_601 = tpu.memref_slice %arg5[%add3A_594, %dma_start3A_600] : memref<256x100xi32, #tpu.memory_space<vmem>> -> memref<1x100xi32, #tpu.memory_space<vmem>>
        %dma_start3A_602 = tpu.memref_squeeze %dma_start3A_601 : memref<1x100xi32, #tpu.memory_space<vmem>> -> memref<100xi32, #tpu.memory_space<vmem>>
        %dma_start3A_603 = arith.constant 0 : i32
        %dma_start3A_604 = arith.constant 0 : i32
        %dma_start3A_605 = tpu.memref_slice %arg3[%dma_start3A_603, %dma_start3A_604] : memref<1000000x128xf32, #tpu.memory_space<hbm>> -> memref<1000000x128xf32, #tpu.memory_space<hbm>>
        tpu.enqueue_indirect_dma source(%dma_start3A_605 : memref<1000000x128xf32, #tpu.memory_space<hbm>>) target(%dma_start3A_599 : memref<100x128xf32, #tpu.memory_space<vmem>>) offsets(%dma_start3A_602 : memref<100xi32, #tpu.memory_space<vmem>>) semaphore(%arg8 : memref<!tpu.dma_semaphore, #tpu.memory_space<semaphore_mem>>)
      } else {
      }
      %add3A_370 = arith.constant 6 : i32
      %add3A_371 = arith.addi %mul3A_258, %add3A_370 : i32
      %add3A_372 = arith.constant 1 : i32
      %add3A_373 = arith.addi %add3A_371, %add3A_372 : i32
      %lt3A_374 = arith.constant 256 : i32
      %lt3A_375 = arith.cmpi slt, %add3A_373, %lt3A_374 : i32
      %convert_element_type3A_376 = arith.extui %lt3A_375 : i1 to i32
      %cond3A_377 = arith.constant 0 : i32
      %cond3A_378 = arith.cmpi ne, %convert_element_type3A_376, %cond3A_377 : i32
      scf.if %cond3A_378 {
        %add3A_591 = arith.constant 6 : i32
        %add3A_592 = arith.addi %mul3A_258, %add3A_591 : i32
        %add3A_593 = arith.constant 1 : i32
        %add3A_594 = arith.addi %add3A_592, %add3A_593 : i32
        %dma_start3A_595 = arith.constant 1 : i32
        %dma_start3A_596 = arith.constant 0 : i32
        %dma_start3A_597 = arith.constant 0 : i32
        %dma_start3A_598 = tpu.memref_slice %arg6[%dma_start3A_595, %dma_start3A_596, %dma_start3A_597] : memref<6x100x128xf32, #tpu.memory_space<vmem>> -> memref<1x100x128xf32, #tpu.memory_space<vmem>>
        %dma_start3A_599 = tpu.memref_squeeze %dma_start3A_598 : memref<1x100x128xf32, #tpu.memory_space<vmem>> -> memref<100x128xf32, #tpu.memory_space<vmem>>
        %dma_start3A_600 = arith.constant 0 : i32
        %dma_start3A_601 = tpu.memref_slice %arg5[%add3A_594, %dma_start3A_600] : memref<256x100xi32, #tpu.memory_space<vmem>> -> memref<1x100xi32, #tpu.memory_space<vmem>>
        %dma_start3A_602 = tpu.memref_squeeze %dma_start3A_601 : memref<1x100xi32, #tpu.memory_space<vmem>> -> memref<100xi32, #tpu.memory_space<vmem>>
        %dma_start3A_603 = arith.constant 0 : i32
        %dma_start3A_604 = arith.constant 0 : i32
        %dma_start3A_605 = tpu.memref_slice %arg3[%dma_start3A_603, %dma_start3A_604] : memref<1000000x128xf32, #tpu.memory_space<hbm>> -> memref<1000000x128xf32, #tpu.memory_space<hbm>>
        tpu.enqueue_indirect_dma source(%dma_start3A_605 : memref<1000000x128xf32, #tpu.memory_space<hbm>>) target(%dma_start3A_599 : memref<100x128xf32, #tpu.memory_space<vmem>>) offsets(%dma_start3A_602 : memref<100xi32, #tpu.memory_space<vmem>>) semaphore(%arg9 : memref<!tpu.dma_semaphore, #tpu.memory_space<semaphore_mem>>)
      } else {
      }
      %add3A_379 = arith.constant 2 : i32
      %add3A_380 = arith.addi %mul3A_258, %add3A_379 : i32
      %dma_wait3A_381 = arith.constant 2 : i32
      %dma_wait3A_382 = arith.constant 0 : i32
      %dma_wait3A_383 = arith.constant 0 : i32
      %dma_wait3A_384 = tpu.memref_slice %arg6[%dma_wait3A_381, %dma_wait3A_382, %dma_wait3A_383] : memref<6x100x128xf32, #tpu.memory_space<vmem>> -> memref<1x100x128xf32, #tpu.memory_space<vmem>>
      %dma_wait3A_385 = tpu.memref_squeeze %dma_wait3A_384 : memref<1x100x128xf32, #tpu.memory_space<vmem>> -> memref<100x128xf32, #tpu.memory_space<vmem>>
      %dma_wait3A_386 = arith.constant 0 : i32
      %dma_wait3A_387 = tpu.memref_slice %arg5[%add3A_380, %dma_wait3A_386] : memref<256x100xi32, #tpu.memory_space<vmem>> -> memref<1x100xi32, #tpu.memory_space<vmem>>
      %dma_wait3A_388 = tpu.memref_squeeze %dma_wait3A_387 : memref<1x100xi32, #tpu.memory_space<vmem>> -> memref<100xi32, #tpu.memory_space<vmem>>
      %dma_wait3A_389 = arith.constant 0 : i32
      %dma_wait3A_390 = arith.constant 0 : i32
      %dma_wait3A_391 = tpu.memref_slice %arg3[%dma_wait3A_389, %dma_wait3A_390] : memref<1000000x128xf32, #tpu.memory_space<hbm>> -> memref<1000000x128xf32, #tpu.memory_space<hbm>>
      tpu.wait_indirect_dma semaphore(%arg10 : memref<!tpu.dma_semaphore, #tpu.memory_space<semaphore_mem>>) src(%dma_wait3A_391 : memref<1000000x128xf32, #tpu.memory_space<hbm>>) dst(%dma_wait3A_385 : memref<100x128xf32, #tpu.memory_space<vmem>>)
      %add3A_392 = arith.constant 3 : i32
      %add3A_393 = arith.addi %mul3A_258, %add3A_392 : i32
      %dma_wait3A_394 = arith.constant 3 : i32
      %dma_wait3A_395 = arith.constant 0 : i32
      %dma_wait3A_396 = arith.constant 0 : i32
      %dma_wait3A_397 = tpu.memref_slice %arg6[%dma_wait3A_394, %dma_wait3A_395, %dma_wait3A_396] : memref<6x100x128xf32, #tpu.memory_space<vmem>> -> memref<1x100x128xf32, #tpu.memory_space<vmem>>
      %dma_wait3A_398 = tpu.memref_squeeze %dma_wait3A_397 : memref<1x100x128xf32, #tpu.memory_space<vmem>> -> memref<100x128xf32, #tpu.memory_space<vmem>>
      %dma_wait3A_399 = arith.constant 0 : i32
      %dma_wait3A_400 = tpu.memref_slice %arg5[%add3A_393, %dma_wait3A_399] : memref<256x100xi32, #tpu.memory_space<vmem>> -> memref<1x100xi32, #tpu.memory_space<vmem>>
      %dma_wait3A_401 = tpu.memref_squeeze %dma_wait3A_400 : memref<1x100xi32, #tpu.memory_space<vmem>> -> memref<100xi32, #tpu.memory_space<vmem>>
      %dma_wait3A_402 = arith.constant 0 : i32
      %dma_wait3A_403 = arith.constant 0 : i32
      %dma_wait3A_404 = tpu.memref_slice %arg3[%dma_wait3A_402, %dma_wait3A_403] : memref<1000000x128xf32, #tpu.memory_space<hbm>> -> memref<1000000x128xf32, #tpu.memory_space<hbm>>
      tpu.wait_indirect_dma semaphore(%arg11 : memref<!tpu.dma_semaphore, #tpu.memory_space<semaphore_mem>>) src(%dma_wait3A_404 : memref<1000000x128xf32, #tpu.memory_space<hbm>>) dst(%dma_wait3A_398 : memref<100x128xf32, #tpu.memory_space<vmem>>)
      %broadcast_in_dim3A_405 = arith.constant 0.000000e+00 : f32
      %broadcast_in_dim3A_406 = vector.broadcast %broadcast_in_dim3A_405 : f32 to vector<16xf32>
      %broadcast_in_dim3A_407 = arith.constant 0.000000e+00 : f32
      %broadcast_in_dim3A_408 = vector.broadcast %broadcast_in_dim3A_407 : f32 to vector<16xf32>
      %broadcast_in_dim3A_409 = arith.constant 0.000000e+00 : f32
      %broadcast_in_dim3A_410 = vector.broadcast %broadcast_in_dim3A_409 : f32 to vector<16xf32>
      %broadcast_in_dim3A_411 = arith.constant 0.000000e+00 : f32
      %broadcast_in_dim3A_412 = vector.broadcast %broadcast_in_dim3A_411 : f32 to vector<16xf32>
      %broadcast_in_dim3A_413 = arith.constant 0.000000e+00 : f32
      %broadcast_in_dim3A_414 = vector.broadcast %broadcast_in_dim3A_413 : f32 to vector<16xf32>
      %broadcast_in_dim3A_415 = arith.constant 0.000000e+00 : f32
      %broadcast_in_dim3A_416 = vector.broadcast %broadcast_in_dim3A_415 : f32 to vector<16xf32>
      %broadcast_in_dim3A_417 = arith.constant 0.000000e+00 : f32
      %broadcast_in_dim3A_418 = vector.broadcast %broadcast_in_dim3A_417 : f32 to vector<16xf32>
      %broadcast_in_dim3A_419 = arith.constant 0.000000e+00 : f32
      %broadcast_in_dim3A_420 = vector.broadcast %broadcast_in_dim3A_419 : f32 to vector<16xf32>
      %scan3A_421 = arith.constant 0 : i32
      %scan3A_422 = arith.constant 100 : i32
      %scan3A_423 = arith.addi %scan3A_421, %scan3A_422 : i32
      %scan3A_424 = arith.constant 2 : i32
      %scan3A_425:8 = scf.for %scan3A_591 = %scan3A_421 to %scan3A_423 step %scan3A_424 iter_args(%scan3A_592 = %broadcast_in_dim3A_406, %scan3A_593 = %broadcast_in_dim3A_408, %scan3A_594 = %broadcast_in_dim3A_410, %scan3A_595 = %broadcast_in_dim3A_412, %scan3A_596 = %broadcast_in_dim3A_414, %scan3A_597 = %broadcast_in_dim3A_416, %scan3A_598 = %broadcast_in_dim3A_418, %scan3A_599 = %broadcast_in_dim3A_420) -> (vector<16xf32>, vector<16xf32>, vector<16xf32>, vector<16xf32>, vector<16xf32>, vector<16xf32>, vector<16xf32>, vector<16xf32>)  : i32 {
        %get3A = arith.constant 2 : i32
        %get3A_600 = arith.index_cast %get3A : i32 to index
        %get3A_601 = arith.index_cast %scan3A_591 : i32 to index
        %get3A_602 = arith.constant 0 : index
        %get3A_603 = tpu.vector_load %arg6[%get3A_600, %get3A_601, %get3A_602] {strides = array<i32>} : memref<6x100x128xf32, #tpu.memory_space<vmem>>, vector<1x1x16xf32>,
        %get3A_604 = vector.shape_cast %get3A_603 : vector<1x1x16xf32> to vector<16xf32>
        %add3A_605 = arith.addf %scan3A_592, %get3A_604 : vector<16xf32>
        %get3A_606 = arith.constant 2 : i32
        %get3A_607 = arith.index_cast %get3A_606 : i32 to index
        %get3A_608 = arith.index_cast %scan3A_591 : i32 to index
        %get3A_609 = arith.constant 16 : index
        %get3A_610 = tpu.vector_load %arg6[%get3A_607, %get3A_608, %get3A_609] {strides = array<i32>} : memref<6x100x128xf32, #tpu.memory_space<vmem>>, vector<1x1x16xf32>,
        %get3A_611 = vector.shape_cast %get3A_610 : vector<1x1x16xf32> to vector<16xf32>
        %add3A_612 = arith.addf %scan3A_593, %get3A_611 : vector<16xf32>
        %get3A_613 = arith.constant 2 : i32
        %get3A_614 = arith.index_cast %get3A_613 : i32 to index
        %get3A_615 = arith.index_cast %scan3A_591 : i32 to index
        %get3A_616 = arith.constant 32 : index
        %get3A_617 = tpu.vector_load %arg6[%get3A_614, %get3A_615, %get3A_616] {strides = array<i32>} : memref<6x100x128xf32, #tpu.memory_space<vmem>>, vector<1x1x16xf32>,
        %get3A_618 = vector.shape_cast %get3A_617 : vector<1x1x16xf32> to vector<16xf32>
        %add3A_619 = arith.addf %scan3A_594, %get3A_618 : vector<16xf32>
        %get3A_620 = arith.constant 2 : i32
        %get3A_621 = arith.index_cast %get3A_620 : i32 to index
        %get3A_622 = arith.index_cast %scan3A_591 : i32 to index
        %get3A_623 = arith.constant 48 : index
        %get3A_624 = tpu.vector_load %arg6[%get3A_621, %get3A_622, %get3A_623] {strides = array<i32>} : memref<6x100x128xf32, #tpu.memory_space<vmem>>, vector<1x1x16xf32>,
        %get3A_625 = vector.shape_cast %get3A_624 : vector<1x1x16xf32> to vector<16xf32>
        %add3A_626 = arith.addf %scan3A_595, %get3A_625 : vector<16xf32>
        %get3A_627 = arith.constant 2 : i32
        %get3A_628 = arith.index_cast %get3A_627 : i32 to index
        %get3A_629 = arith.index_cast %scan3A_591 : i32 to index
        %get3A_630 = arith.constant 64 : index
        %get3A_631 = tpu.vector_load %arg6[%get3A_628, %get3A_629, %get3A_630] {strides = array<i32>} : memref<6x100x128xf32, #tpu.memory_space<vmem>>, vector<1x1x16xf32>,
        %get3A_632 = vector.shape_cast %get3A_631 : vector<1x1x16xf32> to vector<16xf32>
        %add3A_633 = arith.addf %scan3A_596, %get3A_632 : vector<16xf32>
        %get3A_634 = arith.constant 2 : i32
        %get3A_635 = arith.index_cast %get3A_634 : i32 to index
        %get3A_636 = arith.index_cast %scan3A_591 : i32 to index
        %get3A_637 = arith.constant 80 : index
        %get3A_638 = tpu.vector_load %arg6[%get3A_635, %get3A_636, %get3A_637] {strides = array<i32>} : memref<6x100x128xf32, #tpu.memory_space<vmem>>, vector<1x1x16xf32>,
        %get3A_639 = vector.shape_cast %get3A_638 : vector<1x1x16xf32> to vector<16xf32>
        %add3A_640 = arith.addf %scan3A_597, %get3A_639 : vector<16xf32>
        %get3A_641 = arith.constant 2 : i32
        %get3A_642 = arith.index_cast %get3A_641 : i32 to index
        %get3A_643 = arith.index_cast %scan3A_591 : i32 to index
        %get3A_644 = arith.constant 96 : index
        %get3A_645 = tpu.vector_load %arg6[%get3A_642, %get3A_643, %get3A_644] {strides = array<i32>} : memref<6x100x128xf32, #tpu.memory_space<vmem>>, vector<1x1x16xf32>,
        %get3A_646 = vector.shape_cast %get3A_645 : vector<1x1x16xf32> to vector<16xf32>
        %add3A_647 = arith.addf %scan3A_598, %get3A_646 : vector<16xf32>
        %get3A_648 = arith.constant 2 : i32
        %get3A_649 = arith.index_cast %get3A_648 : i32 to index
        %get3A_650 = arith.index_cast %scan3A_591 : i32 to index
        %get3A_651 = arith.constant 112 : index
        %get3A_652 = tpu.vector_load %arg6[%get3A_649, %get3A_650, %get3A_651] {strides = array<i32>} : memref<6x100x128xf32, #tpu.memory_space<vmem>>, vector<1x1x16xf32>,
        %get3A_653 = vector.shape_cast %get3A_652 : vector<1x1x16xf32> to vector<16xf32>
        %add3A_654 = arith.addf %scan3A_599, %get3A_653 : vector<16xf32>
        %get3A_655 = arith.constant 3 : i32
        %get3A_656 = arith.index_cast %get3A_655 : i32 to index
        %get3A_657 = arith.index_cast %scan3A_591 : i32 to index
        %get3A_658 = arith.constant 0 : index
        %get3A_659 = tpu.vector_load %arg6[%get3A_656, %get3A_657, %get3A_658] {strides = array<i32>} : memref<6x100x128xf32, #tpu.memory_space<vmem>>, vector<1x1x16xf32>,
        %get3A_660 = vector.shape_cast %get3A_659 : vector<1x1x16xf32> to vector<16xf32>
        %add3A_661 = arith.addf %add3A_605, %get3A_660 : vector<16xf32>
        %get3A_662 = arith.constant 3 : i32
        %get3A_663 = arith.index_cast %get3A_662 : i32 to index
        %get3A_664 = arith.index_cast %scan3A_591 : i32 to index
        %get3A_665 = arith.constant 16 : index
        %get3A_666 = tpu.vector_load %arg6[%get3A_663, %get3A_664, %get3A_665] {strides = array<i32>} : memref<6x100x128xf32, #tpu.memory_space<vmem>>, vector<1x1x16xf32>,
        %get3A_667 = vector.shape_cast %get3A_666 : vector<1x1x16xf32> to vector<16xf32>
        %add3A_668 = arith.addf %add3A_612, %get3A_667 : vector<16xf32>
        %get3A_669 = arith.constant 3 : i32
        %get3A_670 = arith.index_cast %get3A_669 : i32 to index
        %get3A_671 = arith.index_cast %scan3A_591 : i32 to index
        %get3A_672 = arith.constant 32 : index
        %get3A_673 = tpu.vector_load %arg6[%get3A_670, %get3A_671, %get3A_672] {strides = array<i32>} : memref<6x100x128xf32, #tpu.memory_space<vmem>>, vector<1x1x16xf32>,
        %get3A_674 = vector.shape_cast %get3A_673 : vector<1x1x16xf32> to vector<16xf32>
        %add3A_675 = arith.addf %add3A_619, %get3A_674 : vector<16xf32>
        %get3A_676 = arith.constant 3 : i32
        %get3A_677 = arith.index_cast %get3A_676 : i32 to index
        %get3A_678 = arith.index_cast %scan3A_591 : i32 to index
        %get3A_679 = arith.constant 48 : index
        %get3A_680 = tpu.vector_load %arg6[%get3A_677, %get3A_678, %get3A_679] {strides = array<i32>} : memref<6x100x128xf32, #tpu.memory_space<vmem>>, vector<1x1x16xf32>,
        %get3A_681 = vector.shape_cast %get3A_680 : vector<1x1x16xf32> to vector<16xf32>
        %add3A_682 = arith.addf %add3A_626, %get3A_681 : vector<16xf32>
        %get3A_683 = arith.constant 3 : i32
        %get3A_684 = arith.index_cast %get3A_683 : i32 to index
        %get3A_685 = arith.index_cast %scan3A_591 : i32 to index
        %get3A_686 = arith.constant 64 : index
        %get3A_687 = tpu.vector_load %arg6[%get3A_684, %get3A_685, %get3A_686] {strides = array<i32>} : memref<6x100x128xf32, #tpu.memory_space<vmem>>, vector<1x1x16xf32>,
        %get3A_688 = vector.shape_cast %get3A_687 : vector<1x1x16xf32> to vector<16xf32>
        %add3A_689 = arith.addf %add3A_633, %get3A_688 : vector<16xf32>
        %get3A_690 = arith.constant 3 : i32
        %get3A_691 = arith.index_cast %get3A_690 : i32 to index
        %get3A_692 = arith.index_cast %scan3A_591 : i32 to index
        %get3A_693 = arith.constant 80 : index
        %get3A_694 = tpu.vector_load %arg6[%get3A_691, %get3A_692, %get3A_693] {strides = array<i32>} : memref<6x100x128xf32, #tpu.memory_space<vmem>>, vector<1x1x16xf32>,
        %get3A_695 = vector.shape_cast %get3A_694 : vector<1x1x16xf32> to vector<16xf32>
        %add3A_696 = arith.addf %add3A_640, %get3A_695 : vector<16xf32>
        %get3A_697 = arith.constant 3 : i32
        %get3A_698 = arith.index_cast %get3A_697 : i32 to index
        %get3A_699 = arith.index_cast %scan3A_591 : i32 to index
        %get3A_700 = arith.constant 96 : index
        %get3A_701 = tpu.vector_load %arg6[%get3A_698, %get3A_699, %get3A_700] {strides = array<i32>} : memref<6x100x128xf32, #tpu.memory_space<vmem>>, vector<1x1x16xf32>,
        %get3A_702 = vector.shape_cast %get3A_701 : vector<1x1x16xf32> to vector<16xf32>
        %add3A_703 = arith.addf %add3A_647, %get3A_702 : vector<16xf32>
        %get3A_704 = arith.constant 3 : i32
        %get3A_705 = arith.index_cast %get3A_704 : i32 to index
        %get3A_706 = arith.index_cast %scan3A_591 : i32 to index
        %get3A_707 = arith.constant 112 : index
        %get3A_708 = tpu.vector_load %arg6[%get3A_705, %get3A_706, %get3A_707] {strides = array<i32>} : memref<6x100x128xf32, #tpu.memory_space<vmem>>, vector<1x1x16xf32>,
        %get3A_709 = vector.shape_cast %get3A_708 : vector<1x1x16xf32> to vector<16xf32>
        %add3A_710 = arith.addf %add3A_654, %get3A_709 : vector<16xf32>
        %scan3A_711 = arith.constant 1 : i32
        %scan3A_712 = arith.addi %scan3A_591, %scan3A_711 : i32
        %get3A_713 = arith.constant 2 : i32
        %get3A_714 = arith.index_cast %get3A_713 : i32 to index
        %get3A_715 = arith.index_cast %scan3A_712 : i32 to index
        %get3A_716 = arith.constant 0 : index
        %get3A_717 = tpu.vector_load %arg6[%get3A_714, %get3A_715, %get3A_716] {strides = array<i32>} : memref<6x100x128xf32, #tpu.memory_space<vmem>>, vector<1x1x16xf32>,
        %get3A_718 = vector.shape_cast %get3A_717 : vector<1x1x16xf32> to vector<16xf32>
        %add3A_719 = arith.addf %add3A_661, %get3A_718 : vector<16xf32>
        %get3A_720 = arith.constant 2 : i32
        %get3A_721 = arith.index_cast %get3A_720 : i32 to index
        %get3A_722 = arith.index_cast %scan3A_712 : i32 to index
        %get3A_723 = arith.constant 16 : index
        %get3A_724 = tpu.vector_load %arg6[%get3A_721, %get3A_722, %get3A_723] {strides = array<i32>} : memref<6x100x128xf32, #tpu.memory_space<vmem>>, vector<1x1x16xf32>,
        %get3A_725 = vector.shape_cast %get3A_724 : vector<1x1x16xf32> to vector<16xf32>
        %add3A_726 = arith.addf %add3A_668, %get3A_725 : vector<16xf32>
        %get3A_727 = arith.constant 2 : i32
        %get3A_728 = arith.index_cast %get3A_727 : i32 to index
        %get3A_729 = arith.index_cast %scan3A_712 : i32 to index
        %get3A_730 = arith.constant 32 : index
        %get3A_731 = tpu.vector_load %arg6[%get3A_728, %get3A_729, %get3A_730] {strides = array<i32>} : memref<6x100x128xf32, #tpu.memory_space<vmem>>, vector<1x1x16xf32>,
        %get3A_732 = vector.shape_cast %get3A_731 : vector<1x1x16xf32> to vector<16xf32>
        %add3A_733 = arith.addf %add3A_675, %get3A_732 : vector<16xf32>
        %get3A_734 = arith.constant 2 : i32
        %get3A_735 = arith.index_cast %get3A_734 : i32 to index
        %get3A_736 = arith.index_cast %scan3A_712 : i32 to index
        %get3A_737 = arith.constant 48 : index
        %get3A_738 = tpu.vector_load %arg6[%get3A_735, %get3A_736, %get3A_737] {strides = array<i32>} : memref<6x100x128xf32, #tpu.memory_space<vmem>>, vector<1x1x16xf32>,
        %get3A_739 = vector.shape_cast %get3A_738 : vector<1x1x16xf32> to vector<16xf32>
        %add3A_740 = arith.addf %add3A_682, %get3A_739 : vector<16xf32>
        %get3A_741 = arith.constant 2 : i32
        %get3A_742 = arith.index_cast %get3A_741 : i32 to index
        %get3A_743 = arith.index_cast %scan3A_712 : i32 to index
        %get3A_744 = arith.constant 64 : index
        %get3A_745 = tpu.vector_load %arg6[%get3A_742, %get3A_743, %get3A_744] {strides = array<i32>} : memref<6x100x128xf32, #tpu.memory_space<vmem>>, vector<1x1x16xf32>,
        %get3A_746 = vector.shape_cast %get3A_745 : vector<1x1x16xf32> to vector<16xf32>
        %add3A_747 = arith.addf %add3A_689, %get3A_746 : vector<16xf32>
        %get3A_748 = arith.constant 2 : i32
        %get3A_749 = arith.index_cast %get3A_748 : i32 to index
        %get3A_750 = arith.index_cast %scan3A_712 : i32 to index
        %get3A_751 = arith.constant 80 : index
        %get3A_752 = tpu.vector_load %arg6[%get3A_749, %get3A_750, %get3A_751] {strides = array<i32>} : memref<6x100x128xf32, #tpu.memory_space<vmem>>, vector<1x1x16xf32>,
        %get3A_753 = vector.shape_cast %get3A_752 : vector<1x1x16xf32> to vector<16xf32>
        %add3A_754 = arith.addf %add3A_696, %get3A_753 : vector<16xf32>
        %get3A_755 = arith.constant 2 : i32
        %get3A_756 = arith.index_cast %get3A_755 : i32 to index
        %get3A_757 = arith.index_cast %scan3A_712 : i32 to index
        %get3A_758 = arith.constant 96 : index
        %get3A_759 = tpu.vector_load %arg6[%get3A_756, %get3A_757, %get3A_758] {strides = array<i32>} : memref<6x100x128xf32, #tpu.memory_space<vmem>>, vector<1x1x16xf32>,
        %get3A_760 = vector.shape_cast %get3A_759 : vector<1x1x16xf32> to vector<16xf32>
        %add3A_761 = arith.addf %add3A_703, %get3A_760 : vector<16xf32>
        %get3A_762 = arith.constant 2 : i32
        %get3A_763 = arith.index_cast %get3A_762 : i32 to index
        %get3A_764 = arith.index_cast %scan3A_712 : i32 to index
        %get3A_765 = arith.constant 112 : index
        %get3A_766 = tpu.vector_load %arg6[%get3A_763, %get3A_764, %get3A_765] {strides = array<i32>} : memref<6x100x128xf32, #tpu.memory_space<vmem>>, vector<1x1x16xf32>,
        %get3A_767 = vector.shape_cast %get3A_766 : vector<1x1x16xf32> to vector<16xf32>
        %add3A_768 = arith.addf %add3A_710, %get3A_767 : vector<16xf32>
        %get3A_769 = arith.constant 3 : i32
        %get3A_770 = arith.index_cast %get3A_769 : i32 to index
        %get3A_771 = arith.index_cast %scan3A_712 : i32 to index
        %get3A_772 = arith.constant 0 : index
        %get3A_773 = tpu.vector_load %arg6[%get3A_770, %get3A_771, %get3A_772] {strides = array<i32>} : memref<6x100x128xf32, #tpu.memory_space<vmem>>, vector<1x1x16xf32>,
        %get3A_774 = vector.shape_cast %get3A_773 : vector<1x1x16xf32> to vector<16xf32>
        %add3A_775 = arith.addf %add3A_719, %get3A_774 : vector<16xf32>
        %get3A_776 = arith.constant 3 : i32
        %get3A_777 = arith.index_cast %get3A_776 : i32 to index
        %get3A_778 = arith.index_cast %scan3A_712 : i32 to index
        %get3A_779 = arith.constant 16 : index
        %get3A_780 = tpu.vector_load %arg6[%get3A_777, %get3A_778, %get3A_779] {strides = array<i32>} : memref<6x100x128xf32, #tpu.memory_space<vmem>>, vector<1x1x16xf32>,
        %get3A_781 = vector.shape_cast %get3A_780 : vector<1x1x16xf32> to vector<16xf32>
        %add3A_782 = arith.addf %add3A_726, %get3A_781 : vector<16xf32>
        %get3A_783 = arith.constant 3 : i32
        %get3A_784 = arith.index_cast %get3A_783 : i32 to index
        %get3A_785 = arith.index_cast %scan3A_712 : i32 to index
        %get3A_786 = arith.constant 32 : index
        %get3A_787 = tpu.vector_load %arg6[%get3A_784, %get3A_785, %get3A_786] {strides = array<i32>} : memref<6x100x128xf32, #tpu.memory_space<vmem>>, vector<1x1x16xf32>,
        %get3A_788 = vector.shape_cast %get3A_787 : vector<1x1x16xf32> to vector<16xf32>
        %add3A_789 = arith.addf %add3A_733, %get3A_788 : vector<16xf32>
        %get3A_790 = arith.constant 3 : i32
        %get3A_791 = arith.index_cast %get3A_790 : i32 to index
        %get3A_792 = arith.index_cast %scan3A_712 : i32 to index
        %get3A_793 = arith.constant 48 : index
        %get3A_794 = tpu.vector_load %arg6[%get3A_791, %get3A_792, %get3A_793] {strides = array<i32>} : memref<6x100x128xf32, #tpu.memory_space<vmem>>, vector<1x1x16xf32>,
        %get3A_795 = vector.shape_cast %get3A_794 : vector<1x1x16xf32> to vector<16xf32>
        %add3A_796 = arith.addf %add3A_740, %get3A_795 : vector<16xf32>
        %get3A_797 = arith.constant 3 : i32
        %get3A_798 = arith.index_cast %get3A_797 : i32 to index
        %get3A_799 = arith.index_cast %scan3A_712 : i32 to index
        %get3A_800 = arith.constant 64 : index
        %get3A_801 = tpu.vector_load %arg6[%get3A_798, %get3A_799, %get3A_800] {strides = array<i32>} : memref<6x100x128xf32, #tpu.memory_space<vmem>>, vector<1x1x16xf32>,
        %get3A_802 = vector.shape_cast %get3A_801 : vector<1x1x16xf32> to vector<16xf32>
        %add3A_803 = arith.addf %add3A_747, %get3A_802 : vector<16xf32>
        %get3A_804 = arith.constant 3 : i32
        %get3A_805 = arith.index_cast %get3A_804 : i32 to index
        %get3A_806 = arith.index_cast %scan3A_712 : i32 to index
        %get3A_807 = arith.constant 80 : index
        %get3A_808 = tpu.vector_load %arg6[%get3A_805, %get3A_806, %get3A_807] {strides = array<i32>} : memref<6x100x128xf32, #tpu.memory_space<vmem>>, vector<1x1x16xf32>,
        %get3A_809 = vector.shape_cast %get3A_808 : vector<1x1x16xf32> to vector<16xf32>
        %add3A_810 = arith.addf %add3A_754, %get3A_809 : vector<16xf32>
        %get3A_811 = arith.constant 3 : i32
        %get3A_812 = arith.index_cast %get3A_811 : i32 to index
        %get3A_813 = arith.index_cast %scan3A_712 : i32 to index
        %get3A_814 = arith.constant 96 : index
        %get3A_815 = tpu.vector_load %arg6[%get3A_812, %get3A_813, %get3A_814] {strides = array<i32>} : memref<6x100x128xf32, #tpu.memory_space<vmem>>, vector<1x1x16xf32>,
        %get3A_816 = vector.shape_cast %get3A_815 : vector<1x1x16xf32> to vector<16xf32>
        %add3A_817 = arith.addf %add3A_761, %get3A_816 : vector<16xf32>
        %get3A_818 = arith.constant 3 : i32
        %get3A_819 = arith.index_cast %get3A_818 : i32 to index
        %get3A_820 = arith.index_cast %scan3A_712 : i32 to index
        %get3A_821 = arith.constant 112 : index
        %get3A_822 = tpu.vector_load %arg6[%get3A_819, %get3A_820, %get3A_821] {strides = array<i32>} : memref<6x100x128xf32, #tpu.memory_space<vmem>>, vector<1x1x16xf32>,
        %get3A_823 = vector.shape_cast %get3A_822 : vector<1x1x16xf32> to vector<16xf32>
        %add3A_824 = arith.addf %add3A_768, %get3A_823 : vector<16xf32>
        scf.yield %add3A_775, %add3A_782, %add3A_789, %add3A_796, %add3A_803, %add3A_810, %add3A_817, %add3A_824 : vector<16xf32>, vector<16xf32>, vector<16xf32>, vector<16xf32>, vector<16xf32>, vector<16xf32>, vector<16xf32>, vector<16xf32>
      }
      %scan3A_426 = arith.constant 100 : i32
      %mul3A_427 = arith.constant 3 : i32
      %mul3A_428 = arith.muli %mul3A_427, %scan3A_255 : i32
      %add3A_429 = arith.constant 1 : i32
      %add3A_430 = arith.addi %mul3A_428, %add3A_429 : i32
      %swap3A_431 = arith.index_cast %add3A_430 : i32 to index
      %swap3A_432 = arith.constant 0 : index
      %swap3A_433 = tpu.vector_load %arg7[%swap3A_431, %swap3A_432] {strides = array<i32>} : memref<128x128xf32, #tpu.memory_space<vmem>>, vector<1x16xf32>,
      %swap3A_434 = vector.shape_cast %swap3A_433 : vector<1x16xf32> to vector<16xf32>
      %swap3A_435 = vector.shape_cast %scan3A_425#0 : vector<16xf32> to vector<1x16xf32>
      tpu.vector_store %arg7[%swap3A_431, %swap3A_432], %swap3A_435 {strides = array<i32>} : memref<128x128xf32, #tpu.memory_space<vmem>>, vector<1x16xf32>,
      %swap3A_436 = arith.index_cast %add3A_430 : i32 to index
      %swap3A_437 = arith.constant 16 : index
      %swap3A_438 = tpu.vector_load %arg7[%swap3A_436, %swap3A_437] {strides = array<i32>} : memref<128x128xf32, #tpu.memory_space<vmem>>, vector<1x16xf32>,
      %swap3A_439 = vector.shape_cast %swap3A_438 : vector<1x16xf32> to vector<16xf32>
      %swap3A_440 = vector.shape_cast %scan3A_425#1 : vector<16xf32> to vector<1x16xf32>
      tpu.vector_store %arg7[%swap3A_436, %swap3A_437], %swap3A_440 {strides = array<i32>} : memref<128x128xf32, #tpu.memory_space<vmem>>, vector<1x16xf32>,
      %swap3A_441 = arith.index_cast %add3A_430 : i32 to index
      %swap3A_442 = arith.constant 32 : index
      %swap3A_443 = tpu.vector_load %arg7[%swap3A_441, %swap3A_442] {strides = array<i32>} : memref<128x128xf32, #tpu.memory_space<vmem>>, vector<1x16xf32>,
      %swap3A_444 = vector.shape_cast %swap3A_443 : vector<1x16xf32> to vector<16xf32>
      %swap3A_445 = vector.shape_cast %scan3A_425#2 : vector<16xf32> to vector<1x16xf32>
      tpu.vector_store %arg7[%swap3A_441, %swap3A_442], %swap3A_445 {strides = array<i32>} : memref<128x128xf32, #tpu.memory_space<vmem>>, vector<1x16xf32>,
      %swap3A_446 = arith.index_cast %add3A_430 : i32 to index
      %swap3A_447 = arith.constant 48 : index
      %swap3A_448 = tpu.vector_load %arg7[%swap3A_446, %swap3A_447] {strides = array<i32>} : memref<128x128xf32, #tpu.memory_space<vmem>>, vector<1x16xf32>,
      %swap3A_449 = vector.shape_cast %swap3A_448 : vector<1x16xf32> to vector<16xf32>
      %swap3A_450 = vector.shape_cast %scan3A_425#3 : vector<16xf32> to vector<1x16xf32>
      tpu.vector_store %arg7[%swap3A_446, %swap3A_447], %swap3A_450 {strides = array<i32>} : memref<128x128xf32, #tpu.memory_space<vmem>>, vector<1x16xf32>,
      %swap3A_451 = arith.index_cast %add3A_430 : i32 to index
      %swap3A_452 = arith.constant 64 : index
      %swap3A_453 = tpu.vector_load %arg7[%swap3A_451, %swap3A_452] {strides = array<i32>} : memref<128x128xf32, #tpu.memory_space<vmem>>, vector<1x16xf32>,
      %swap3A_454 = vector.shape_cast %swap3A_453 : vector<1x16xf32> to vector<16xf32>
      %swap3A_455 = vector.shape_cast %scan3A_425#4 : vector<16xf32> to vector<1x16xf32>
      tpu.vector_store %arg7[%swap3A_451, %swap3A_452], %swap3A_455 {strides = array<i32>} : memref<128x128xf32, #tpu.memory_space<vmem>>, vector<1x16xf32>,
      %swap3A_456 = arith.index_cast %add3A_430 : i32 to index
      %swap3A_457 = arith.constant 80 : index
      %swap3A_458 = tpu.vector_load %arg7[%swap3A_456, %swap3A_457] {strides = array<i32>} : memref<128x128xf32, #tpu.memory_space<vmem>>, vector<1x16xf32>,
      %swap3A_459 = vector.shape_cast %swap3A_458 : vector<1x16xf32> to vector<16xf32>
      %swap3A_460 = vector.shape_cast %scan3A_425#5 : vector<16xf32> to vector<1x16xf32>
      tpu.vector_store %arg7[%swap3A_456, %swap3A_457], %swap3A_460 {strides = array<i32>} : memref<128x128xf32, #tpu.memory_space<vmem>>, vector<1x16xf32>,
      %swap3A_461 = arith.index_cast %add3A_430 : i32 to index
      %swap3A_462 = arith.constant 96 : index
      %swap3A_463 = tpu.vector_load %arg7[%swap3A_461, %swap3A_462] {strides = array<i32>} : memref<128x128xf32, #tpu.memory_space<vmem>>, vector<1x16xf32>,
      %swap3A_464 = vector.shape_cast %swap3A_463 : vector<1x16xf32> to vector<16xf32>
      %swap3A_465 = vector.shape_cast %scan3A_425#6 : vector<16xf32> to vector<1x16xf32>
      tpu.vector_store %arg7[%swap3A_461, %swap3A_462], %swap3A_465 {strides = array<i32>} : memref<128x128xf32, #tpu.memory_space<vmem>>, vector<1x16xf32>,
      %swap3A_466 = arith.index_cast %add3A_430 : i32 to index
      %swap3A_467 = arith.constant 112 : index
      %swap3A_468 = tpu.vector_load %arg7[%swap3A_466, %swap3A_467] {strides = array<i32>} : memref<128x128xf32, #tpu.memory_space<vmem>>, vector<1x16xf32>,
      %swap3A_469 = vector.shape_cast %swap3A_468 : vector<1x16xf32> to vector<16xf32>
      %swap3A_470 = vector.shape_cast %scan3A_425#7 : vector<16xf32> to vector<1x16xf32>
      tpu.vector_store %arg7[%swap3A_466, %swap3A_467], %swap3A_470 {strides = array<i32>} : memref<128x128xf32, #tpu.memory_space<vmem>>, vector<1x16xf32>,
      %add3A_471 = arith.constant 6 : i32
      %add3A_472 = arith.addi %mul3A_258, %add3A_471 : i32
      %add3A_473 = arith.constant 2 : i32
      %add3A_474 = arith.addi %add3A_472, %add3A_473 : i32
      %lt3A_475 = arith.constant 256 : i32
      %lt3A_476 = arith.cmpi slt, %add3A_474, %lt3A_475 : i32
      %convert_element_type3A_477 = arith.extui %lt3A_476 : i1 to i32
      %cond3A_478 = arith.constant 0 : i32
      %cond3A_479 = arith.cmpi ne, %convert_element_type3A_477, %cond3A_478 : i32
      scf.if %cond3A_479 {
        %add3A_591 = arith.constant 6 : i32
        %add3A_592 = arith.addi %mul3A_258, %add3A_591 : i32
        %add3A_593 = arith.constant 2 : i32
        %add3A_594 = arith.addi %add3A_592, %add3A_593 : i32
        %dma_start3A_595 = arith.constant 2 : i32
        %dma_start3A_596 = arith.constant 0 : i32
        %dma_start3A_597 = arith.constant 0 : i32
        %dma_start3A_598 = tpu.memref_slice %arg6[%dma_start3A_595, %dma_start3A_596, %dma_start3A_597] : memref<6x100x128xf32, #tpu.memory_space<vmem>> -> memref<1x100x128xf32, #tpu.memory_space<vmem>>
        %dma_start3A_599 = tpu.memref_squeeze %dma_start3A_598 : memref<1x100x128xf32, #tpu.memory_space<vmem>> -> memref<100x128xf32, #tpu.memory_space<vmem>>
        %dma_start3A_600 = arith.constant 0 : i32
        %dma_start3A_601 = tpu.memref_slice %arg5[%add3A_594, %dma_start3A_600] : memref<256x100xi32, #tpu.memory_space<vmem>> -> memref<1x100xi32, #tpu.memory_space<vmem>>
        %dma_start3A_602 = tpu.memref_squeeze %dma_start3A_601 : memref<1x100xi32, #tpu.memory_space<vmem>> -> memref<100xi32, #tpu.memory_space<vmem>>
        %dma_start3A_603 = arith.constant 0 : i32
        %dma_start3A_604 = arith.constant 0 : i32
        %dma_start3A_605 = tpu.memref_slice %arg3[%dma_start3A_603, %dma_start3A_604] : memref<1000000x128xf32, #tpu.memory_space<hbm>> -> memref<1000000x128xf32, #tpu.memory_space<hbm>>
        tpu.enqueue_indirect_dma source(%dma_start3A_605 : memref<1000000x128xf32, #tpu.memory_space<hbm>>) target(%dma_start3A_599 : memref<100x128xf32, #tpu.memory_space<vmem>>) offsets(%dma_start3A_602 : memref<100xi32, #tpu.memory_space<vmem>>) semaphore(%arg10 : memref<!tpu.dma_semaphore, #tpu.memory_space<semaphore_mem>>)
      } else {
      }
      %add3A_480 = arith.constant 6 : i32
      %add3A_481 = arith.addi %mul3A_258, %add3A_480 : i32
      %add3A_482 = arith.constant 3 : i32
      %add3A_483 = arith.addi %add3A_481, %add3A_482 : i32
      %lt3A_484 = arith.constant 256 : i32
      %lt3A_485 = arith.cmpi slt, %add3A_483, %lt3A_484 : i32
      %convert_element_type3A_486 = arith.extui %lt3A_485 : i1 to i32
      %cond3A_487 = arith.constant 0 : i32
      %cond3A_488 = arith.cmpi ne, %convert_element_type3A_486, %cond3A_487 : i32
      scf.if %cond3A_488 {
        %add3A_591 = arith.constant 6 : i32
        %add3A_592 = arith.addi %mul3A_258, %add3A_591 : i32
        %add3A_593 = arith.constant 3 : i32
        %add3A_594 = arith.addi %add3A_592, %add3A_593 : i32
        %dma_start3A_595 = arith.constant 3 : i32
        %dma_start3A_596 = arith.constant 0 : i32
        %dma_start3A_597 = arith.constant 0 : i32
        %dma_start3A_598 = tpu.memref_slice %arg6[%dma_start3A_595, %dma_start3A_596, %dma_start3A_597] : memref<6x100x128xf32, #tpu.memory_space<vmem>> -> memref<1x100x128xf32, #tpu.memory_space<vmem>>
        %dma_start3A_599 = tpu.memref_squeeze %dma_start3A_598 : memref<1x100x128xf32, #tpu.memory_space<vmem>> -> memref<100x128xf32, #tpu.memory_space<vmem>>
        %dma_start3A_600 = arith.constant 0 : i32
        %dma_start3A_601 = tpu.memref_slice %arg5[%add3A_594, %dma_start3A_600] : memref<256x100xi32, #tpu.memory_space<vmem>> -> memref<1x100xi32, #tpu.memory_space<vmem>>
        %dma_start3A_602 = tpu.memref_squeeze %dma_start3A_601 : memref<1x100xi32, #tpu.memory_space<vmem>> -> memref<100xi32, #tpu.memory_space<vmem>>
        %dma_start3A_603 = arith.constant 0 : i32
        %dma_start3A_604 = arith.constant 0 : i32
        %dma_start3A_605 = tpu.memref_slice %arg3[%dma_start3A_603, %dma_start3A_604] : memref<1000000x128xf32, #tpu.memory_space<hbm>> -> memref<1000000x128xf32, #tpu.memory_space<hbm>>
        tpu.enqueue_indirect_dma source(%dma_start3A_605 : memref<1000000x128xf32, #tpu.memory_space<hbm>>) target(%dma_start3A_599 : memref<100x128xf32, #tpu.memory_space<vmem>>) offsets(%dma_start3A_602 : memref<100xi32, #tpu.memory_space<vmem>>) semaphore(%arg11 : memref<!tpu.dma_semaphore, #tpu.memory_space<semaphore_mem>>)
      } else {
      }
      %add3A_489 = arith.constant 4 : i32
      %add3A_490 = arith.addi %mul3A_258, %add3A_489 : i32
      %dma_wait3A_491 = arith.constant 4 : i32
      %dma_wait3A_492 = arith.constant 0 : i32
      %dma_wait3A_493 = arith.constant 0 : i32
      %dma_wait3A_494 = tpu.memref_slice %arg6[%dma_wait3A_491, %dma_wait3A_492, %dma_wait3A_493] : memref<6x100x128xf32, #tpu.memory_space<vmem>> -> memref<1x100x128xf32, #tpu.memory_space<vmem>>
      %dma_wait3A_495 = tpu.memref_squeeze %dma_wait3A_494 : memref<1x100x128xf32, #tpu.memory_space<vmem>> -> memref<100x128xf32, #tpu.memory_space<vmem>>
      %dma_wait3A_496 = arith.constant 0 : i32
      %dma_wait3A_497 = tpu.memref_slice %arg5[%add3A_490, %dma_wait3A_496] : memref<256x100xi32, #tpu.memory_space<vmem>> -> memref<1x100xi32, #tpu.memory_space<vmem>>
      %dma_wait3A_498 = tpu.memref_squeeze %dma_wait3A_497 : memref<1x100xi32, #tpu.memory_space<vmem>> -> memref<100xi32, #tpu.memory_space<vmem>>
      %dma_wait3A_499 = arith.constant 0 : i32
      %dma_wait3A_500 = arith.constant 0 : i32
      %dma_wait3A_501 = tpu.memref_slice %arg3[%dma_wait3A_499, %dma_wait3A_500] : memref<1000000x128xf32, #tpu.memory_space<hbm>> -> memref<1000000x128xf32, #tpu.memory_space<hbm>>
      tpu.wait_indirect_dma semaphore(%arg12 : memref<!tpu.dma_semaphore, #tpu.memory_space<semaphore_mem>>) src(%dma_wait3A_501 : memref<1000000x128xf32, #tpu.memory_space<hbm>>) dst(%dma_wait3A_495 : memref<100x128xf32, #tpu.memory_space<vmem>>)
      %add3A_502 = arith.constant 5 : i32
      %add3A_503 = arith.addi %mul3A_258, %add3A_502 : i32
      %dma_wait3A_504 = arith.constant 5 : i32
      %dma_wait3A_505 = arith.constant 0 : i32
      %dma_wait3A_506 = arith.constant 0 : i32
      %dma_wait3A_507 = tpu.memref_slice %arg6[%dma_wait3A_504, %dma_wait3A_505, %dma_wait3A_506] : memref<6x100x128xf32, #tpu.memory_space<vmem>> -> memref<1x100x128xf32, #tpu.memory_space<vmem>>
      %dma_wait3A_508 = tpu.memref_squeeze %dma_wait3A_507 : memref<1x100x128xf32, #tpu.memory_space<vmem>> -> memref<100x128xf32, #tpu.memory_space<vmem>>
      %dma_wait3A_509 = arith.constant 0 : i32
      %dma_wait3A_510 = tpu.memref_slice %arg5[%add3A_503, %dma_wait3A_509] : memref<256x100xi32, #tpu.memory_space<vmem>> -> memref<1x100xi32, #tpu.memory_space<vmem>>
      %dma_wait3A_511 = tpu.memref_squeeze %dma_wait3A_510 : memref<1x100xi32, #tpu.memory_space<vmem>> -> memref<100xi32, #tpu.memory_space<vmem>>
      %dma_wait3A_512 = arith.constant 0 : i32
      %dma_wait3A_513 = arith.constant 0 : i32
      %dma_wait3A_514 = tpu.memref_slice %arg3[%dma_wait3A_512, %dma_wait3A_513] : memref<1000000x128xf32, #tpu.memory_space<hbm>> -> memref<1000000x128xf32, #tpu.memory_space<hbm>>
      tpu.wait_indirect_dma semaphore(%arg13 : memref<!tpu.dma_semaphore, #tpu.memory_space<semaphore_mem>>) src(%dma_wait3A_514 : memref<1000000x128xf32, #tpu.memory_space<hbm>>) dst(%dma_wait3A_508 : memref<100x128xf32, #tpu.memory_space<vmem>>)
      %broadcast_in_dim3A_515 = arith.constant 0.000000e+00 : f32
      %broadcast_in_dim3A_516 = vector.broadcast %broadcast_in_dim3A_515 : f32 to vector<16xf32>
      %broadcast_in_dim3A_517 = arith.constant 0.000000e+00 : f32
      %broadcast_in_dim3A_518 = vector.broadcast %broadcast_in_dim3A_517 : f32 to vector<16xf32>
      %broadcast_in_dim3A_519 = arith.constant 0.000000e+00 : f32
      %broadcast_in_dim3A_520 = vector.broadcast %broadcast_in_dim3A_519 : f32 to vector<16xf32>
      %broadcast_in_dim3A_521 = arith.constant 0.000000e+00 : f32
      %broadcast_in_dim3A_522 = vector.broadcast %broadcast_in_dim3A_521 : f32 to vector<16xf32>
      %broadcast_in_dim3A_523 = arith.constant 0.000000e+00 : f32
      %broadcast_in_dim3A_524 = vector.broadcast %broadcast_in_dim3A_523 : f32 to vector<16xf32>
      %broadcast_in_dim3A_525 = arith.constant 0.000000e+00 : f32
      %broadcast_in_dim3A_526 = vector.broadcast %broadcast_in_dim3A_525 : f32 to vector<16xf32>
      %broadcast_in_dim3A_527 = arith.constant 0.000000e+00 : f32
      %broadcast_in_dim3A_528 = vector.broadcast %broadcast_in_dim3A_527 : f32 to vector<16xf32>
      %broadcast_in_dim3A_529 = arith.constant 0.000000e+00 : f32
      %broadcast_in_dim3A_530 = vector.broadcast %broadcast_in_dim3A_529 : f32 to vector<16xf32>
      %scan3A_531 = arith.constant 0 : i32
      %scan3A_532 = arith.constant 100 : i32
      %scan3A_533 = arith.addi %scan3A_531, %scan3A_532 : i32
      %scan3A_534 = arith.constant 2 : i32
      %scan3A_535:8 = scf.for %scan3A_591 = %scan3A_531 to %scan3A_533 step %scan3A_534 iter_args(%scan3A_592 = %broadcast_in_dim3A_516, %scan3A_593 = %broadcast_in_dim3A_518, %scan3A_594 = %broadcast_in_dim3A_520, %scan3A_595 = %broadcast_in_dim3A_522, %scan3A_596 = %broadcast_in_dim3A_524, %scan3A_597 = %broadcast_in_dim3A_526, %scan3A_598 = %broadcast_in_dim3A_528, %scan3A_599 = %broadcast_in_dim3A_530) -> (vector<16xf32>, vector<16xf32>, vector<16xf32>, vector<16xf32>, vector<16xf32>, vector<16xf32>, vector<16xf32>, vector<16xf32>)  : i32 {
        %get3A = arith.constant 4 : i32
        %get3A_600 = arith.index_cast %get3A : i32 to index
        %get3A_601 = arith.index_cast %scan3A_591 : i32 to index
        %get3A_602 = arith.constant 0 : index
        %get3A_603 = tpu.vector_load %arg6[%get3A_600, %get3A_601, %get3A_602] {strides = array<i32>} : memref<6x100x128xf32, #tpu.memory_space<vmem>>, vector<1x1x16xf32>,
        %get3A_604 = vector.shape_cast %get3A_603 : vector<1x1x16xf32> to vector<16xf32>
        %add3A_605 = arith.addf %scan3A_592, %get3A_604 : vector<16xf32>
        %get3A_606 = arith.constant 4 : i32
        %get3A_607 = arith.index_cast %get3A_606 : i32 to index
        %get3A_608 = arith.index_cast %scan3A_591 : i32 to index
        %get3A_609 = arith.constant 16 : index
        %get3A_610 = tpu.vector_load %arg6[%get3A_607, %get3A_608, %get3A_609] {strides = array<i32>} : memref<6x100x128xf32, #tpu.memory_space<vmem>>, vector<1x1x16xf32>,
        %get3A_611 = vector.shape_cast %get3A_610 : vector<1x1x16xf32> to vector<16xf32>
        %add3A_612 = arith.addf %scan3A_593, %get3A_611 : vector<16xf32>
        %get3A_613 = arith.constant 4 : i32
        %get3A_614 = arith.index_cast %get3A_613 : i32 to index
        %get3A_615 = arith.index_cast %scan3A_591 : i32 to index
        %get3A_616 = arith.constant 32 : index
        %get3A_617 = tpu.vector_load %arg6[%get3A_614, %get3A_615, %get3A_616] {strides = array<i32>} : memref<6x100x128xf32, #tpu.memory_space<vmem>>, vector<1x1x16xf32>,
        %get3A_618 = vector.shape_cast %get3A_617 : vector<1x1x16xf32> to vector<16xf32>
        %add3A_619 = arith.addf %scan3A_594, %get3A_618 : vector<16xf32>
        %get3A_620 = arith.constant 4 : i32
        %get3A_621 = arith.index_cast %get3A_620 : i32 to index
        %get3A_622 = arith.index_cast %scan3A_591 : i32 to index
        %get3A_623 = arith.constant 48 : index
        %get3A_624 = tpu.vector_load %arg6[%get3A_621, %get3A_622, %get3A_623] {strides = array<i32>} : memref<6x100x128xf32, #tpu.memory_space<vmem>>, vector<1x1x16xf32>,
        %get3A_625 = vector.shape_cast %get3A_624 : vector<1x1x16xf32> to vector<16xf32>
        %add3A_626 = arith.addf %scan3A_595, %get3A_625 : vector<16xf32>
        %get3A_627 = arith.constant 4 : i32
        %get3A_628 = arith.index_cast %get3A_627 : i32 to index
        %get3A_629 = arith.index_cast %scan3A_591 : i32 to index
        %get3A_630 = arith.constant 64 : index
        %get3A_631 = tpu.vector_load %arg6[%get3A_628, %get3A_629, %get3A_630] {strides = array<i32>} : memref<6x100x128xf32, #tpu.memory_space<vmem>>, vector<1x1x16xf32>,
        %get3A_632 = vector.shape_cast %get3A_631 : vector<1x1x16xf32> to vector<16xf32>
        %add3A_633 = arith.addf %scan3A_596, %get3A_632 : vector<16xf32>
        %get3A_634 = arith.constant 4 : i32
        %get3A_635 = arith.index_cast %get3A_634 : i32 to index
        %get3A_636 = arith.index_cast %scan3A_591 : i32 to index
        %get3A_637 = arith.constant 80 : index
        %get3A_638 = tpu.vector_load %arg6[%get3A_635, %get3A_636, %get3A_637] {strides = array<i32>} : memref<6x100x128xf32, #tpu.memory_space<vmem>>, vector<1x1x16xf32>,
        %get3A_639 = vector.shape_cast %get3A_638 : vector<1x1x16xf32> to vector<16xf32>
        %add3A_640 = arith.addf %scan3A_597, %get3A_639 : vector<16xf32>
        %get3A_641 = arith.constant 4 : i32
        %get3A_642 = arith.index_cast %get3A_641 : i32 to index
        %get3A_643 = arith.index_cast %scan3A_591 : i32 to index
        %get3A_644 = arith.constant 96 : index
        %get3A_645 = tpu.vector_load %arg6[%get3A_642, %get3A_643, %get3A_644] {strides = array<i32>} : memref<6x100x128xf32, #tpu.memory_space<vmem>>, vector<1x1x16xf32>,
        %get3A_646 = vector.shape_cast %get3A_645 : vector<1x1x16xf32> to vector<16xf32>
        %add3A_647 = arith.addf %scan3A_598, %get3A_646 : vector<16xf32>
        %get3A_648 = arith.constant 4 : i32
        %get3A_649 = arith.index_cast %get3A_648 : i32 to index
        %get3A_650 = arith.index_cast %scan3A_591 : i32 to index
        %get3A_651 = arith.constant 112 : index
        %get3A_652 = tpu.vector_load %arg6[%get3A_649, %get3A_650, %get3A_651] {strides = array<i32>} : memref<6x100x128xf32, #tpu.memory_space<vmem>>, vector<1x1x16xf32>,
        %get3A_653 = vector.shape_cast %get3A_652 : vector<1x1x16xf32> to vector<16xf32>
        %add3A_654 = arith.addf %scan3A_599, %get3A_653 : vector<16xf32>
        %get3A_655 = arith.constant 5 : i32
        %get3A_656 = arith.index_cast %get3A_655 : i32 to index
        %get3A_657 = arith.index_cast %scan3A_591 : i32 to index
        %get3A_658 = arith.constant 0 : index
        %get3A_659 = tpu.vector_load %arg6[%get3A_656, %get3A_657, %get3A_658] {strides = array<i32>} : memref<6x100x128xf32, #tpu.memory_space<vmem>>, vector<1x1x16xf32>,
        %get3A_660 = vector.shape_cast %get3A_659 : vector<1x1x16xf32> to vector<16xf32>
        %add3A_661 = arith.addf %add3A_605, %get3A_660 : vector<16xf32>
        %get3A_662 = arith.constant 5 : i32
        %get3A_663 = arith.index_cast %get3A_662 : i32 to index
        %get3A_664 = arith.index_cast %scan3A_591 : i32 to index
        %get3A_665 = arith.constant 16 : index
        %get3A_666 = tpu.vector_load %arg6[%get3A_663, %get3A_664, %get3A_665] {strides = array<i32>} : memref<6x100x128xf32, #tpu.memory_space<vmem>>, vector<1x1x16xf32>,
        %get3A_667 = vector.shape_cast %get3A_666 : vector<1x1x16xf32> to vector<16xf32>
        %add3A_668 = arith.addf %add3A_612, %get3A_667 : vector<16xf32>
        %get3A_669 = arith.constant 5 : i32
        %get3A_670 = arith.index_cast %get3A_669 : i32 to index
        %get3A_671 = arith.index_cast %scan3A_591 : i32 to index
        %get3A_672 = arith.constant 32 : index
        %get3A_673 = tpu.vector_load %arg6[%get3A_670, %get3A_671, %get3A_672] {strides = array<i32>} : memref<6x100x128xf32, #tpu.memory_space<vmem>>, vector<1x1x16xf32>,
        %get3A_674 = vector.shape_cast %get3A_673 : vector<1x1x16xf32> to vector<16xf32>
        %add3A_675 = arith.addf %add3A_619, %get3A_674 : vector<16xf32>
        %get3A_676 = arith.constant 5 : i32
        %get3A_677 = arith.index_cast %get3A_676 : i32 to index
        %get3A_678 = arith.index_cast %scan3A_591 : i32 to index
        %get3A_679 = arith.constant 48 : index
        %get3A_680 = tpu.vector_load %arg6[%get3A_677, %get3A_678, %get3A_679] {strides = array<i32>} : memref<6x100x128xf32, #tpu.memory_space<vmem>>, vector<1x1x16xf32>,
        %get3A_681 = vector.shape_cast %get3A_680 : vector<1x1x16xf32> to vector<16xf32>
        %add3A_682 = arith.addf %add3A_626, %get3A_681 : vector<16xf32>
        %get3A_683 = arith.constant 5 : i32
        %get3A_684 = arith.index_cast %get3A_683 : i32 to index
        %get3A_685 = arith.index_cast %scan3A_591 : i32 to index
        %get3A_686 = arith.constant 64 : index
        %get3A_687 = tpu.vector_load %arg6[%get3A_684, %get3A_685, %get3A_686] {strides = array<i32>} : memref<6x100x128xf32, #tpu.memory_space<vmem>>, vector<1x1x16xf32>,
        %get3A_688 = vector.shape_cast %get3A_687 : vector<1x1x16xf32> to vector<16xf32>
        %add3A_689 = arith.addf %add3A_633, %get3A_688 : vector<16xf32>
        %get3A_690 = arith.constant 5 : i32
        %get3A_691 = arith.index_cast %get3A_690 : i32 to index
        %get3A_692 = arith.index_cast %scan3A_591 : i32 to index
        %get3A_693 = arith.constant 80 : index
        %get3A_694 = tpu.vector_load %arg6[%get3A_691, %get3A_692, %get3A_693] {strides = array<i32>} : memref<6x100x128xf32, #tpu.memory_space<vmem>>, vector<1x1x16xf32>,
        %get3A_695 = vector.shape_cast %get3A_694 : vector<1x1x16xf32> to vector<16xf32>
        %add3A_696 = arith.addf %add3A_640, %get3A_695 : vector<16xf32>
        %get3A_697 = arith.constant 5 : i32
        %get3A_698 = arith.index_cast %get3A_697 : i32 to index
        %get3A_699 = arith.index_cast %scan3A_591 : i32 to index
        %get3A_700 = arith.constant 96 : index
        %get3A_701 = tpu.vector_load %arg6[%get3A_698, %get3A_699, %get3A_700] {strides = array<i32>} : memref<6x100x128xf32, #tpu.memory_space<vmem>>, vector<1x1x16xf32>,
        %get3A_702 = vector.shape_cast %get3A_701 : vector<1x1x16xf32> to vector<16xf32>
        %add3A_703 = arith.addf %add3A_647, %get3A_702 : vector<16xf32>
        %get3A_704 = arith.constant 5 : i32
        %get3A_705 = arith.index_cast %get3A_704 : i32 to index
        %get3A_706 = arith.index_cast %scan3A_591 : i32 to index
        %get3A_707 = arith.constant 112 : index
        %get3A_708 = tpu.vector_load %arg6[%get3A_705, %get3A_706, %get3A_707] {strides = array<i32>} : memref<6x100x128xf32, #tpu.memory_space<vmem>>, vector<1x1x16xf32>,
        %get3A_709 = vector.shape_cast %get3A_708 : vector<1x1x16xf32> to vector<16xf32>
        %add3A_710 = arith.addf %add3A_654, %get3A_709 : vector<16xf32>
        %scan3A_711 = arith.constant 1 : i32
        %scan3A_712 = arith.addi %scan3A_591, %scan3A_711 : i32
        %get3A_713 = arith.constant 4 : i32
        %get3A_714 = arith.index_cast %get3A_713 : i32 to index
        %get3A_715 = arith.index_cast %scan3A_712 : i32 to index
        %get3A_716 = arith.constant 0 : index
        %get3A_717 = tpu.vector_load %arg6[%get3A_714, %get3A_715, %get3A_716] {strides = array<i32>} : memref<6x100x128xf32, #tpu.memory_space<vmem>>, vector<1x1x16xf32>,
        %get3A_718 = vector.shape_cast %get3A_717 : vector<1x1x16xf32> to vector<16xf32>
        %add3A_719 = arith.addf %add3A_661, %get3A_718 : vector<16xf32>
        %get3A_720 = arith.constant 4 : i32
        %get3A_721 = arith.index_cast %get3A_720 : i32 to index
        %get3A_722 = arith.index_cast %scan3A_712 : i32 to index
        %get3A_723 = arith.constant 16 : index
        %get3A_724 = tpu.vector_load %arg6[%get3A_721, %get3A_722, %get3A_723] {strides = array<i32>} : memref<6x100x128xf32, #tpu.memory_space<vmem>>, vector<1x1x16xf32>,
        %get3A_725 = vector.shape_cast %get3A_724 : vector<1x1x16xf32> to vector<16xf32>
        %add3A_726 = arith.addf %add3A_668, %get3A_725 : vector<16xf32>
        %get3A_727 = arith.constant 4 : i32
        %get3A_728 = arith.index_cast %get3A_727 : i32 to index
        %get3A_729 = arith.index_cast %scan3A_712 : i32 to index
        %get3A_730 = arith.constant 32 : index
        %get3A_731 = tpu.vector_load %arg6[%get3A_728, %get3A_729, %get3A_730] {strides = array<i32>} : memref<6x100x128xf32, #tpu.memory_space<vmem>>, vector<1x1x16xf32>,
        %get3A_732 = vector.shape_cast %get3A_731 : vector<1x1x16xf32> to vector<16xf32>
        %add3A_733 = arith.addf %add3A_675, %get3A_732 : vector<16xf32>
        %get3A_734 = arith.constant 4 : i32
        %get3A_735 = arith.index_cast %get3A_734 : i32 to index
        %get3A_736 = arith.index_cast %scan3A_712 : i32 to index
        %get3A_737 = arith.constant 48 : index
        %get3A_738 = tpu.vector_load %arg6[%get3A_735, %get3A_736, %get3A_737] {strides = array<i32>} : memref<6x100x128xf32, #tpu.memory_space<vmem>>, vector<1x1x16xf32>,
        %get3A_739 = vector.shape_cast %get3A_738 : vector<1x1x16xf32> to vector<16xf32>
        %add3A_740 = arith.addf %add3A_682, %get3A_739 : vector<16xf32>
        %get3A_741 = arith.constant 4 : i32
        %get3A_742 = arith.index_cast %get3A_741 : i32 to index
        %get3A_743 = arith.index_cast %scan3A_712 : i32 to index
        %get3A_744 = arith.constant 64 : index
        %get3A_745 = tpu.vector_load %arg6[%get3A_742, %get3A_743, %get3A_744] {strides = array<i32>} : memref<6x100x128xf32, #tpu.memory_space<vmem>>, vector<1x1x16xf32>,
        %get3A_746 = vector.shape_cast %get3A_745 : vector<1x1x16xf32> to vector<16xf32>
        %add3A_747 = arith.addf %add3A_689, %get3A_746 : vector<16xf32>
        %get3A_748 = arith.constant 4 : i32
        %get3A_749 = arith.index_cast %get3A_748 : i32 to index
        %get3A_750 = arith.index_cast %scan3A_712 : i32 to index
        %get3A_751 = arith.constant 80 : index
        %get3A_752 = tpu.vector_load %arg6[%get3A_749, %get3A_750, %get3A_751] {strides = array<i32>} : memref<6x100x128xf32, #tpu.memory_space<vmem>>, vector<1x1x16xf32>,
        %get3A_753 = vector.shape_cast %get3A_752 : vector<1x1x16xf32> to vector<16xf32>
        %add3A_754 = arith.addf %add3A_696, %get3A_753 : vector<16xf32>
        %get3A_755 = arith.constant 4 : i32
        %get3A_756 = arith.index_cast %get3A_755 : i32 to index
        %get3A_757 = arith.index_cast %scan3A_712 : i32 to index
        %get3A_758 = arith.constant 96 : index
        %get3A_759 = tpu.vector_load %arg6[%get3A_756, %get3A_757, %get3A_758] {strides = array<i32>} : memref<6x100x128xf32, #tpu.memory_space<vmem>>, vector<1x1x16xf32>,
        %get3A_760 = vector.shape_cast %get3A_759 : vector<1x1x16xf32> to vector<16xf32>
        %add3A_761 = arith.addf %add3A_703, %get3A_760 : vector<16xf32>
        %get3A_762 = arith.constant 4 : i32
        %get3A_763 = arith.index_cast %get3A_762 : i32 to index
        %get3A_764 = arith.index_cast %scan3A_712 : i32 to index
        %get3A_765 = arith.constant 112 : index
        %get3A_766 = tpu.vector_load %arg6[%get3A_763, %get3A_764, %get3A_765] {strides = array<i32>} : memref<6x100x128xf32, #tpu.memory_space<vmem>>, vector<1x1x16xf32>,
        %get3A_767 = vector.shape_cast %get3A_766 : vector<1x1x16xf32> to vector<16xf32>
        %add3A_768 = arith.addf %add3A_710, %get3A_767 : vector<16xf32>
        %get3A_769 = arith.constant 5 : i32
        %get3A_770 = arith.index_cast %get3A_769 : i32 to index
        %get3A_771 = arith.index_cast %scan3A_712 : i32 to index
        %get3A_772 = arith.constant 0 : index
        %get3A_773 = tpu.vector_load %arg6[%get3A_770, %get3A_771, %get3A_772] {strides = array<i32>} : memref<6x100x128xf32, #tpu.memory_space<vmem>>, vector<1x1x16xf32>,
        %get3A_774 = vector.shape_cast %get3A_773 : vector<1x1x16xf32> to vector<16xf32>
        %add3A_775 = arith.addf %add3A_719, %get3A_774 : vector<16xf32>
        %get3A_776 = arith.constant 5 : i32
        %get3A_777 = arith.index_cast %get3A_776 : i32 to index
        %get3A_778 = arith.index_cast %scan3A_712 : i32 to index
        %get3A_779 = arith.constant 16 : index
        %get3A_780 = tpu.vector_load %arg6[%get3A_777, %get3A_778, %get3A_779] {strides = array<i32>} : memref<6x100x128xf32, #tpu.memory_space<vmem>>, vector<1x1x16xf32>,
        %get3A_781 = vector.shape_cast %get3A_780 : vector<1x1x16xf32> to vector<16xf32>
        %add3A_782 = arith.addf %add3A_726, %get3A_781 : vector<16xf32>
        %get3A_783 = arith.constant 5 : i32
        %get3A_784 = arith.index_cast %get3A_783 : i32 to index
        %get3A_785 = arith.index_cast %scan3A_712 : i32 to index
        %get3A_786 = arith.constant 32 : index
        %get3A_787 = tpu.vector_load %arg6[%get3A_784, %get3A_785, %get3A_786] {strides = array<i32>} : memref<6x100x128xf32, #tpu.memory_space<vmem>>, vector<1x1x16xf32>,
        %get3A_788 = vector.shape_cast %get3A_787 : vector<1x1x16xf32> to vector<16xf32>
        %add3A_789 = arith.addf %add3A_733, %get3A_788 : vector<16xf32>
        %get3A_790 = arith.constant 5 : i32
        %get3A_791 = arith.index_cast %get3A_790 : i32 to index
        %get3A_792 = arith.index_cast %scan3A_712 : i32 to index
        %get3A_793 = arith.constant 48 : index
        %get3A_794 = tpu.vector_load %arg6[%get3A_791, %get3A_792, %get3A_793] {strides = array<i32>} : memref<6x100x128xf32, #tpu.memory_space<vmem>>, vector<1x1x16xf32>,
        %get3A_795 = vector.shape_cast %get3A_794 : vector<1x1x16xf32> to vector<16xf32>
        %add3A_796 = arith.addf %add3A_740, %get3A_795 : vector<16xf32>
        %get3A_797 = arith.constant 5 : i32
        %get3A_798 = arith.index_cast %get3A_797 : i32 to index
        %get3A_799 = arith.index_cast %scan3A_712 : i32 to index
        %get3A_800 = arith.constant 64 : index
        %get3A_801 = tpu.vector_load %arg6[%get3A_798, %get3A_799, %get3A_800] {strides = array<i32>} : memref<6x100x128xf32, #tpu.memory_space<vmem>>, vector<1x1x16xf32>,
        %get3A_802 = vector.shape_cast %get3A_801 : vector<1x1x16xf32> to vector<16xf32>
        %add3A_803 = arith.addf %add3A_747, %get3A_802 : vector<16xf32>
        %get3A_804 = arith.constant 5 : i32
        %get3A_805 = arith.index_cast %get3A_804 : i32 to index
        %get3A_806 = arith.index_cast %scan3A_712 : i32 to index
        %get3A_807 = arith.constant 80 : index
        %get3A_808 = tpu.vector_load %arg6[%get3A_805, %get3A_806, %get3A_807] {strides = array<i32>} : memref<6x100x128xf32, #tpu.memory_space<vmem>>, vector<1x1x16xf32>,
        %get3A_809 = vector.shape_cast %get3A_808 : vector<1x1x16xf32> to vector<16xf32>
        %add3A_810 = arith.addf %add3A_754, %get3A_809 : vector<16xf32>
        %get3A_811 = arith.constant 5 : i32
        %get3A_812 = arith.index_cast %get3A_811 : i32 to index
        %get3A_813 = arith.index_cast %scan3A_712 : i32 to index
        %get3A_814 = arith.constant 96 : index
        %get3A_815 = tpu.vector_load %arg6[%get3A_812, %get3A_813, %get3A_814] {strides = array<i32>} : memref<6x100x128xf32, #tpu.memory_space<vmem>>, vector<1x1x16xf32>,
        %get3A_816 = vector.shape_cast %get3A_815 : vector<1x1x16xf32> to vector<16xf32>
        %add3A_817 = arith.addf %add3A_761, %get3A_816 : vector<16xf32>
        %get3A_818 = arith.constant 5 : i32
        %get3A_819 = arith.index_cast %get3A_818 : i32 to index
        %get3A_820 = arith.index_cast %scan3A_712 : i32 to index
        %get3A_821 = arith.constant 112 : index
        %get3A_822 = tpu.vector_load %arg6[%get3A_819, %get3A_820, %get3A_821] {strides = array<i32>} : memref<6x100x128xf32, #tpu.memory_space<vmem>>, vector<1x1x16xf32>,
        %get3A_823 = vector.shape_cast %get3A_822 : vector<1x1x16xf32> to vector<16xf32>
        %add3A_824 = arith.addf %add3A_768, %get3A_823 : vector<16xf32>
        scf.yield %add3A_775, %add3A_782, %add3A_789, %add3A_796, %add3A_803, %add3A_810, %add3A_817, %add3A_824 : vector<16xf32>, vector<16xf32>, vector<16xf32>, vector<16xf32>, vector<16xf32>, vector<16xf32>, vector<16xf32>, vector<16xf32>
      }
      %scan3A_536 = arith.constant 100 : i32
      %mul3A_537 = arith.constant 3 : i32
      %mul3A_538 = arith.muli %mul3A_537, %scan3A_255 : i32
      %add3A_539 = arith.constant 2 : i32
      %add3A_540 = arith.addi %mul3A_538, %add3A_539 : i32
      %swap3A_541 = arith.index_cast %add3A_540 : i32 to index
      %swap3A_542 = arith.constant 0 : index
      %swap3A_543 = tpu.vector_load %arg7[%swap3A_541, %swap3A_542] {strides = array<i32>} : memref<128x128xf32, #tpu.memory_space<vmem>>, vector<1x16xf32>,
      %swap3A_544 = vector.shape_cast %swap3A_543 : vector<1x16xf32> to vector<16xf32>
      %swap3A_545 = vector.shape_cast %scan3A_535#0 : vector<16xf32> to vector<1x16xf32>
      tpu.vector_store %arg7[%swap3A_541, %swap3A_542], %swap3A_545 {strides = array<i32>} : memref<128x128xf32, #tpu.memory_space<vmem>>, vector<1x16xf32>,
      %swap3A_546 = arith.index_cast %add3A_540 : i32 to index
      %swap3A_547 = arith.constant 16 : index
      %swap3A_548 = tpu.vector_load %arg7[%swap3A_546, %swap3A_547] {strides = array<i32>} : memref<128x128xf32, #tpu.memory_space<vmem>>, vector<1x16xf32>,
      %swap3A_549 = vector.shape_cast %swap3A_548 : vector<1x16xf32> to vector<16xf32>
      %swap3A_550 = vector.shape_cast %scan3A_535#1 : vector<16xf32> to vector<1x16xf32>
      tpu.vector_store %arg7[%swap3A_546, %swap3A_547], %swap3A_550 {strides = array<i32>} : memref<128x128xf32, #tpu.memory_space<vmem>>, vector<1x16xf32>,
      %swap3A_551 = arith.index_cast %add3A_540 : i32 to index
      %swap3A_552 = arith.constant 32 : index
      %swap3A_553 = tpu.vector_load %arg7[%swap3A_551, %swap3A_552] {strides = array<i32>} : memref<128x128xf32, #tpu.memory_space<vmem>>, vector<1x16xf32>,
      %swap3A_554 = vector.shape_cast %swap3A_553 : vector<1x16xf32> to vector<16xf32>
      %swap3A_555 = vector.shape_cast %scan3A_535#2 : vector<16xf32> to vector<1x16xf32>
      tpu.vector_store %arg7[%swap3A_551, %swap3A_552], %swap3A_555 {strides = array<i32>} : memref<128x128xf32, #tpu.memory_space<vmem>>, vector<1x16xf32>,
      %swap3A_556 = arith.index_cast %add3A_540 : i32 to index
      %swap3A_557 = arith.constant 48 : index
      %swap3A_558 = tpu.vector_load %arg7[%swap3A_556, %swap3A_557] {strides = array<i32>} : memref<128x128xf32, #tpu.memory_space<vmem>>, vector<1x16xf32>,
      %swap3A_559 = vector.shape_cast %swap3A_558 : vector<1x16xf32> to vector<16xf32>
      %swap3A_560 = vector.shape_cast %scan3A_535#3 : vector<16xf32> to vector<1x16xf32>
      tpu.vector_store %arg7[%swap3A_556, %swap3A_557], %swap3A_560 {strides = array<i32>} : memref<128x128xf32, #tpu.memory_space<vmem>>, vector<1x16xf32>,
      %swap3A_561 = arith.index_cast %add3A_540 : i32 to index
      %swap3A_562 = arith.constant 64 : index
      %swap3A_563 = tpu.vector_load %arg7[%swap3A_561, %swap3A_562] {strides = array<i32>} : memref<128x128xf32, #tpu.memory_space<vmem>>, vector<1x16xf32>,
      %swap3A_564 = vector.shape_cast %swap3A_563 : vector<1x16xf32> to vector<16xf32>
      %swap3A_565 = vector.shape_cast %scan3A_535#4 : vector<16xf32> to vector<1x16xf32>
      tpu.vector_store %arg7[%swap3A_561, %swap3A_562], %swap3A_565 {strides = array<i32>} : memref<128x128xf32, #tpu.memory_space<vmem>>, vector<1x16xf32>,
      %swap3A_566 = arith.index_cast %add3A_540 : i32 to index
      %swap3A_567 = arith.constant 80 : index
      %swap3A_568 = tpu.vector_load %arg7[%swap3A_566, %swap3A_567] {strides = array<i32>} : memref<128x128xf32, #tpu.memory_space<vmem>>, vector<1x16xf32>,
      %swap3A_569 = vector.shape_cast %swap3A_568 : vector<1x16xf32> to vector<16xf32>
      %swap3A_570 = vector.shape_cast %scan3A_535#5 : vector<16xf32> to vector<1x16xf32>
      tpu.vector_store %arg7[%swap3A_566, %swap3A_567], %swap3A_570 {strides = array<i32>} : memref<128x128xf32, #tpu.memory_space<vmem>>, vector<1x16xf32>,
      %swap3A_571 = arith.index_cast %add3A_540 : i32 to index
      %swap3A_572 = arith.constant 96 : index
      %swap3A_573 = tpu.vector_load %arg7[%swap3A_571, %swap3A_572] {strides = array<i32>} : memref<128x128xf32, #tpu.memory_space<vmem>>, vector<1x16xf32>,
      %swap3A_574 = vector.shape_cast %swap3A_573 : vector<1x16xf32> to vector<16xf32>
      %swap3A_575 = vector.shape_cast %scan3A_535#6 : vector<16xf32> to vector<1x16xf32>
      tpu.vector_store %arg7[%swap3A_571, %swap3A_572], %swap3A_575 {strides = array<i32>} : memref<128x128xf32, #tpu.memory_space<vmem>>, vector<1x16xf32>,
      %swap3A_576 = arith.index_cast %add3A_540 : i32 to index
      %swap3A_577 = arith.constant 112 : index
      %swap3A_578 = tpu.vector_load %arg7[%swap3A_576, %swap3A_577] {strides = array<i32>} : memref<128x128xf32, #tpu.memory_space<vmem>>, vector<1x16xf32>,
      %swap3A_579 = vector.shape_cast %swap3A_578 : vector<1x16xf32> to vector<16xf32>
      %swap3A_580 = vector.shape_cast %scan3A_535#7 : vector<16xf32> to vector<1x16xf32>
      tpu.vector_store %arg7[%swap3A_576, %swap3A_577], %swap3A_580 {strides = array<i32>} : memref<128x128xf32, #tpu.memory_space<vmem>>, vector<1x16xf32>,
      %add3A_581 = arith.constant 6 : i32
      %add3A_582 = arith.addi %mul3A_258, %add3A_581 : i32
      %add3A_583 = arith.constant 4 : i32
      %add3A_584 = arith.addi %add3A_582, %add3A_583 : i32
      %lt3A_585 = arith.constant 256 : i32
      %lt3A_586 = arith.cmpi slt, %add3A_584, %lt3A_585 : i32
      %convert_element_type3A_587 = arith.extui %lt3A_586 : i1 to i32
      %cond3A_588 = arith.constant 0 : i32
      %cond3A_589 = arith.cmpi ne, %convert_element_type3A_587, %cond3A_588 : i32
      scf.if %cond3A_589 {
        %add3A_591 = arith.constant 6 : i32
        %add3A_592 = arith.addi %mul3A_258, %add3A_591 : i32
        %add3A_593 = arith.constant 4 : i32
        %add3A_594 = arith.addi %add3A_592, %add3A_593 : i32
        %dma_start3A_595 = arith.constant 4 : i32
        %dma_start3A_596 = arith.constant 0 : i32
        %dma_start3A_597 = arith.constant 0 : i32
        %dma_start3A_598 = tpu.memref_slice %arg6[%dma_start3A_595, %dma_start3A_596, %dma_start3A_597] : memref<6x100x128xf32, #tpu.memory_space<vmem>> -> memref<1x100x128xf32, #tpu.memory_space<vmem>>
        %dma_start3A_599 = tpu.memref_squeeze %dma_start3A_598 : memref<1x100x128xf32, #tpu.memory_space<vmem>> -> memref<100x128xf32, #tpu.memory_space<vmem>>
        %dma_start3A_600 = arith.constant 0 : i32
        %dma_start3A_601 = tpu.memref_slice %arg5[%add3A_594, %dma_start3A_600] : memref<256x100xi32, #tpu.memory_space<vmem>> -> memref<1x100xi32, #tpu.memory_space<vmem>>
        %dma_start3A_602 = tpu.memref_squeeze %dma_start3A_601 : memref<1x100xi32, #tpu.memory_space<vmem>> -> memref<100xi32, #tpu.memory_space<vmem>>
        %dma_start3A_603 = arith.constant 0 : i32
        %dma_start3A_604 = arith.constant 0 : i32
        %dma_start3A_605 = tpu.memref_slice %arg3[%dma_start3A_603, %dma_start3A_604] : memref<1000000x128xf32, #tpu.memory_space<hbm>> -> memref<1000000x128xf32, #tpu.memory_space<hbm>>
        tpu.enqueue_indirect_dma source(%dma_start3A_605 : memref<1000000x128xf32, #tpu.memory_space<hbm>>) target(%dma_start3A_599 : memref<100x128xf32, #tpu.memory_space<vmem>>) offsets(%dma_start3A_602 : memref<100xi32, #tpu.memory_space<vmem>>) semaphore(%arg12 : memref<!tpu.dma_semaphore, #tpu.memory_space<semaphore_mem>>)
      } else {
      }
      %scan3A_590 = arith.constant 0 : i32
      scf.yield %scan3A_590 : i32
    }
    %scan3A_67 = arith.constant 42 : i32
    %dma_wait3A = arith.constant 252 : i32
    %dma_wait3A_68 = arith.constant 0 : i32
    %dma_wait3A_69 = arith.constant 0 : i32
    %dma_wait3A_70 = arith.constant 0 : i32
    %dma_wait3A_71 = tpu.memref_slice %arg6[%dma_wait3A_68, %dma_wait3A_69, %dma_wait3A_70] : memref<6x100x128xf32, #tpu.memory_space<vmem>> -> memref<1x100x128xf32, #tpu.memory_space<vmem>>
    %dma_wait3A_72 = tpu.memref_squeeze %dma_wait3A_71 : memref<1x100x128xf32, #tpu.memory_space<vmem>> -> memref<100x128xf32, #tpu.memory_space<vmem>>
    %dma_wait3A_73 = arith.constant 0 : i32
    %dma_wait3A_74 = tpu.memref_slice %arg5[%dma_wait3A, %dma_wait3A_73] : memref<256x100xi32, #tpu.memory_space<vmem>> -> memref<1x100xi32, #tpu.memory_space<vmem>>
    %dma_wait3A_75 = tpu.memref_squeeze %dma_wait3A_74 : memref<1x100xi32, #tpu.memory_space<vmem>> -> memref<100xi32, #tpu.memory_space<vmem>>
    %dma_wait3A_76 = arith.constant 0 : i32
    %dma_wait3A_77 = arith.constant 0 : i32
    %dma_wait3A_78 = tpu.memref_slice %arg3[%dma_wait3A_76, %dma_wait3A_77] : memref<1000000x128xf32, #tpu.memory_space<hbm>> -> memref<1000000x128xf32, #tpu.memory_space<hbm>>
    tpu.wait_indirect_dma semaphore(%arg8 : memref<!tpu.dma_semaphore, #tpu.memory_space<semaphore_mem>>) src(%dma_wait3A_78 : memref<1000000x128xf32, #tpu.memory_space<hbm>>) dst(%dma_wait3A_72 : memref<100x128xf32, #tpu.memory_space<vmem>>)
    %dma_wait3A_79 = arith.constant 253 : i32
    %dma_wait3A_80 = arith.constant 1 : i32
    %dma_wait3A_81 = arith.constant 0 : i32
    %dma_wait3A_82 = arith.constant 0 : i32
    %dma_wait3A_83 = tpu.memref_slice %arg6[%dma_wait3A_80, %dma_wait3A_81, %dma_wait3A_82] : memref<6x100x128xf32, #tpu.memory_space<vmem>> -> memref<1x100x128xf32, #tpu.memory_space<vmem>>
    %dma_wait3A_84 = tpu.memref_squeeze %dma_wait3A_83 : memref<1x100x128xf32, #tpu.memory_space<vmem>> -> memref<100x128xf32, #tpu.memory_space<vmem>>
    %dma_wait3A_85 = arith.constant 0 : i32
    %dma_wait3A_86 = tpu.memref_slice %arg5[%dma_wait3A_79, %dma_wait3A_85] : memref<256x100xi32, #tpu.memory_space<vmem>> -> memref<1x100xi32, #tpu.memory_space<vmem>>
    %dma_wait3A_87 = tpu.memref_squeeze %dma_wait3A_86 : memref<1x100xi32, #tpu.memory_space<vmem>> -> memref<100xi32, #tpu.memory_space<vmem>>
    %dma_wait3A_88 = arith.constant 0 : i32
    %dma_wait3A_89 = arith.constant 0 : i32
    %dma_wait3A_90 = tpu.memref_slice %arg3[%dma_wait3A_88, %dma_wait3A_89] : memref<1000000x128xf32, #tpu.memory_space<hbm>> -> memref<1000000x128xf32, #tpu.memory_space<hbm>>
    tpu.wait_indirect_dma semaphore(%arg9 : memref<!tpu.dma_semaphore, #tpu.memory_space<semaphore_mem>>) src(%dma_wait3A_90 : memref<1000000x128xf32, #tpu.memory_space<hbm>>) dst(%dma_wait3A_84 : memref<100x128xf32, #tpu.memory_space<vmem>>)
    %broadcast_in_dim3A = arith.constant 0.000000e+00 : f32
    %broadcast_in_dim3A_91 = vector.broadcast %broadcast_in_dim3A : f32 to vector<16xf32>
    %broadcast_in_dim3A_92 = arith.constant 0.000000e+00 : f32
    %broadcast_in_dim3A_93 = vector.broadcast %broadcast_in_dim3A_92 : f32 to vector<16xf32>
    %broadcast_in_dim3A_94 = arith.constant 0.000000e+00 : f32
    %broadcast_in_dim3A_95 = vector.broadcast %broadcast_in_dim3A_94 : f32 to vector<16xf32>
    %broadcast_in_dim3A_96 = arith.constant 0.000000e+00 : f32
    %broadcast_in_dim3A_97 = vector.broadcast %broadcast_in_dim3A_96 : f32 to vector<16xf32>
    %broadcast_in_dim3A_98 = arith.constant 0.000000e+00 : f32
    %broadcast_in_dim3A_99 = vector.broadcast %broadcast_in_dim3A_98 : f32 to vector<16xf32>
    %broadcast_in_dim3A_100 = arith.constant 0.000000e+00 : f32
    %broadcast_in_dim3A_101 = vector.broadcast %broadcast_in_dim3A_100 : f32 to vector<16xf32>
    %broadcast_in_dim3A_102 = arith.constant 0.000000e+00 : f32
    %broadcast_in_dim3A_103 = vector.broadcast %broadcast_in_dim3A_102 : f32 to vector<16xf32>
    %broadcast_in_dim3A_104 = arith.constant 0.000000e+00 : f32
    %broadcast_in_dim3A_105 = vector.broadcast %broadcast_in_dim3A_104 : f32 to vector<16xf32>
    %scan3A_106 = arith.constant 0 : i32
    %scan3A_107 = arith.constant 100 : i32
    %scan3A_108 = arith.addi %scan3A_106, %scan3A_107 : i32
    %scan3A_109 = arith.constant 2 : i32
    %scan3A_110:8 = scf.for %scan3A_255 = %scan3A_106 to %scan3A_108 step %scan3A_109 iter_args(%scan3A_256 = %broadcast_in_dim3A_91, %scan3A_257 = %broadcast_in_dim3A_93, %scan3A_258 = %broadcast_in_dim3A_95, %scan3A_259 = %broadcast_in_dim3A_97, %scan3A_260 = %broadcast_in_dim3A_99, %scan3A_261 = %broadcast_in_dim3A_101, %scan3A_262 = %broadcast_in_dim3A_103, %scan3A_263 = %broadcast_in_dim3A_105) -> (vector<16xf32>, vector<16xf32>, vector<16xf32>, vector<16xf32>, vector<16xf32>, vector<16xf32>, vector<16xf32>, vector<16xf32>)  : i32 {
      %get3A = arith.constant 0 : i32
      %get3A_264 = arith.index_cast %get3A : i32 to index
      %get3A_265 = arith.index_cast %scan3A_255 : i32 to index
      %get3A_266 = arith.constant 0 : index
      %get3A_267 = tpu.vector_load %arg6[%get3A_264, %get3A_265, %get3A_266] {strides = array<i32>} : memref<6x100x128xf32, #tpu.memory_space<vmem>>, vector<1x1x16xf32>,
      %get3A_268 = vector.shape_cast %get3A_267 : vector<1x1x16xf32> to vector<16xf32>
      %add3A_269 = arith.addf %scan3A_256, %get3A_268 : vector<16xf32>
      %get3A_270 = arith.constant 0 : i32
      %get3A_271 = arith.index_cast %get3A_270 : i32 to index
      %get3A_272 = arith.index_cast %scan3A_255 : i32 to index
      %get3A_273 = arith.constant 16 : index
      %get3A_274 = tpu.vector_load %arg6[%get3A_271, %get3A_272, %get3A_273] {strides = array<i32>} : memref<6x100x128xf32, #tpu.memory_space<vmem>>, vector<1x1x16xf32>,
      %get3A_275 = vector.shape_cast %get3A_274 : vector<1x1x16xf32> to vector<16xf32>
      %add3A_276 = arith.addf %scan3A_257, %get3A_275 : vector<16xf32>
      %get3A_277 = arith.constant 0 : i32
      %get3A_278 = arith.index_cast %get3A_277 : i32 to index
      %get3A_279 = arith.index_cast %scan3A_255 : i32 to index
      %get3A_280 = arith.constant 32 : index
      %get3A_281 = tpu.vector_load %arg6[%get3A_278, %get3A_279, %get3A_280] {strides = array<i32>} : memref<6x100x128xf32, #tpu.memory_space<vmem>>, vector<1x1x16xf32>,
      %get3A_282 = vector.shape_cast %get3A_281 : vector<1x1x16xf32> to vector<16xf32>
      %add3A_283 = arith.addf %scan3A_258, %get3A_282 : vector<16xf32>
      %get3A_284 = arith.constant 0 : i32
      %get3A_285 = arith.index_cast %get3A_284 : i32 to index
      %get3A_286 = arith.index_cast %scan3A_255 : i32 to index
      %get3A_287 = arith.constant 48 : index
      %get3A_288 = tpu.vector_load %arg6[%get3A_285, %get3A_286, %get3A_287] {strides = array<i32>} : memref<6x100x128xf32, #tpu.memory_space<vmem>>, vector<1x1x16xf32>,
      %get3A_289 = vector.shape_cast %get3A_288 : vector<1x1x16xf32> to vector<16xf32>
      %add3A_290 = arith.addf %scan3A_259, %get3A_289 : vector<16xf32>
      %get3A_291 = arith.constant 0 : i32
      %get3A_292 = arith.index_cast %get3A_291 : i32 to index
      %get3A_293 = arith.index_cast %scan3A_255 : i32 to index
      %get3A_294 = arith.constant 64 : index
      %get3A_295 = tpu.vector_load %arg6[%get3A_292, %get3A_293, %get3A_294] {strides = array<i32>} : memref<6x100x128xf32, #tpu.memory_space<vmem>>, vector<1x1x16xf32>,
      %get3A_296 = vector.shape_cast %get3A_295 : vector<1x1x16xf32> to vector<16xf32>
      %add3A_297 = arith.addf %scan3A_260, %get3A_296 : vector<16xf32>
      %get3A_298 = arith.constant 0 : i32
      %get3A_299 = arith.index_cast %get3A_298 : i32 to index
      %get3A_300 = arith.index_cast %scan3A_255 : i32 to index
      %get3A_301 = arith.constant 80 : index
      %get3A_302 = tpu.vector_load %arg6[%get3A_299, %get3A_300, %get3A_301] {strides = array<i32>} : memref<6x100x128xf32, #tpu.memory_space<vmem>>, vector<1x1x16xf32>,
      %get3A_303 = vector.shape_cast %get3A_302 : vector<1x1x16xf32> to vector<16xf32>
      %add3A_304 = arith.addf %scan3A_261, %get3A_303 : vector<16xf32>
      %get3A_305 = arith.constant 0 : i32
      %get3A_306 = arith.index_cast %get3A_305 : i32 to index
      %get3A_307 = arith.index_cast %scan3A_255 : i32 to index
      %get3A_308 = arith.constant 96 : index
      %get3A_309 = tpu.vector_load %arg6[%get3A_306, %get3A_307, %get3A_308] {strides = array<i32>} : memref<6x100x128xf32, #tpu.memory_space<vmem>>, vector<1x1x16xf32>,
      %get3A_310 = vector.shape_cast %get3A_309 : vector<1x1x16xf32> to vector<16xf32>
      %add3A_311 = arith.addf %scan3A_262, %get3A_310 : vector<16xf32>
      %get3A_312 = arith.constant 0 : i32
      %get3A_313 = arith.index_cast %get3A_312 : i32 to index
      %get3A_314 = arith.index_cast %scan3A_255 : i32 to index
      %get3A_315 = arith.constant 112 : index
      %get3A_316 = tpu.vector_load %arg6[%get3A_313, %get3A_314, %get3A_315] {strides = array<i32>} : memref<6x100x128xf32, #tpu.memory_space<vmem>>, vector<1x1x16xf32>,
      %get3A_317 = vector.shape_cast %get3A_316 : vector<1x1x16xf32> to vector<16xf32>
      %add3A_318 = arith.addf %scan3A_263, %get3A_317 : vector<16xf32>
      %get3A_319 = arith.constant 1 : i32
      %get3A_320 = arith.index_cast %get3A_319 : i32 to index
      %get3A_321 = arith.index_cast %scan3A_255 : i32 to index
      %get3A_322 = arith.constant 0 : index
      %get3A_323 = tpu.vector_load %arg6[%get3A_320, %get3A_321, %get3A_322] {strides = array<i32>} : memref<6x100x128xf32, #tpu.memory_space<vmem>>, vector<1x1x16xf32>,
      %get3A_324 = vector.shape_cast %get3A_323 : vector<1x1x16xf32> to vector<16xf32>
      %add3A_325 = arith.addf %add3A_269, %get3A_324 : vector<16xf32>
      %get3A_326 = arith.constant 1 : i32
      %get3A_327 = arith.index_cast %get3A_326 : i32 to index
      %get3A_328 = arith.index_cast %scan3A_255 : i32 to index
      %get3A_329 = arith.constant 16 : index
      %get3A_330 = tpu.vector_load %arg6[%get3A_327, %get3A_328, %get3A_329] {strides = array<i32>} : memref<6x100x128xf32, #tpu.memory_space<vmem>>, vector<1x1x16xf32>,
      %get3A_331 = vector.shape_cast %get3A_330 : vector<1x1x16xf32> to vector<16xf32>
      %add3A_332 = arith.addf %add3A_276, %get3A_331 : vector<16xf32>
      %get3A_333 = arith.constant 1 : i32
      %get3A_334 = arith.index_cast %get3A_333 : i32 to index
      %get3A_335 = arith.index_cast %scan3A_255 : i32 to index
      %get3A_336 = arith.constant 32 : index
      %get3A_337 = tpu.vector_load %arg6[%get3A_334, %get3A_335, %get3A_336] {strides = array<i32>} : memref<6x100x128xf32, #tpu.memory_space<vmem>>, vector<1x1x16xf32>,
      %get3A_338 = vector.shape_cast %get3A_337 : vector<1x1x16xf32> to vector<16xf32>
      %add3A_339 = arith.addf %add3A_283, %get3A_338 : vector<16xf32>
      %get3A_340 = arith.constant 1 : i32
      %get3A_341 = arith.index_cast %get3A_340 : i32 to index
      %get3A_342 = arith.index_cast %scan3A_255 : i32 to index
      %get3A_343 = arith.constant 48 : index
      %get3A_344 = tpu.vector_load %arg6[%get3A_341, %get3A_342, %get3A_343] {strides = array<i32>} : memref<6x100x128xf32, #tpu.memory_space<vmem>>, vector<1x1x16xf32>,
      %get3A_345 = vector.shape_cast %get3A_344 : vector<1x1x16xf32> to vector<16xf32>
      %add3A_346 = arith.addf %add3A_290, %get3A_345 : vector<16xf32>
      %get3A_347 = arith.constant 1 : i32
      %get3A_348 = arith.index_cast %get3A_347 : i32 to index
      %get3A_349 = arith.index_cast %scan3A_255 : i32 to index
      %get3A_350 = arith.constant 64 : index
      %get3A_351 = tpu.vector_load %arg6[%get3A_348, %get3A_349, %get3A_350] {strides = array<i32>} : memref<6x100x128xf32, #tpu.memory_space<vmem>>, vector<1x1x16xf32>,
      %get3A_352 = vector.shape_cast %get3A_351 : vector<1x1x16xf32> to vector<16xf32>
      %add3A_353 = arith.addf %add3A_297, %get3A_352 : vector<16xf32>
      %get3A_354 = arith.constant 1 : i32
      %get3A_355 = arith.index_cast %get3A_354 : i32 to index
      %get3A_356 = arith.index_cast %scan3A_255 : i32 to index
      %get3A_357 = arith.constant 80 : index
      %get3A_358 = tpu.vector_load %arg6[%get3A_355, %get3A_356, %get3A_357] {strides = array<i32>} : memref<6x100x128xf32, #tpu.memory_space<vmem>>, vector<1x1x16xf32>,
      %get3A_359 = vector.shape_cast %get3A_358 : vector<1x1x16xf32> to vector<16xf32>
      %add3A_360 = arith.addf %add3A_304, %get3A_359 : vector<16xf32>
      %get3A_361 = arith.constant 1 : i32
      %get3A_362 = arith.index_cast %get3A_361 : i32 to index
      %get3A_363 = arith.index_cast %scan3A_255 : i32 to index
      %get3A_364 = arith.constant 96 : index
      %get3A_365 = tpu.vector_load %arg6[%get3A_362, %get3A_363, %get3A_364] {strides = array<i32>} : memref<6x100x128xf32, #tpu.memory_space<vmem>>, vector<1x1x16xf32>,
      %get3A_366 = vector.shape_cast %get3A_365 : vector<1x1x16xf32> to vector<16xf32>
      %add3A_367 = arith.addf %add3A_311, %get3A_366 : vector<16xf32>
      %get3A_368 = arith.constant 1 : i32
      %get3A_369 = arith.index_cast %get3A_368 : i32 to index
      %get3A_370 = arith.index_cast %scan3A_255 : i32 to index
      %get3A_371 = arith.constant 112 : index
      %get3A_372 = tpu.vector_load %arg6[%get3A_369, %get3A_370, %get3A_371] {strides = array<i32>} : memref<6x100x128xf32, #tpu.memory_space<vmem>>, vector<1x1x16xf32>,
      %get3A_373 = vector.shape_cast %get3A_372 : vector<1x1x16xf32> to vector<16xf32>
      %add3A_374 = arith.addf %add3A_318, %get3A_373 : vector<16xf32>
      %scan3A_375 = arith.constant 1 : i32
      %scan3A_376 = arith.addi %scan3A_255, %scan3A_375 : i32
      %get3A_377 = arith.constant 0 : i32
      %get3A_378 = arith.index_cast %get3A_377 : i32 to index
      %get3A_379 = arith.index_cast %scan3A_376 : i32 to index
      %get3A_380 = arith.constant 0 : index
      %get3A_381 = tpu.vector_load %arg6[%get3A_378, %get3A_379, %get3A_380] {strides = array<i32>} : memref<6x100x128xf32, #tpu.memory_space<vmem>>, vector<1x1x16xf32>,
      %get3A_382 = vector.shape_cast %get3A_381 : vector<1x1x16xf32> to vector<16xf32>
      %add3A_383 = arith.addf %add3A_325, %get3A_382 : vector<16xf32>
      %get3A_384 = arith.constant 0 : i32
      %get3A_385 = arith.index_cast %get3A_384 : i32 to index
      %get3A_386 = arith.index_cast %scan3A_376 : i32 to index
      %get3A_387 = arith.constant 16 : index
      %get3A_388 = tpu.vector_load %arg6[%get3A_385, %get3A_386, %get3A_387] {strides = array<i32>} : memref<6x100x128xf32, #tpu.memory_space<vmem>>, vector<1x1x16xf32>,
      %get3A_389 = vector.shape_cast %get3A_388 : vector<1x1x16xf32> to vector<16xf32>
      %add3A_390 = arith.addf %add3A_332, %get3A_389 : vector<16xf32>
      %get3A_391 = arith.constant 0 : i32
      %get3A_392 = arith.index_cast %get3A_391 : i32 to index
      %get3A_393 = arith.index_cast %scan3A_376 : i32 to index
      %get3A_394 = arith.constant 32 : index
      %get3A_395 = tpu.vector_load %arg6[%get3A_392, %get3A_393, %get3A_394] {strides = array<i32>} : memref<6x100x128xf32, #tpu.memory_space<vmem>>, vector<1x1x16xf32>,
      %get3A_396 = vector.shape_cast %get3A_395 : vector<1x1x16xf32> to vector<16xf32>
      %add3A_397 = arith.addf %add3A_339, %get3A_396 : vector<16xf32>
      %get3A_398 = arith.constant 0 : i32
      %get3A_399 = arith.index_cast %get3A_398 : i32 to index
      %get3A_400 = arith.index_cast %scan3A_376 : i32 to index
      %get3A_401 = arith.constant 48 : index
      %get3A_402 = tpu.vector_load %arg6[%get3A_399, %get3A_400, %get3A_401] {strides = array<i32>} : memref<6x100x128xf32, #tpu.memory_space<vmem>>, vector<1x1x16xf32>,
      %get3A_403 = vector.shape_cast %get3A_402 : vector<1x1x16xf32> to vector<16xf32>
      %add3A_404 = arith.addf %add3A_346, %get3A_403 : vector<16xf32>
      %get3A_405 = arith.constant 0 : i32
      %get3A_406 = arith.index_cast %get3A_405 : i32 to index
      %get3A_407 = arith.index_cast %scan3A_376 : i32 to index
      %get3A_408 = arith.constant 64 : index
      %get3A_409 = tpu.vector_load %arg6[%get3A_406, %get3A_407, %get3A_408] {strides = array<i32>} : memref<6x100x128xf32, #tpu.memory_space<vmem>>, vector<1x1x16xf32>,
      %get3A_410 = vector.shape_cast %get3A_409 : vector<1x1x16xf32> to vector<16xf32>
      %add3A_411 = arith.addf %add3A_353, %get3A_410 : vector<16xf32>
      %get3A_412 = arith.constant 0 : i32
      %get3A_413 = arith.index_cast %get3A_412 : i32 to index
      %get3A_414 = arith.index_cast %scan3A_376 : i32 to index
      %get3A_415 = arith.constant 80 : index
      %get3A_416 = tpu.vector_load %arg6[%get3A_413, %get3A_414, %get3A_415] {strides = array<i32>} : memref<6x100x128xf32, #tpu.memory_space<vmem>>, vector<1x1x16xf32>,
      %get3A_417 = vector.shape_cast %get3A_416 : vector<1x1x16xf32> to vector<16xf32>
      %add3A_418 = arith.addf %add3A_360, %get3A_417 : vector<16xf32>
      %get3A_419 = arith.constant 0 : i32
      %get3A_420 = arith.index_cast %get3A_419 : i32 to index
      %get3A_421 = arith.index_cast %scan3A_376 : i32 to index
      %get3A_422 = arith.constant 96 : index
      %get3A_423 = tpu.vector_load %arg6[%get3A_420, %get3A_421, %get3A_422] {strides = array<i32>} : memref<6x100x128xf32, #tpu.memory_space<vmem>>, vector<1x1x16xf32>,
      %get3A_424 = vector.shape_cast %get3A_423 : vector<1x1x16xf32> to vector<16xf32>
      %add3A_425 = arith.addf %add3A_367, %get3A_424 : vector<16xf32>
      %get3A_426 = arith.constant 0 : i32
      %get3A_427 = arith.index_cast %get3A_426 : i32 to index
      %get3A_428 = arith.index_cast %scan3A_376 : i32 to index
      %get3A_429 = arith.constant 112 : index
      %get3A_430 = tpu.vector_load %arg6[%get3A_427, %get3A_428, %get3A_429] {strides = array<i32>} : memref<6x100x128xf32, #tpu.memory_space<vmem>>, vector<1x1x16xf32>,
      %get3A_431 = vector.shape_cast %get3A_430 : vector<1x1x16xf32> to vector<16xf32>
      %add3A_432 = arith.addf %add3A_374, %get3A_431 : vector<16xf32>
      %get3A_433 = arith.constant 1 : i32
      %get3A_434 = arith.index_cast %get3A_433 : i32 to index
      %get3A_435 = arith.index_cast %scan3A_376 : i32 to index
      %get3A_436 = arith.constant 0 : index
      %get3A_437 = tpu.vector_load %arg6[%get3A_434, %get3A_435, %get3A_436] {strides = array<i32>} : memref<6x100x128xf32, #tpu.memory_space<vmem>>, vector<1x1x16xf32>,
      %get3A_438 = vector.shape_cast %get3A_437 : vector<1x1x16xf32> to vector<16xf32>
      %add3A_439 = arith.addf %add3A_383, %get3A_438 : vector<16xf32>
      %get3A_440 = arith.constant 1 : i32
      %get3A_441 = arith.index_cast %get3A_440 : i32 to index
      %get3A_442 = arith.index_cast %scan3A_376 : i32 to index
      %get3A_443 = arith.constant 16 : index
      %get3A_444 = tpu.vector_load %arg6[%get3A_441, %get3A_442, %get3A_443] {strides = array<i32>} : memref<6x100x128xf32, #tpu.memory_space<vmem>>, vector<1x1x16xf32>,
      %get3A_445 = vector.shape_cast %get3A_444 : vector<1x1x16xf32> to vector<16xf32>
      %add3A_446 = arith.addf %add3A_390, %get3A_445 : vector<16xf32>
      %get3A_447 = arith.constant 1 : i32
      %get3A_448 = arith.index_cast %get3A_447 : i32 to index
      %get3A_449 = arith.index_cast %scan3A_376 : i32 to index
      %get3A_450 = arith.constant 32 : index
      %get3A_451 = tpu.vector_load %arg6[%get3A_448, %get3A_449, %get3A_450] {strides = array<i32>} : memref<6x100x128xf32, #tpu.memory_space<vmem>>, vector<1x1x16xf32>,
      %get3A_452 = vector.shape_cast %get3A_451 : vector<1x1x16xf32> to vector<16xf32>
      %add3A_453 = arith.addf %add3A_397, %get3A_452 : vector<16xf32>
      %get3A_454 = arith.constant 1 : i32
      %get3A_455 = arith.index_cast %get3A_454 : i32 to index
      %get3A_456 = arith.index_cast %scan3A_376 : i32 to index
      %get3A_457 = arith.constant 48 : index
      %get3A_458 = tpu.vector_load %arg6[%get3A_455, %get3A_456, %get3A_457] {strides = array<i32>} : memref<6x100x128xf32, #tpu.memory_space<vmem>>, vector<1x1x16xf32>,
      %get3A_459 = vector.shape_cast %get3A_458 : vector<1x1x16xf32> to vector<16xf32>
      %add3A_460 = arith.addf %add3A_404, %get3A_459 : vector<16xf32>
      %get3A_461 = arith.constant 1 : i32
      %get3A_462 = arith.index_cast %get3A_461 : i32 to index
      %get3A_463 = arith.index_cast %scan3A_376 : i32 to index
      %get3A_464 = arith.constant 64 : index
      %get3A_465 = tpu.vector_load %arg6[%get3A_462, %get3A_463, %get3A_464] {strides = array<i32>} : memref<6x100x128xf32, #tpu.memory_space<vmem>>, vector<1x1x16xf32>,
      %get3A_466 = vector.shape_cast %get3A_465 : vector<1x1x16xf32> to vector<16xf32>
      %add3A_467 = arith.addf %add3A_411, %get3A_466 : vector<16xf32>
      %get3A_468 = arith.constant 1 : i32
      %get3A_469 = arith.index_cast %get3A_468 : i32 to index
      %get3A_470 = arith.index_cast %scan3A_376 : i32 to index
      %get3A_471 = arith.constant 80 : index
      %get3A_472 = tpu.vector_load %arg6[%get3A_469, %get3A_470, %get3A_471] {strides = array<i32>} : memref<6x100x128xf32, #tpu.memory_space<vmem>>, vector<1x1x16xf32>,
      %get3A_473 = vector.shape_cast %get3A_472 : vector<1x1x16xf32> to vector<16xf32>
      %add3A_474 = arith.addf %add3A_418, %get3A_473 : vector<16xf32>
      %get3A_475 = arith.constant 1 : i32
      %get3A_476 = arith.index_cast %get3A_475 : i32 to index
      %get3A_477 = arith.index_cast %scan3A_376 : i32 to index
      %get3A_478 = arith.constant 96 : index
      %get3A_479 = tpu.vector_load %arg6[%get3A_476, %get3A_477, %get3A_478] {strides = array<i32>} : memref<6x100x128xf32, #tpu.memory_space<vmem>>, vector<1x1x16xf32>,
      %get3A_480 = vector.shape_cast %get3A_479 : vector<1x1x16xf32> to vector<16xf32>
      %add3A_481 = arith.addf %add3A_425, %get3A_480 : vector<16xf32>
      %get3A_482 = arith.constant 1 : i32
      %get3A_483 = arith.index_cast %get3A_482 : i32 to index
      %get3A_484 = arith.index_cast %scan3A_376 : i32 to index
      %get3A_485 = arith.constant 112 : index
      %get3A_486 = tpu.vector_load %arg6[%get3A_483, %get3A_484, %get3A_485] {strides = array<i32>} : memref<6x100x128xf32, #tpu.memory_space<vmem>>, vector<1x1x16xf32>,
      %get3A_487 = vector.shape_cast %get3A_486 : vector<1x1x16xf32> to vector<16xf32>
      %add3A_488 = arith.addf %add3A_432, %get3A_487 : vector<16xf32>
      scf.yield %add3A_439, %add3A_446, %add3A_453, %add3A_460, %add3A_467, %add3A_474, %add3A_481, %add3A_488 : vector<16xf32>, vector<16xf32>, vector<16xf32>, vector<16xf32>, vector<16xf32>, vector<16xf32>, vector<16xf32>, vector<16xf32>
    }
    %scan3A_111 = arith.constant 100 : i32
    %swap3A = arith.constant 126 : i32
    %swap3A_112 = arith.index_cast %swap3A : i32 to index
    %swap3A_113 = arith.constant 0 : index
    %swap3A_114 = tpu.vector_load %arg7[%swap3A_112, %swap3A_113] {strides = array<i32>} : memref<128x128xf32, #tpu.memory_space<vmem>>, vector<1x16xf32>,
    %swap3A_115 = vector.shape_cast %swap3A_114 : vector<1x16xf32> to vector<16xf32>
    %swap3A_116 = vector.shape_cast %scan3A_110#0 : vector<16xf32> to vector<1x16xf32>
    tpu.vector_store %arg7[%swap3A_112, %swap3A_113], %swap3A_116 {strides = array<i32>} : memref<128x128xf32, #tpu.memory_space<vmem>>, vector<1x16xf32>,
    %swap3A_117 = arith.constant 126 : i32
    %swap3A_118 = arith.index_cast %swap3A_117 : i32 to index
    %swap3A_119 = arith.constant 16 : index
    %swap3A_120 = tpu.vector_load %arg7[%swap3A_118, %swap3A_119] {strides = array<i32>} : memref<128x128xf32, #tpu.memory_space<vmem>>, vector<1x16xf32>,
    %swap3A_121 = vector.shape_cast %swap3A_120 : vector<1x16xf32> to vector<16xf32>
    %swap3A_122 = vector.shape_cast %scan3A_110#1 : vector<16xf32> to vector<1x16xf32>
    tpu.vector_store %arg7[%swap3A_118, %swap3A_119], %swap3A_122 {strides = array<i32>} : memref<128x128xf32, #tpu.memory_space<vmem>>, vector<1x16xf32>,
    %swap3A_123 = arith.constant 126 : i32
    %swap3A_124 = arith.index_cast %swap3A_123 : i32 to index
    %swap3A_125 = arith.constant 32 : index
    %swap3A_126 = tpu.vector_load %arg7[%swap3A_124, %swap3A_125] {strides = array<i32>} : memref<128x128xf32, #tpu.memory_space<vmem>>, vector<1x16xf32>,
    %swap3A_127 = vector.shape_cast %swap3A_126 : vector<1x16xf32> to vector<16xf32>
    %swap3A_128 = vector.shape_cast %scan3A_110#2 : vector<16xf32> to vector<1x16xf32>
    tpu.vector_store %arg7[%swap3A_124, %swap3A_125], %swap3A_128 {strides = array<i32>} : memref<128x128xf32, #tpu.memory_space<vmem>>, vector<1x16xf32>,
    %swap3A_129 = arith.constant 126 : i32
    %swap3A_130 = arith.index_cast %swap3A_129 : i32 to index
    %swap3A_131 = arith.constant 48 : index
    %swap3A_132 = tpu.vector_load %arg7[%swap3A_130, %swap3A_131] {strides = array<i32>} : memref<128x128xf32, #tpu.memory_space<vmem>>, vector<1x16xf32>,
    %swap3A_133 = vector.shape_cast %swap3A_132 : vector<1x16xf32> to vector<16xf32>
    %swap3A_134 = vector.shape_cast %scan3A_110#3 : vector<16xf32> to vector<1x16xf32>
    tpu.vector_store %arg7[%swap3A_130, %swap3A_131], %swap3A_134 {strides = array<i32>} : memref<128x128xf32, #tpu.memory_space<vmem>>, vector<1x16xf32>,
    %swap3A_135 = arith.constant 126 : i32
    %swap3A_136 = arith.index_cast %swap3A_135 : i32 to index
    %swap3A_137 = arith.constant 64 : index
    %swap3A_138 = tpu.vector_load %arg7[%swap3A_136, %swap3A_137] {strides = array<i32>} : memref<128x128xf32, #tpu.memory_space<vmem>>, vector<1x16xf32>,
    %swap3A_139 = vector.shape_cast %swap3A_138 : vector<1x16xf32> to vector<16xf32>
    %swap3A_140 = vector.shape_cast %scan3A_110#4 : vector<16xf32> to vector<1x16xf32>
    tpu.vector_store %arg7[%swap3A_136, %swap3A_137], %swap3A_140 {strides = array<i32>} : memref<128x128xf32, #tpu.memory_space<vmem>>, vector<1x16xf32>,
    %swap3A_141 = arith.constant 126 : i32
    %swap3A_142 = arith.index_cast %swap3A_141 : i32 to index
    %swap3A_143 = arith.constant 80 : index
    %swap3A_144 = tpu.vector_load %arg7[%swap3A_142, %swap3A_143] {strides = array<i32>} : memref<128x128xf32, #tpu.memory_space<vmem>>, vector<1x16xf32>,
    %swap3A_145 = vector.shape_cast %swap3A_144 : vector<1x16xf32> to vector<16xf32>
    %swap3A_146 = vector.shape_cast %scan3A_110#5 : vector<16xf32> to vector<1x16xf32>
    tpu.vector_store %arg7[%swap3A_142, %swap3A_143], %swap3A_146 {strides = array<i32>} : memref<128x128xf32, #tpu.memory_space<vmem>>, vector<1x16xf32>,
    %swap3A_147 = arith.constant 126 : i32
    %swap3A_148 = arith.index_cast %swap3A_147 : i32 to index
    %swap3A_149 = arith.constant 96 : index
    %swap3A_150 = tpu.vector_load %arg7[%swap3A_148, %swap3A_149] {strides = array<i32>} : memref<128x128xf32, #tpu.memory_space<vmem>>, vector<1x16xf32>,
    %swap3A_151 = vector.shape_cast %swap3A_150 : vector<1x16xf32> to vector<16xf32>
    %swap3A_152 = vector.shape_cast %scan3A_110#6 : vector<16xf32> to vector<1x16xf32>
    tpu.vector_store %arg7[%swap3A_148, %swap3A_149], %swap3A_152 {strides = array<i32>} : memref<128x128xf32, #tpu.memory_space<vmem>>, vector<1x16xf32>,
    %swap3A_153 = arith.constant 126 : i32
    %swap3A_154 = arith.index_cast %swap3A_153 : i32 to index
    %swap3A_155 = arith.constant 112 : index
    %swap3A_156 = tpu.vector_load %arg7[%swap3A_154, %swap3A_155] {strides = array<i32>} : memref<128x128xf32, #tpu.memory_space<vmem>>, vector<1x16xf32>,
    %swap3A_157 = vector.shape_cast %swap3A_156 : vector<1x16xf32> to vector<16xf32>
    %swap3A_158 = vector.shape_cast %scan3A_110#7 : vector<16xf32> to vector<1x16xf32>
    tpu.vector_store %arg7[%swap3A_154, %swap3A_155], %swap3A_158 {strides = array<i32>} : memref<128x128xf32, #tpu.memory_space<vmem>>, vector<1x16xf32>,
    %dma_wait3A_159 = arith.constant 254 : i32
    %dma_wait3A_160 = arith.constant 2 : i32
    %dma_wait3A_161 = arith.constant 0 : i32
    %dma_wait3A_162 = arith.constant 0 : i32
    %dma_wait3A_163 = tpu.memref_slice %arg6[%dma_wait3A_160, %dma_wait3A_161, %dma_wait3A_162] : memref<6x100x128xf32, #tpu.memory_space<vmem>> -> memref<1x100x128xf32, #tpu.memory_space<vmem>>
    %dma_wait3A_164 = tpu.memref_squeeze %dma_wait3A_163 : memref<1x100x128xf32, #tpu.memory_space<vmem>> -> memref<100x128xf32, #tpu.memory_space<vmem>>
    %dma_wait3A_165 = arith.constant 0 : i32
    %dma_wait3A_166 = tpu.memref_slice %arg5[%dma_wait3A_159, %dma_wait3A_165] : memref<256x100xi32, #tpu.memory_space<vmem>> -> memref<1x100xi32, #tpu.memory_space<vmem>>
    %dma_wait3A_167 = tpu.memref_squeeze %dma_wait3A_166 : memref<1x100xi32, #tpu.memory_space<vmem>> -> memref<100xi32, #tpu.memory_space<vmem>>
    %dma_wait3A_168 = arith.constant 0 : i32
    %dma_wait3A_169 = arith.constant 0 : i32
    %dma_wait3A_170 = tpu.memref_slice %arg3[%dma_wait3A_168, %dma_wait3A_169] : memref<1000000x128xf32, #tpu.memory_space<hbm>> -> memref<1000000x128xf32, #tpu.memory_space<hbm>>
    tpu.wait_indirect_dma semaphore(%arg10 : memref<!tpu.dma_semaphore, #tpu.memory_space<semaphore_mem>>) src(%dma_wait3A_170 : memref<1000000x128xf32, #tpu.memory_space<hbm>>) dst(%dma_wait3A_164 : memref<100x128xf32, #tpu.memory_space<vmem>>)
    %dma_wait3A_171 = arith.constant 255 : i32
    %dma_wait3A_172 = arith.constant 3 : i32
    %dma_wait3A_173 = arith.constant 0 : i32
    %dma_wait3A_174 = arith.constant 0 : i32
    %dma_wait3A_175 = tpu.memref_slice %arg6[%dma_wait3A_172, %dma_wait3A_173, %dma_wait3A_174] : memref<6x100x128xf32, #tpu.memory_space<vmem>> -> memref<1x100x128xf32, #tpu.memory_space<vmem>>
    %dma_wait3A_176 = tpu.memref_squeeze %dma_wait3A_175 : memref<1x100x128xf32, #tpu.memory_space<vmem>> -> memref<100x128xf32, #tpu.memory_space<vmem>>
    %dma_wait3A_177 = arith.constant 0 : i32
    %dma_wait3A_178 = tpu.memref_slice %arg5[%dma_wait3A_171, %dma_wait3A_177] : memref<256x100xi32, #tpu.memory_space<vmem>> -> memref<1x100xi32, #tpu.memory_space<vmem>>
    %dma_wait3A_179 = tpu.memref_squeeze %dma_wait3A_178 : memref<1x100xi32, #tpu.memory_space<vmem>> -> memref<100xi32, #tpu.memory_space<vmem>>
    %dma_wait3A_180 = arith.constant 0 : i32
    %dma_wait3A_181 = arith.constant 0 : i32
    %dma_wait3A_182 = tpu.memref_slice %arg3[%dma_wait3A_180, %dma_wait3A_181] : memref<1000000x128xf32, #tpu.memory_space<hbm>> -> memref<1000000x128xf32, #tpu.memory_space<hbm>>
    tpu.wait_indirect_dma semaphore(%arg11 : memref<!tpu.dma_semaphore, #tpu.memory_space<semaphore_mem>>) src(%dma_wait3A_182 : memref<1000000x128xf32, #tpu.memory_space<hbm>>) dst(%dma_wait3A_176 : memref<100x128xf32, #tpu.memory_space<vmem>>)
    %broadcast_in_dim3A_183 = arith.constant 0.000000e+00 : f32
    %broadcast_in_dim3A_184 = vector.broadcast %broadcast_in_dim3A_183 : f32 to vector<16xf32>
    %broadcast_in_dim3A_185 = arith.constant 0.000000e+00 : f32
    %broadcast_in_dim3A_186 = vector.broadcast %broadcast_in_dim3A_185 : f32 to vector<16xf32>
    %broadcast_in_dim3A_187 = arith.constant 0.000000e+00 : f32
    %broadcast_in_dim3A_188 = vector.broadcast %broadcast_in_dim3A_187 : f32 to vector<16xf32>
    %broadcast_in_dim3A_189 = arith.constant 0.000000e+00 : f32
    %broadcast_in_dim3A_190 = vector.broadcast %broadcast_in_dim3A_189 : f32 to vector<16xf32>
    %broadcast_in_dim3A_191 = arith.constant 0.000000e+00 : f32
    %broadcast_in_dim3A_192 = vector.broadcast %broadcast_in_dim3A_191 : f32 to vector<16xf32>
    %broadcast_in_dim3A_193 = arith.constant 0.000000e+00 : f32
    %broadcast_in_dim3A_194 = vector.broadcast %broadcast_in_dim3A_193 : f32 to vector<16xf32>
    %broadcast_in_dim3A_195 = arith.constant 0.000000e+00 : f32
    %broadcast_in_dim3A_196 = vector.broadcast %broadcast_in_dim3A_195 : f32 to vector<16xf32>
    %broadcast_in_dim3A_197 = arith.constant 0.000000e+00 : f32
    %broadcast_in_dim3A_198 = vector.broadcast %broadcast_in_dim3A_197 : f32 to vector<16xf32>
    %scan3A_199 = arith.constant 0 : i32
    %scan3A_200 = arith.constant 100 : i32
    %scan3A_201 = arith.addi %scan3A_199, %scan3A_200 : i32
    %scan3A_202 = arith.constant 2 : i32
    %scan3A_203:8 = scf.for %scan3A_255 = %scan3A_199 to %scan3A_201 step %scan3A_202 iter_args(%scan3A_256 = %broadcast_in_dim3A_184, %scan3A_257 = %broadcast_in_dim3A_186, %scan3A_258 = %broadcast_in_dim3A_188, %scan3A_259 = %broadcast_in_dim3A_190, %scan3A_260 = %broadcast_in_dim3A_192, %scan3A_261 = %broadcast_in_dim3A_194, %scan3A_262 = %broadcast_in_dim3A_196, %scan3A_263 = %broadcast_in_dim3A_198) -> (vector<16xf32>, vector<16xf32>, vector<16xf32>, vector<16xf32>, vector<16xf32>, vector<16xf32>, vector<16xf32>, vector<16xf32>)  : i32 {
      %get3A = arith.constant 2 : i32
      %get3A_264 = arith.index_cast %get3A : i32 to index
      %get3A_265 = arith.index_cast %scan3A_255 : i32 to index
      %get3A_266 = arith.constant 0 : index
      %get3A_267 = tpu.vector_load %arg6[%get3A_264, %get3A_265, %get3A_266] {strides = array<i32>} : memref<6x100x128xf32, #tpu.memory_space<vmem>>, vector<1x1x16xf32>,
      %get3A_268 = vector.shape_cast %get3A_267 : vector<1x1x16xf32> to vector<16xf32>
      %add3A_269 = arith.addf %scan3A_256, %get3A_268 : vector<16xf32>
      %get3A_270 = arith.constant 2 : i32
      %get3A_271 = arith.index_cast %get3A_270 : i32 to index
      %get3A_272 = arith.index_cast %scan3A_255 : i32 to index
      %get3A_273 = arith.constant 16 : index
      %get3A_274 = tpu.vector_load %arg6[%get3A_271, %get3A_272, %get3A_273] {strides = array<i32>} : memref<6x100x128xf32, #tpu.memory_space<vmem>>, vector<1x1x16xf32>,
      %get3A_275 = vector.shape_cast %get3A_274 : vector<1x1x16xf32> to vector<16xf32>
      %add3A_276 = arith.addf %scan3A_257, %get3A_275 : vector<16xf32>
      %get3A_277 = arith.constant 2 : i32
      %get3A_278 = arith.index_cast %get3A_277 : i32 to index
      %get3A_279 = arith.index_cast %scan3A_255 : i32 to index
      %get3A_280 = arith.constant 32 : index
      %get3A_281 = tpu.vector_load %arg6[%get3A_278, %get3A_279, %get3A_280] {strides = array<i32>} : memref<6x100x128xf32, #tpu.memory_space<vmem>>, vector<1x1x16xf32>,
      %get3A_282 = vector.shape_cast %get3A_281 : vector<1x1x16xf32> to vector<16xf32>
      %add3A_283 = arith.addf %scan3A_258, %get3A_282 : vector<16xf32>
      %get3A_284 = arith.constant 2 : i32
      %get3A_285 = arith.index_cast %get3A_284 : i32 to index
      %get3A_286 = arith.index_cast %scan3A_255 : i32 to index
      %get3A_287 = arith.constant 48 : index
      %get3A_288 = tpu.vector_load %arg6[%get3A_285, %get3A_286, %get3A_287] {strides = array<i32>} : memref<6x100x128xf32, #tpu.memory_space<vmem>>, vector<1x1x16xf32>,
      %get3A_289 = vector.shape_cast %get3A_288 : vector<1x1x16xf32> to vector<16xf32>
      %add3A_290 = arith.addf %scan3A_259, %get3A_289 : vector<16xf32>
      %get3A_291 = arith.constant 2 : i32
      %get3A_292 = arith.index_cast %get3A_291 : i32 to index
      %get3A_293 = arith.index_cast %scan3A_255 : i32 to index
      %get3A_294 = arith.constant 64 : index
      %get3A_295 = tpu.vector_load %arg6[%get3A_292, %get3A_293, %get3A_294] {strides = array<i32>} : memref<6x100x128xf32, #tpu.memory_space<vmem>>, vector<1x1x16xf32>,
      %get3A_296 = vector.shape_cast %get3A_295 : vector<1x1x16xf32> to vector<16xf32>
      %add3A_297 = arith.addf %scan3A_260, %get3A_296 : vector<16xf32>
      %get3A_298 = arith.constant 2 : i32
      %get3A_299 = arith.index_cast %get3A_298 : i32 to index
      %get3A_300 = arith.index_cast %scan3A_255 : i32 to index
      %get3A_301 = arith.constant 80 : index
      %get3A_302 = tpu.vector_load %arg6[%get3A_299, %get3A_300, %get3A_301] {strides = array<i32>} : memref<6x100x128xf32, #tpu.memory_space<vmem>>, vector<1x1x16xf32>,
      %get3A_303 = vector.shape_cast %get3A_302 : vector<1x1x16xf32> to vector<16xf32>
      %add3A_304 = arith.addf %scan3A_261, %get3A_303 : vector<16xf32>
      %get3A_305 = arith.constant 2 : i32
      %get3A_306 = arith.index_cast %get3A_305 : i32 to index
      %get3A_307 = arith.index_cast %scan3A_255 : i32 to index
      %get3A_308 = arith.constant 96 : index
      %get3A_309 = tpu.vector_load %arg6[%get3A_306, %get3A_307, %get3A_308] {strides = array<i32>} : memref<6x100x128xf32, #tpu.memory_space<vmem>>, vector<1x1x16xf32>,
      %get3A_310 = vector.shape_cast %get3A_309 : vector<1x1x16xf32> to vector<16xf32>
      %add3A_311 = arith.addf %scan3A_262, %get3A_310 : vector<16xf32>
      %get3A_312 = arith.constant 2 : i32
      %get3A_313 = arith.index_cast %get3A_312 : i32 to index
      %get3A_314 = arith.index_cast %scan3A_255 : i32 to index
      %get3A_315 = arith.constant 112 : index
      %get3A_316 = tpu.vector_load %arg6[%get3A_313, %get3A_314, %get3A_315] {strides = array<i32>} : memref<6x100x128xf32, #tpu.memory_space<vmem>>, vector<1x1x16xf32>,
      %get3A_317 = vector.shape_cast %get3A_316 : vector<1x1x16xf32> to vector<16xf32>
      %add3A_318 = arith.addf %scan3A_263, %get3A_317 : vector<16xf32>
      %get3A_319 = arith.constant 3 : i32
      %get3A_320 = arith.index_cast %get3A_319 : i32 to index
      %get3A_321 = arith.index_cast %scan3A_255 : i32 to index
      %get3A_322 = arith.constant 0 : index
      %get3A_323 = tpu.vector_load %arg6[%get3A_320, %get3A_321, %get3A_322] {strides = array<i32>} : memref<6x100x128xf32, #tpu.memory_space<vmem>>, vector<1x1x16xf32>,
      %get3A_324 = vector.shape_cast %get3A_323 : vector<1x1x16xf32> to vector<16xf32>
      %add3A_325 = arith.addf %add3A_269, %get3A_324 : vector<16xf32>
      %get3A_326 = arith.constant 3 : i32
      %get3A_327 = arith.index_cast %get3A_326 : i32 to index
      %get3A_328 = arith.index_cast %scan3A_255 : i32 to index
      %get3A_329 = arith.constant 16 : index
      %get3A_330 = tpu.vector_load %arg6[%get3A_327, %get3A_328, %get3A_329] {strides = array<i32>} : memref<6x100x128xf32, #tpu.memory_space<vmem>>, vector<1x1x16xf32>,
      %get3A_331 = vector.shape_cast %get3A_330 : vector<1x1x16xf32> to vector<16xf32>
      %add3A_332 = arith.addf %add3A_276, %get3A_331 : vector<16xf32>
      %get3A_333 = arith.constant 3 : i32
      %get3A_334 = arith.index_cast %get3A_333 : i32 to index
      %get3A_335 = arith.index_cast %scan3A_255 : i32 to index
      %get3A_336 = arith.constant 32 : index
      %get3A_337 = tpu.vector_load %arg6[%get3A_334, %get3A_335, %get3A_336] {strides = array<i32>} : memref<6x100x128xf32, #tpu.memory_space<vmem>>, vector<1x1x16xf32>,
      %get3A_338 = vector.shape_cast %get3A_337 : vector<1x1x16xf32> to vector<16xf32>
      %add3A_339 = arith.addf %add3A_283, %get3A_338 : vector<16xf32>
      %get3A_340 = arith.constant 3 : i32
      %get3A_341 = arith.index_cast %get3A_340 : i32 to index
      %get3A_342 = arith.index_cast %scan3A_255 : i32 to index
      %get3A_343 = arith.constant 48 : index
      %get3A_344 = tpu.vector_load %arg6[%get3A_341, %get3A_342, %get3A_343] {strides = array<i32>} : memref<6x100x128xf32, #tpu.memory_space<vmem>>, vector<1x1x16xf32>,
      %get3A_345 = vector.shape_cast %get3A_344 : vector<1x1x16xf32> to vector<16xf32>
      %add3A_346 = arith.addf %add3A_290, %get3A_345 : vector<16xf32>
      %get3A_347 = arith.constant 3 : i32
      %get3A_348 = arith.index_cast %get3A_347 : i32 to index
      %get3A_349 = arith.index_cast %scan3A_255 : i32 to index
      %get3A_350 = arith.constant 64 : index
      %get3A_351 = tpu.vector_load %arg6[%get3A_348, %get3A_349, %get3A_350] {strides = array<i32>} : memref<6x100x128xf32, #tpu.memory_space<vmem>>, vector<1x1x16xf32>,
      %get3A_352 = vector.shape_cast %get3A_351 : vector<1x1x16xf32> to vector<16xf32>
      %add3A_353 = arith.addf %add3A_297, %get3A_352 : vector<16xf32>
      %get3A_354 = arith.constant 3 : i32
      %get3A_355 = arith.index_cast %get3A_354 : i32 to index
      %get3A_356 = arith.index_cast %scan3A_255 : i32 to index
      %get3A_357 = arith.constant 80 : index
      %get3A_358 = tpu.vector_load %arg6[%get3A_355, %get3A_356, %get3A_357] {strides = array<i32>} : memref<6x100x128xf32, #tpu.memory_space<vmem>>, vector<1x1x16xf32>,
      %get3A_359 = vector.shape_cast %get3A_358 : vector<1x1x16xf32> to vector<16xf32>
      %add3A_360 = arith.addf %add3A_304, %get3A_359 : vector<16xf32>
      %get3A_361 = arith.constant 3 : i32
      %get3A_362 = arith.index_cast %get3A_361 : i32 to index
      %get3A_363 = arith.index_cast %scan3A_255 : i32 to index
      %get3A_364 = arith.constant 96 : index
      %get3A_365 = tpu.vector_load %arg6[%get3A_362, %get3A_363, %get3A_364] {strides = array<i32>} : memref<6x100x128xf32, #tpu.memory_space<vmem>>, vector<1x1x16xf32>,
      %get3A_366 = vector.shape_cast %get3A_365 : vector<1x1x16xf32> to vector<16xf32>
      %add3A_367 = arith.addf %add3A_311, %get3A_366 : vector<16xf32>
      %get3A_368 = arith.constant 3 : i32
      %get3A_369 = arith.index_cast %get3A_368 : i32 to index
      %get3A_370 = arith.index_cast %scan3A_255 : i32 to index
      %get3A_371 = arith.constant 112 : index
      %get3A_372 = tpu.vector_load %arg6[%get3A_369, %get3A_370, %get3A_371] {strides = array<i32>} : memref<6x100x128xf32, #tpu.memory_space<vmem>>, vector<1x1x16xf32>,
      %get3A_373 = vector.shape_cast %get3A_372 : vector<1x1x16xf32> to vector<16xf32>
      %add3A_374 = arith.addf %add3A_318, %get3A_373 : vector<16xf32>
      %scan3A_375 = arith.constant 1 : i32
      %scan3A_376 = arith.addi %scan3A_255, %scan3A_375 : i32
      %get3A_377 = arith.constant 2 : i32
      %get3A_378 = arith.index_cast %get3A_377 : i32 to index
      %get3A_379 = arith.index_cast %scan3A_376 : i32 to index
      %get3A_380 = arith.constant 0 : index
      %get3A_381 = tpu.vector_load %arg6[%get3A_378, %get3A_379, %get3A_380] {strides = array<i32>} : memref<6x100x128xf32, #tpu.memory_space<vmem>>, vector<1x1x16xf32>,
      %get3A_382 = vector.shape_cast %get3A_381 : vector<1x1x16xf32> to vector<16xf32>
      %add3A_383 = arith.addf %add3A_325, %get3A_382 : vector<16xf32>
      %get3A_384 = arith.constant 2 : i32
      %get3A_385 = arith.index_cast %get3A_384 : i32 to index
      %get3A_386 = arith.index_cast %scan3A_376 : i32 to index
      %get3A_387 = arith.constant 16 : index
      %get3A_388 = tpu.vector_load %arg6[%get3A_385, %get3A_386, %get3A_387] {strides = array<i32>} : memref<6x100x128xf32, #tpu.memory_space<vmem>>, vector<1x1x16xf32>,
      %get3A_389 = vector.shape_cast %get3A_388 : vector<1x1x16xf32> to vector<16xf32>
      %add3A_390 = arith.addf %add3A_332, %get3A_389 : vector<16xf32>
      %get3A_391 = arith.constant 2 : i32
      %get3A_392 = arith.index_cast %get3A_391 : i32 to index
      %get3A_393 = arith.index_cast %scan3A_376 : i32 to index
      %get3A_394 = arith.constant 32 : index
      %get3A_395 = tpu.vector_load %arg6[%get3A_392, %get3A_393, %get3A_394] {strides = array<i32>} : memref<6x100x128xf32, #tpu.memory_space<vmem>>, vector<1x1x16xf32>,
      %get3A_396 = vector.shape_cast %get3A_395 : vector<1x1x16xf32> to vector<16xf32>
      %add3A_397 = arith.addf %add3A_339, %get3A_396 : vector<16xf32>
      %get3A_398 = arith.constant 2 : i32
      %get3A_399 = arith.index_cast %get3A_398 : i32 to index
      %get3A_400 = arith.index_cast %scan3A_376 : i32 to index
      %get3A_401 = arith.constant 48 : index
      %get3A_402 = tpu.vector_load %arg6[%get3A_399, %get3A_400, %get3A_401] {strides = array<i32>} : memref<6x100x128xf32, #tpu.memory_space<vmem>>, vector<1x1x16xf32>,
      %get3A_403 = vector.shape_cast %get3A_402 : vector<1x1x16xf32> to vector<16xf32>
      %add3A_404 = arith.addf %add3A_346, %get3A_403 : vector<16xf32>
      %get3A_405 = arith.constant 2 : i32
      %get3A_406 = arith.index_cast %get3A_405 : i32 to index
      %get3A_407 = arith.index_cast %scan3A_376 : i32 to index
      %get3A_408 = arith.constant 64 : index
      %get3A_409 = tpu.vector_load %arg6[%get3A_406, %get3A_407, %get3A_408] {strides = array<i32>} : memref<6x100x128xf32, #tpu.memory_space<vmem>>, vector<1x1x16xf32>,
      %get3A_410 = vector.shape_cast %get3A_409 : vector<1x1x16xf32> to vector<16xf32>
      %add3A_411 = arith.addf %add3A_353, %get3A_410 : vector<16xf32>
      %get3A_412 = arith.constant 2 : i32
      %get3A_413 = arith.index_cast %get3A_412 : i32 to index
      %get3A_414 = arith.index_cast %scan3A_376 : i32 to index
      %get3A_415 = arith.constant 80 : index
      %get3A_416 = tpu.vector_load %arg6[%get3A_413, %get3A_414, %get3A_415] {strides = array<i32>} : memref<6x100x128xf32, #tpu.memory_space<vmem>>, vector<1x1x16xf32>,
      %get3A_417 = vector.shape_cast %get3A_416 : vector<1x1x16xf32> to vector<16xf32>
      %add3A_418 = arith.addf %add3A_360, %get3A_417 : vector<16xf32>
      %get3A_419 = arith.constant 2 : i32
      %get3A_420 = arith.index_cast %get3A_419 : i32 to index
      %get3A_421 = arith.index_cast %scan3A_376 : i32 to index
      %get3A_422 = arith.constant 96 : index
      %get3A_423 = tpu.vector_load %arg6[%get3A_420, %get3A_421, %get3A_422] {strides = array<i32>} : memref<6x100x128xf32, #tpu.memory_space<vmem>>, vector<1x1x16xf32>,
      %get3A_424 = vector.shape_cast %get3A_423 : vector<1x1x16xf32> to vector<16xf32>
      %add3A_425 = arith.addf %add3A_367, %get3A_424 : vector<16xf32>
      %get3A_426 = arith.constant 2 : i32
      %get3A_427 = arith.index_cast %get3A_426 : i32 to index
      %get3A_428 = arith.index_cast %scan3A_376 : i32 to index
      %get3A_429 = arith.constant 112 : index
      %get3A_430 = tpu.vector_load %arg6[%get3A_427, %get3A_428, %get3A_429] {strides = array<i32>} : memref<6x100x128xf32, #tpu.memory_space<vmem>>, vector<1x1x16xf32>,
      %get3A_431 = vector.shape_cast %get3A_430 : vector<1x1x16xf32> to vector<16xf32>
      %add3A_432 = arith.addf %add3A_374, %get3A_431 : vector<16xf32>
      %get3A_433 = arith.constant 3 : i32
      %get3A_434 = arith.index_cast %get3A_433 : i32 to index
      %get3A_435 = arith.index_cast %scan3A_376 : i32 to index
      %get3A_436 = arith.constant 0 : index
      %get3A_437 = tpu.vector_load %arg6[%get3A_434, %get3A_435, %get3A_436] {strides = array<i32>} : memref<6x100x128xf32, #tpu.memory_space<vmem>>, vector<1x1x16xf32>,
      %get3A_438 = vector.shape_cast %get3A_437 : vector<1x1x16xf32> to vector<16xf32>
      %add3A_439 = arith.addf %add3A_383, %get3A_438 : vector<16xf32>
      %get3A_440 = arith.constant 3 : i32
      %get3A_441 = arith.index_cast %get3A_440 : i32 to index
      %get3A_442 = arith.index_cast %scan3A_376 : i32 to index
      %get3A_443 = arith.constant 16 : index
      %get3A_444 = tpu.vector_load %arg6[%get3A_441, %get3A_442, %get3A_443] {strides = array<i32>} : memref<6x100x128xf32, #tpu.memory_space<vmem>>, vector<1x1x16xf32>,
      %get3A_445 = vector.shape_cast %get3A_444 : vector<1x1x16xf32> to vector<16xf32>
      %add3A_446 = arith.addf %add3A_390, %get3A_445 : vector<16xf32>
      %get3A_447 = arith.constant 3 : i32
      %get3A_448 = arith.index_cast %get3A_447 : i32 to index
      %get3A_449 = arith.index_cast %scan3A_376 : i32 to index
      %get3A_450 = arith.constant 32 : index
      %get3A_451 = tpu.vector_load %arg6[%get3A_448, %get3A_449, %get3A_450] {strides = array<i32>} : memref<6x100x128xf32, #tpu.memory_space<vmem>>, vector<1x1x16xf32>,
      %get3A_452 = vector.shape_cast %get3A_451 : vector<1x1x16xf32> to vector<16xf32>
      %add3A_453 = arith.addf %add3A_397, %get3A_452 : vector<16xf32>
      %get3A_454 = arith.constant 3 : i32
      %get3A_455 = arith.index_cast %get3A_454 : i32 to index
      %get3A_456 = arith.index_cast %scan3A_376 : i32 to index
      %get3A_457 = arith.constant 48 : index
      %get3A_458 = tpu.vector_load %arg6[%get3A_455, %get3A_456, %get3A_457] {strides = array<i32>} : memref<6x100x128xf32, #tpu.memory_space<vmem>>, vector<1x1x16xf32>,
      %get3A_459 = vector.shape_cast %get3A_458 : vector<1x1x16xf32> to vector<16xf32>
      %add3A_460 = arith.addf %add3A_404, %get3A_459 : vector<16xf32>
      %get3A_461 = arith.constant 3 : i32
      %get3A_462 = arith.index_cast %get3A_461 : i32 to index
      %get3A_463 = arith.index_cast %scan3A_376 : i32 to index
      %get3A_464 = arith.constant 64 : index
      %get3A_465 = tpu.vector_load %arg6[%get3A_462, %get3A_463, %get3A_464] {strides = array<i32>} : memref<6x100x128xf32, #tpu.memory_space<vmem>>, vector<1x1x16xf32>,
      %get3A_466 = vector.shape_cast %get3A_465 : vector<1x1x16xf32> to vector<16xf32>
      %add3A_467 = arith.addf %add3A_411, %get3A_466 : vector<16xf32>
      %get3A_468 = arith.constant 3 : i32
      %get3A_469 = arith.index_cast %get3A_468 : i32 to index
      %get3A_470 = arith.index_cast %scan3A_376 : i32 to index
      %get3A_471 = arith.constant 80 : index
      %get3A_472 = tpu.vector_load %arg6[%get3A_469, %get3A_470, %get3A_471] {strides = array<i32>} : memref<6x100x128xf32, #tpu.memory_space<vmem>>, vector<1x1x16xf32>,
      %get3A_473 = vector.shape_cast %get3A_472 : vector<1x1x16xf32> to vector<16xf32>
      %add3A_474 = arith.addf %add3A_418, %get3A_473 : vector<16xf32>
      %get3A_475 = arith.constant 3 : i32
      %get3A_476 = arith.index_cast %get3A_475 : i32 to index
      %get3A_477 = arith.index_cast %scan3A_376 : i32 to index
      %get3A_478 = arith.constant 96 : index
      %get3A_479 = tpu.vector_load %arg6[%get3A_476, %get3A_477, %get3A_478] {strides = array<i32>} : memref<6x100x128xf32, #tpu.memory_space<vmem>>, vector<1x1x16xf32>,
      %get3A_480 = vector.shape_cast %get3A_479 : vector<1x1x16xf32> to vector<16xf32>
      %add3A_481 = arith.addf %add3A_425, %get3A_480 : vector<16xf32>
      %get3A_482 = arith.constant 3 : i32
      %get3A_483 = arith.index_cast %get3A_482 : i32 to index
      %get3A_484 = arith.index_cast %scan3A_376 : i32 to index
      %get3A_485 = arith.constant 112 : index
      %get3A_486 = tpu.vector_load %arg6[%get3A_483, %get3A_484, %get3A_485] {strides = array<i32>} : memref<6x100x128xf32, #tpu.memory_space<vmem>>, vector<1x1x16xf32>,
      %get3A_487 = vector.shape_cast %get3A_486 : vector<1x1x16xf32> to vector<16xf32>
      %add3A_488 = arith.addf %add3A_432, %get3A_487 : vector<16xf32>
      scf.yield %add3A_439, %add3A_446, %add3A_453, %add3A_460, %add3A_467, %add3A_474, %add3A_481, %add3A_488 : vector<16xf32>, vector<16xf32>, vector<16xf32>, vector<16xf32>, vector<16xf32>, vector<16xf32>, vector<16xf32>, vector<16xf32>
    }
    %scan3A_204 = arith.constant 100 : i32
    %swap3A_205 = arith.constant 127 : i32
    %swap3A_206 = arith.index_cast %swap3A_205 : i32 to index
    %swap3A_207 = arith.constant 0 : index
    %swap3A_208 = tpu.vector_load %arg7[%swap3A_206, %swap3A_207] {strides = array<i32>} : memref<128x128xf32, #tpu.memory_space<vmem>>, vector<1x16xf32>,
    %swap3A_209 = vector.shape_cast %swap3A_208 : vector<1x16xf32> to vector<16xf32>
    %swap3A_210 = vector.shape_cast %scan3A_203#0 : vector<16xf32> to vector<1x16xf32>
    tpu.vector_store %arg7[%swap3A_206, %swap3A_207], %swap3A_210 {strides = array<i32>} : memref<128x128xf32, #tpu.memory_space<vmem>>, vector<1x16xf32>,
    %swap3A_211 = arith.constant 127 : i32
    %swap3A_212 = arith.index_cast %swap3A_211 : i32 to index
    %swap3A_213 = arith.constant 16 : index
    %swap3A_214 = tpu.vector_load %arg7[%swap3A_212, %swap3A_213] {strides = array<i32>} : memref<128x128xf32, #tpu.memory_space<vmem>>, vector<1x16xf32>,
    %swap3A_215 = vector.shape_cast %swap3A_214 : vector<1x16xf32> to vector<16xf32>
    %swap3A_216 = vector.shape_cast %scan3A_203#1 : vector<16xf32> to vector<1x16xf32>
    tpu.vector_store %arg7[%swap3A_212, %swap3A_213], %swap3A_216 {strides = array<i32>} : memref<128x128xf32, #tpu.memory_space<vmem>>, vector<1x16xf32>,
    %swap3A_217 = arith.constant 127 : i32
    %swap3A_218 = arith.index_cast %swap3A_217 : i32 to index
    %swap3A_219 = arith.constant 32 : index
    %swap3A_220 = tpu.vector_load %arg7[%swap3A_218, %swap3A_219] {strides = array<i32>} : memref<128x128xf32, #tpu.memory_space<vmem>>, vector<1x16xf32>,
    %swap3A_221 = vector.shape_cast %swap3A_220 : vector<1x16xf32> to vector<16xf32>
    %swap3A_222 = vector.shape_cast %scan3A_203#2 : vector<16xf32> to vector<1x16xf32>
    tpu.vector_store %arg7[%swap3A_218, %swap3A_219], %swap3A_222 {strides = array<i32>} : memref<128x128xf32, #tpu.memory_space<vmem>>, vector<1x16xf32>,
    %swap3A_223 = arith.constant 127 : i32
    %swap3A_224 = arith.index_cast %swap3A_223 : i32 to index
    %swap3A_225 = arith.constant 48 : index
    %swap3A_226 = tpu.vector_load %arg7[%swap3A_224, %swap3A_225] {strides = array<i32>} : memref<128x128xf32, #tpu.memory_space<vmem>>, vector<1x16xf32>,
    %swap3A_227 = vector.shape_cast %swap3A_226 : vector<1x16xf32> to vector<16xf32>
    %swap3A_228 = vector.shape_cast %scan3A_203#3 : vector<16xf32> to vector<1x16xf32>
    tpu.vector_store %arg7[%swap3A_224, %swap3A_225], %swap3A_228 {strides = array<i32>} : memref<128x128xf32, #tpu.memory_space<vmem>>, vector<1x16xf32>,
    %swap3A_229 = arith.constant 127 : i32
    %swap3A_230 = arith.index_cast %swap3A_229 : i32 to index
    %swap3A_231 = arith.constant 64 : index
    %swap3A_232 = tpu.vector_load %arg7[%swap3A_230, %swap3A_231] {strides = array<i32>} : memref<128x128xf32, #tpu.memory_space<vmem>>, vector<1x16xf32>,
    %swap3A_233 = vector.shape_cast %swap3A_232 : vector<1x16xf32> to vector<16xf32>
    %swap3A_234 = vector.shape_cast %scan3A_203#4 : vector<16xf32> to vector<1x16xf32>
    tpu.vector_store %arg7[%swap3A_230, %swap3A_231], %swap3A_234 {strides = array<i32>} : memref<128x128xf32, #tpu.memory_space<vmem>>, vector<1x16xf32>,
    %swap3A_235 = arith.constant 127 : i32
    %swap3A_236 = arith.index_cast %swap3A_235 : i32 to index
    %swap3A_237 = arith.constant 80 : index
    %swap3A_238 = tpu.vector_load %arg7[%swap3A_236, %swap3A_237] {strides = array<i32>} : memref<128x128xf32, #tpu.memory_space<vmem>>, vector<1x16xf32>,
    %swap3A_239 = vector.shape_cast %swap3A_238 : vector<1x16xf32> to vector<16xf32>
    %swap3A_240 = vector.shape_cast %scan3A_203#5 : vector<16xf32> to vector<1x16xf32>
    tpu.vector_store %arg7[%swap3A_236, %swap3A_237], %swap3A_240 {strides = array<i32>} : memref<128x128xf32, #tpu.memory_space<vmem>>, vector<1x16xf32>,
    %swap3A_241 = arith.constant 127 : i32
    %swap3A_242 = arith.index_cast %swap3A_241 : i32 to index
    %swap3A_243 = arith.constant 96 : index
    %swap3A_244 = tpu.vector_load %arg7[%swap3A_242, %swap3A_243] {strides = array<i32>} : memref<128x128xf32, #tpu.memory_space<vmem>>, vector<1x16xf32>,
    %swap3A_245 = vector.shape_cast %swap3A_244 : vector<1x16xf32> to vector<16xf32>
    %swap3A_246 = vector.shape_cast %scan3A_203#6 : vector<16xf32> to vector<1x16xf32>
    tpu.vector_store %arg7[%swap3A_242, %swap3A_243], %swap3A_246 {strides = array<i32>} : memref<128x128xf32, #tpu.memory_space<vmem>>, vector<1x16xf32>,
    %swap3A_247 = arith.constant 127 : i32
    %swap3A_248 = arith.index_cast %swap3A_247 : i32 to index
    %swap3A_249 = arith.constant 112 : index
    %swap3A_250 = tpu.vector_load %arg7[%swap3A_248, %swap3A_249] {strides = array<i32>} : memref<128x128xf32, #tpu.memory_space<vmem>>, vector<1x16xf32>,
    %swap3A_251 = vector.shape_cast %swap3A_250 : vector<1x16xf32> to vector<16xf32>
    %swap3A_252 = vector.shape_cast %scan3A_203#7 : vector<16xf32> to vector<1x16xf32>
    tpu.vector_store %arg7[%swap3A_248, %swap3A_249], %swap3A_252 {strides = array<i32>} : memref<128x128xf32, #tpu.memory_space<vmem>>, vector<1x16xf32>,
    %mul3A_253 = arith.constant 128 : i32
    %mul3A_254 = arith.muli %add3A, %mul3A_253 : i32
    "tpu.region"() ({
      %run_scoped3A = tpu.sem_alloc : memref<!tpu.dma_semaphore, #tpu.memory_space<semaphore_mem>>
      %dma_start3A_255 = arith.constant 0 : i32
      %dma_start3A_256 = tpu.memref_slice %arg4[%mul3A_254, %dma_start3A_255] : memref<4096x128xf32, #tpu.memory_space<hbm>> -> memref<128x128xf32, #tpu.memory_space<hbm>>
      %dma_start3A_257 = arith.constant 0 : i32
      %dma_start3A_258 = tpu.memref_slice %arg4[%mul3A_254, %dma_start3A_257] : memref<4096x128xf32, #tpu.memory_space<hbm>> -> memref<128x128xf32, #tpu.memory_space<hbm>>
      tpu.enqueue_dma source(%arg7 : memref<128x128xf32, #tpu.memory_space<vmem>>) target(%dma_start3A_258 : memref<128x128xf32, #tpu.memory_space<hbm>>) target_semaphore(%run_scoped3A : memref<!tpu.dma_semaphore, #tpu.memory_space<semaphore_mem>>)
      %dma_wait3A_259 = arith.constant 0 : i32
      %dma_wait3A_260 = tpu.memref_slice %arg4[%mul3A_254, %dma_wait3A_259] : memref<4096x128xf32, #tpu.memory_space<hbm>> -> memref<128x128xf32, #tpu.memory_space<hbm>>
      %dma_wait3A_261 = arith.constant 0 : i32
      %dma_wait3A_262 = tpu.memref_slice %arg4[%mul3A_254, %dma_wait3A_261] : memref<4096x128xf32, #tpu.memory_space<hbm>> -> memref<128x128xf32, #tpu.memory_space<hbm>>
      tpu.wait_dma2 semaphore(%run_scoped3A : memref<!tpu.dma_semaphore, #tpu.memory_space<semaphore_mem>>) src(%arg7 : memref<128x128xf32, #tpu.memory_space<vmem>>) dst(%dma_wait3A_262 : memref<128x128xf32, #tpu.memory_space<hbm>>)
      tpu.yield
    }) : () -> ()
    return
  }
}

module attributes {stable_mosaic.version = 14 : i64} {
  func.func @mlp_body(%arg0: memref<4096x128xf32, #tpu.memory_space<vmem>>, %arg1: memref<4096xf32, #tpu.memory_space<vmem>>, %arg2: memref<128x128xf32, #tpu.memory_space<vmem>>, %arg3: memref<1x128xf32, #tpu.memory_space<vmem>>, %arg4: memref<1x128xf32, #tpu.memory_space<vmem>>, %arg5: memref<1xf32, #tpu.memory_space<smem>>, %arg6: memref<4096xf32, #tpu.memory_space<vmem>>, %arg7: memref<1xf32, #tpu.memory_space<smem>>) attributes {dimension_semantics = [], scalar_prefetch = 0 : i64, scratch_operands = 0 : i64, tpu.core_type = #tpu.core_type<tc>} {
    %get3A = arith.constant 0 : index
    %get3A_0 = arith.constant 0 : index
    %get3A_1 = vector.load %arg0[%get3A, %get3A_0] : memref<4096x128xf32, #tpu.memory_space<vmem>>, vector<4096x128xf32>
    %mul3A = arith.constant 5.000000e-03 : f32
    %mul3A_2 = vector.broadcast %mul3A : f32 to vector<4096x128xf32>
    %mul3A_3 = arith.mulf %get3A_1, %mul3A_2 : vector<4096x128xf32>
    %get3A_4 = arith.constant 0 : index
    %get3A_5 = arith.constant 0 : index
    %get3A_6 = vector.load %arg2[%get3A_4, %get3A_5] : memref<128x128xf32, #tpu.memory_space<vmem>>, vector<128x128xf32>
    %dot_general3A = arith.constant dense<0.000000e+00> : vector<4096x128xf32>
    %dot_general3A_7 = tpu.matmul %mul3A_3, %get3A_6, %dot_general3A {dimension_numbers = #tpu.dot_dimension_numbers<[1], [0], [0], [1], [0, 0, 1, 1], [], []>, transpose_lhs_hint = false} : vector<4096x128xf32>, vector<128x128xf32>, vector<4096x128xf32> -> vector<4096x128xf32>
    %get3A_8 = arith.constant 0 : index
    %get3A_9 = arith.constant 0 : index
    %get3A_10 = vector.load %arg3[%get3A_8, %get3A_9] : memref<1x128xf32, #tpu.memory_space<vmem>>, vector<1x128xf32>
    %add3A = vector.broadcast %get3A_10 : vector<1x128xf32> to vector<4096x128xf32>
    %add3A_11 = arith.addf %dot_general3A_7, %add3A : vector<4096x128xf32>
    %max3A = arith.constant 0.000000e+00 : f32
    %max3A_12 = vector.broadcast %max3A : f32 to vector<4096x128xf32>
    %max3A_13 = arith.maximumf %add3A_11, %max3A_12 : vector<4096x128xf32>
    %get3A_14 = arith.constant 0 : index
    %get3A_15 = arith.constant 0 : index
    %get3A_16 = vector.load %arg4[%get3A_14, %get3A_15] : memref<1x128xf32, #tpu.memory_space<vmem>>, vector<1x128xf32>
    %mul3A_17 = vector.broadcast %get3A_16 : vector<1x128xf32> to vector<4096x128xf32>
    %mul3A_18 = arith.mulf %max3A_13, %mul3A_17 : vector<4096x128xf32>
    %reduce_sum3A = arith.constant dense<0.000000e+00> : vector<4096xf32>
    %reduce_sum3A_19 = vector.multi_reduction <add>, %mul3A_18, %reduce_sum3A [1] : vector<4096x128xf32> to vector<4096xf32>
    %get3A_20 = arith.constant 0 : index
    %get3A_21 = memref.load %arg5[%get3A_20] : memref<1xf32, #tpu.memory_space<smem>>
    %add3A_22 = vector.broadcast %get3A_21 : f32 to vector<4096xf32>
    %add3A_23 = arith.addf %reduce_sum3A_19, %add3A_22 : vector<4096xf32>
    %swap3A = arith.constant 0 : index
    %swap3A_24 = vector.load %arg6[%swap3A] : memref<4096xf32, #tpu.memory_space<vmem>>, vector<4096xf32>
    tpu.vector_store %arg6[%swap3A], %add3A_23 {strides = array<i32>} : memref<4096xf32, #tpu.memory_space<vmem>>, vector<4096xf32>,
    %max3A_25 = arith.constant 0.000000e+00 : f32
    %max3A_26 = vector.broadcast %max3A_25 : f32 to vector<4096xf32>
    %max3A_27 = arith.maximumf %add3A_23, %max3A_26 : vector<4096xf32>
    %get3A_28 = arith.constant 0 : index
    %get3A_29 = vector.load %arg1[%get3A_28] : memref<4096xf32, #tpu.memory_space<vmem>>, vector<4096xf32>
    %mul3A_30 = arith.mulf %add3A_23, %get3A_29 : vector<4096xf32>
    %sub3A = arith.subf %max3A_27, %mul3A_30 : vector<4096xf32>
    %abs3A = math.absf %add3A_23 : vector<4096xf32>
    %neg3A = arith.constant 0.000000e+00 : f32
    %neg3A_31 = vector.broadcast %neg3A : f32 to vector<4096xf32>
    %neg3A_32 = arith.subf %neg3A_31, %abs3A : vector<4096xf32>
    %exp3A = math.exp %neg3A_32 : vector<4096xf32>
    %log1p3A = math.log1p %exp3A : vector<4096xf32>
    %add3A_33 = arith.addf %sub3A, %log1p3A : vector<4096xf32>
    %reduce_sum3A_34 = vector.shape_cast %add3A_33 : vector<4096xf32> to vector<1x4096xf32>
    %reduce_sum3A_35 = arith.constant dense<0.000000e+00> : vector<1xf32>
    %reduce_sum3A_36 = vector.multi_reduction <add>, %reduce_sum3A_34, %reduce_sum3A_35 [1] : vector<1x4096xf32> to vector<1xf32>
    %reduce_sum3A_37 = vector.shape_cast %reduce_sum3A_36 : vector<1xf32> to vector<1x1xf32>
    %reduce_sum3A_38 = vector.extract %reduce_sum3A_37[0, 0] : f32 from vector<1x1xf32>
    %mul3A_39 = arith.constant 2.44140625E-4 : f32
    %mul3A_40 = arith.mulf %reduce_sum3A_38, %mul3A_39 : f32
    %swap3A_41 = arith.constant 0 : index
    %swap3A_42 = memref.load %arg7[%swap3A_41] : memref<1xf32, #tpu.memory_space<smem>>
    memref.store %mul3A_40, %arg7[%swap3A_41] : memref<1xf32, #tpu.memory_space<smem>>
    return
  }
}

</mosaic_0001>

<sc_bundles>
// kernel: kernel.4.cloned.1.call-start
scs
__scs_entry_jumppad:
0x0: {  	(pc) =	sbr.rel $0x88, $3  }
0x1: {  	(tag) =	ssettag $0x0;
	lr =	simm.s32 $0x1  }
0x2: {  	[smem:$0x3F9A] =	sst lr;
	_ =	strace $0xD0000000  }
0x3: {  	_ = 	snop  }
0x4: {  	_ = 	snop  }
0x5: {  	_ = 	snop  }
0x6: {  	_ = 	snop  }
0x7: {  	_ = 	snop  }
__scs_overlays_trampoline_lowered:
0x8: {  	[smem:$0x3FA9] =	sst s0  }
0x9: {  	[smem:$0x3FAA] =	sst s1  }
0xa: {  	[smem:$0x3FAB] =	sst s2  }
0xb: {  	[smem:$0x3FAC] =	sst s3  }
0xc: {  	[smem:$0x3FAD] =	sst s4  }
0xd: {  	[smem:$0x3FAE] =	sst s5  }
0xe: {  	[smem:$0x3FAF] =	sst s6  }
0xf: {  	[smem:$0x3FB0] =	sst s7  }
0x10: {  	[smem:$0x3FB1] =	sst s8  }
0x11: {  	[smem:$0x3FB2] =	sst s9;
	s0 =	simm.s32 @!p0 $0x0  }
0x12: {  	s1 =	sld [smem:$0x3F98];
	s0 =	simm.s32 @p0 $0x1  }
0x13: {  	[smem:$0x3FB3] =	sst s0;
	s0 =	simm.s32 @!p1 $0x0  }
0x14: {  	s2 =	sld [smem:$0x3F97];
	s0 =	simm.s32 @p1 $0x1  }
0x15: {  	[smem:$0x3FB4] =	sst s0;
	s0 =	simm.s32 @!p2 $0x0  }
0x16: {  	s3 =	sld [smem:$0x3FDB];
	s0 =	simm.s32 @p2 $0x1  }
0x17: {  	s4 =	simm.s32 $0x1BF5;
	[smem:$0x3FB6] =	sst s0  }
0x18: {  	s0 =	sld [smem:$0x3F99];
	_ =	swait.ge [sflag:s4], $0x0  }
0x19: {  	s7 =	sld [smem:$0x3F9A]  }
0x1a: {  	s8 =	sadd.s32 $0xFFFFE003, lr  }
0x1b: {  	s9 =	sadd.s32 $0xFFFFFEF7, lr;
	s5 =	simm.s32 $0xFFFFFFFF;
	p2 =	slt.u32 s8, $0xFFFFF086  }
0x1c: {  	p1 =	slt.u32 s9, $0xF7A;
	s5 =	simm.s32 @!p2 $0x0  }
0x1d: {  	s5 =	simm.s32 @p1 $0x1;
	p0 =	seq.s32 s7, s2  }
0x1e: {  	s7 =	smul.u32 @!p0 $0xF7A, s2;
	p2 =	seq.s32 @!p0 s5, $0x0  }
0x1f: {  	s9 =	smul.u32 $0xF7A, s1;
	s8 =	simm.s32 @!p0 $0x1BF5;
	p2 =	por !p2, p0  }
0x20: {  	[sflag:s8] =	ssyncset.s32 @!p0 $0xFFFFF086;
	s6 =	sadd.s32 @!p0 s3, s7;
	s7 =	simm.s32 @!p0 $0x108  }
0x21: {  	s3 =	sadd.s32 s3, s9;
	s6 =	sadd.s32 @!p0 $0x88, s6;
	s7 =	simm.s32 @p2 $0x1082  }
0x22: {  	[simem:s7], [sflag:s8] =	dma.local @!p0 [hbm:s6], $0xF7A  }
0x23: {  	s9 =	sor.u32 $0xD0000000, s2;
	s6 =	simm.s32 $0x108;
	_ =	swait.ge @!p0 [sflag:s8], $0x0  }
0x24: {  	s3 =	sadd.s32 $0x88, s3;
	s6 =	simm.s32 @!p1 $0x1082;
	[sflag:s4] =	ssyncset.s32 $0xFFFFF086  }
0x25: {  	[simem:s6], [sflag:s4] =	dma.local [hbm:s3], $0xF7A  }
0x26: {  	[smem:$0x3F9A] =	sst s1;
	(tag) =	ssettag s2;
	_ =	strace s9  }
0x27: {  	s1 =	sld [smem:$0x3FAA]  }
0x28: {  	s2 =	sld [smem:$0x3FAB]  }
0x29: {  	s4 =	sld [smem:$0x3FAD]  }
0x2a: {  	p0 =	seq.s32 s5, $0x0;
	s5 =	sld [smem:$0x3FAE]  }
0x2b: {  	s6 =	sld [smem:$0x3FAF]  }
0x2c: {  	s7 =	sld [smem:$0x3FB0]  }
0x2d: {  	s3 =	simm.s32 $0x108;
	s8 =	sld [smem:$0x3FB1]  }
0x2e: {  	s3 =	simm.s32 @!p0 $0x1082;
	s9 =	sld [smem:$0x3FB2]  }
0x2f: {  	lr =	sadd.s32 s0, s3;
	s0 =	sld [smem:$0x3FA9]  }
0x30: {  	s3 =	sld [smem:$0x3FAC]  }
0x31: {  	[smem:$0x3FB5] =	sst s10  }
0x32: {  	s10 =	sld [smem:$0x3FB3];
	_ =	sdelay $0x3  }
0x33: {  	p0 =	seq.s32 s10, $0x1;
	s10 =	sld [smem:$0x3FB5];
	_ =	sdelay $0x3  }
0x34: {  	[smem:$0x3FB5] =	sst s10  }
0x35: {  	s10 =	sld [smem:$0x3FB4];
	_ =	sdelay $0x3  }
0x36: {  	p1 =	seq.s32 s10, $0x1;
	s10 =	sld [smem:$0x3FB5];
	_ =	sdelay $0x3  }
0x37: {  	[smem:$0x3FB5] =	sst s10  }
0x38: {  	s10 =	sld [smem:$0x3FB6]  }
0x39: {  	_ = 	snop;
	(pc) =	sbr.ind lr, $3  }
0x3a: {  	_ = 	snop  }
0x3b: {  	_ = 	snop  }
0x3c: {  	p2 =	seq.s32 s10, $0x1;
	s10 =	sld [smem:$0x3FB5]  }
0x3d: {  	_ =	shalt  }
0x3e: {  	_ =	shalt  }
0x3f: {  	_ =	shalt  }
0x40: {  	_ =	shalt  }
0x41: {  	_ =	shalt  }
0x42: {  	_ =	shalt  }
0x43: {  	_ =	shalt  }
0x44: {  	_ =	shalt  }
0x45: {  	_ =	shalt  }
0x46: {  	_ =	shalt  }
0x47: {  	_ =	shalt  }
0x48: {  	_ =	shalt  }
0x49: {  	_ =	shalt  }
0x4a: {  	_ =	shalt  }
0x4b: {  	_ =	shalt  }
0x4c: {  	_ =	shalt  }
0x4d: {  	_ =	shalt  }
0x4e: {  	_ =	shalt  }
0x4f: {  	_ =	shalt  }
0x50: {  	_ =	shalt  }
0x51: {  	_ =	shalt  }
0x52: {  	_ =	shalt  }
0x53: {  	_ =	shalt  }
0x54: {  	_ =	shalt  }
0x55: {  	_ =	shalt  }
0x56: {  	_ =	shalt  }
0x57: {  	_ =	shalt  }
0x58: {  	_ =	shalt  }
0x59: {  	_ =	shalt  }
0x5a: {  	_ =	shalt  }
0x5b: {  	_ =	shalt  }
0x5c: {  	_ =	shalt  }
0x5d: {  	_ =	shalt  }
0x5e: {  	_ =	shalt  }
0x5f: {  	_ =	shalt  }
0x60: {  	_ =	shalt  }
0x61: {  	_ =	shalt  }
0x62: {  	_ =	shalt  }
0x63: {  	_ =	shalt  }
0x64: {  	_ =	shalt  }
0x65: {  	_ =	shalt  }
0x66: {  	_ =	shalt  }
0x67: {  	_ =	shalt  }
0x68: {  	_ =	shalt  }
0x69: {  	_ =	shalt  }
0x6a: {  	_ =	shalt  }
0x6b: {  	_ =	shalt  }
0x6c: {  	_ =	shalt  }
0x6d: {  	_ =	shalt  }
0x6e: {  	_ =	shalt  }
0x6f: {  	_ =	shalt  }
0x70: {  	_ =	shalt  }
0x71: {  	_ =	shalt  }
0x72: {  	_ =	shalt  }
0x73: {  	_ =	shalt  }
0x74: {  	_ =	shalt  }
0x75: {  	_ =	shalt  }
0x76: {  	_ =	shalt  }
0x77: {  	_ =	shalt  }
0x78: {  	_ =	shalt  }
0x79: {  	_ =	shalt  }
0x7a: {  	_ =	shalt  }
0x7b: {  	_ =	shalt  }
0x7c: {  	_ =	shalt  }
0x7d: {  	_ =	shalt  }
0x7e: {  	_ =	shalt  }
0x7f: {  	_ =	shalt  }
0x80: {  	_ =	shalt  }
0x81: {  	_ =	shalt  }
0x82: {  	_ =	shalt  }
0x83: {  	_ =	shalt  }
0x84: {  	_ =	shalt  }
0x85: {  	_ =	shalt  }
0x86: {  	_ =	shalt  }
0x87: {  	_ =	shalt  }
.Lfunc_end0:
.L_simem_size_0:
called_computation_lowered:
.L_overlay_start_0:
0x88: {  	s2 =	sld [smem:$0x3FD9]  }
0x89: {  	s3 =	sld [smem:$0x3FFE];
	_ =	sdelay $0x1  }
0x8a: {  	s1 =	srdreg.scid  }
0x8b: {  	s0 =	sand.u32 $0x1, s1  }
0x8c: {  	s17 =	sshll.u32 s0, $0xA;
	s2 =	sadd.s32 s3, s2  }
0x8d: {  	s2 =	sadd.s32 s2, s17  }
0x8e: {  	[smem:$0x3FC1] =	sst s2  }
0x8f: {  	_ = 	snop  }
0x90: {  	s2 =	sld [smem:$0x3FC7];
	(tm) =	ssettm $0x1  }
0x91: {  	s18 =	sld [smem:$0x3FFB];
	_ =	sdelay $0x3  }
0x92: {  	_ =	strace s18  }
0x93: {  	s3 =	sld [smem:$0x3FFC];
	_ =	sdelay $0x3  }
0x94: {  	_ =	strace s3  }
0x95: {  	s3 =	sld [smem:$0x3FFD];
	_ =	sdelay $0x3  }
0x96: {  	_ =	strace s3  }
0x97: {  	_ =	strace $0x8FFFFFFF  }
0x98: {  	s19 =	sld [smem:$0x3FDB];
	_ =	sdelay $0x1  }
0x99: {  	s4 =	simm.s32 $_scs_section_size  }
0x9a: {  	s5 =	simm.s32 $_size__tile_overlayer_lowered;
	s6 =	simm.s32 $_tile_overlayer_lowered  }
0x9b: {  	s22 =	simm.s32 $0x1BFF;
	s21 =	sshll.u32 s6, $0x1;
	s3 =	sadd.s32 s4, s19  }
0x9c: {  	s7 =	simm.s32 $0x0;
	s20 =	sshll.u32 s5, $0x1;
	s5 =	sadd.s32 s21, s3  }
0x9d: {  	[timem:s7], [sflag:s22] =	dma.local [hbm:s5], s20  }
0x9e: {  	_ =	swait.ge [sflag:s22], s20  }
0x9f: {  	s4 =	ssub.s32 $0x0, s20;
	[sflag:s22] =	ssyncset.done $0x0  }
0xa0: {  	[sflag:s22] =	ssyncadd.s32 s4;
	_ =	sdelay $0x1  }
0xa1: {  	s23 =	simm.s32 $0x1B8B  }
0xa2: {  	_ =	swait.ge [sflag:s23], $0x1  }
0xa3: {  	[sflag:s23] =	ssyncset.done $0x0  }
0xa4: {  	s25 =	simm.s32 $0x1B8E;
	s24 =	sld [smem:$0x3FFE];
	[sflag:s23] =	ssyncadd.s32 $0xFFFFFFFF  }
0xa5: {  	s26 =	simm.s32 $execute0_lowered;
	[smem:$0x3FD2] =	sst s25  }
0xa6: {  	s5 =	sshll.u32 s26, $0x1;
	_ =	strace $0x80000046;
	[dreg:$0x1] =	wrdreg $0xFFFFFFFF  }
0xa7: {  	s28 =	simm.s32 $_size_execute0_lowered;
	s3 =	sadd.s32 s3, s5;
	[dreg:$0x0] =	wrdreg $0x0  }
0xa8: {  	s5 =	sshll.u32 s28, $0x1;
	[dreg:$0x2] =	wrdreg s3  }
0xa9: {  	[dreg:$0x3] =	wrdreg s5  }
0xaa: {  	[dreg:$0x4] =	wrdreg $0xC0  }
0xab: {  	_ =	task [dreg:s7], $0x5FFFF  }
0xac: {  	[dreg:$0x1] =	wrdreg $0xFFFFFFFF  }
0xad: {  	[dreg:$0x0] =	wrdreg $0x60  }
0xae: {  	[dreg:$0x2] =	wrdreg s24  }
0xaf: {  	[dreg:$0x3] =	wrdreg s2  }
0xb0: {  	[dreg:$0x4] =	wrdreg $0x9  }
0xb1: {  	_ =	task.clear_ibuf [dreg:s7], $0x5FFFF;
	_ =	strace $0x90000046  }
0xb2: {  	s29 =	simm.s32 $0x9;
	_ =	strace $0x80000048  }
0xb3: {  	_ =	swait.ge [sflag:s29], $0x1  }
0xb4: {  	[sflag:s29] =	ssyncadd.s32 $0xFFFFFFFF  }
0xb5: {  	_ =	strace $0x90000048  }
0xb6: {  	_ =	sfence  }
0xb7: {  	s30 =	sld [smem:$0x0];
	_ =	sdelay $0x2  }
0xb8: {  	s31 =	sshll.u32 s1, $0xD;
	s1 =	sshrl.u32 s1, $0x2  }
0xb9: {  	s3 =	sand.u32 $0x4000, s31;
	s1 =	sadd.s32 s1, s30  }
0xba: {  	s0 =	sor.u32 s3, s0;
	s1 =	sshll.u32 s1, $0x11  }
0xbb: {  	s0 =	sor.u32 s1, s0  }
0xbc: {  	s0 =	sadd.s32 $0x8F2B, s0  }
0xbd: {  	[sflag:s0] =	ssyncadd.remote.s32 $0x1  }
0xbe: {  	_ =	sfence.sel $0xFFFF  }
0xbf: {  	[dreg:$0x0] =	wrdreg $0xFFFFFFFF;
	(pc) =	sbr.abs _section_cstart, $3  }
0xc0: {  	[dreg:$0x1] =	wrdreg $0xFFFFFFFF  }
0xc1: {  	_ =	task.clear_ibuf [dreg:s7], $0x2FFFF;
	_ =	strace $0x9FFFFFFF  }
0xc2: {  	(tm) =	ssettm $0x7FFFFFFF  }
0xc3: {  	_ =	shalt  }
tec
execute0_lowered:
.L_overlay_start_1:
0x0: {  	(tag) =	ssettag $0x1  }
0x1: {  	s0 =	rddreg [dreg:$0x0]  }
0x2: {  	s2 =	rddreg [dreg:$0x1];
	s3 =	simm.s32 $0x0;
	s4 =	srdreg.scid  }
0x3: {  	s1 =	stileid.u32;
	s8 =	simm.s32 $0x64;
	s9 =	simm.s32 $0x8000  }
0x4: {  	s10 =	simm.s32 $0x80;
	s11 =	simm.s32 $0xB400;
	s12 =	simm.s32 $0x100  }
0x5: {  	s13 =	simm.s32 $0xE800;
	s14 =	simm.s32 $0x180;
	s15 =	simm.s32 $0x11C00  }
0x6: {  	s16 =	simm.s32 $0x200;
	s17 =	simm.s32 $0x15000;
	s18 =	simm.s32 $0x18400  }
0x7: {  	s19 =	simm.s32 $0x1;
	s20 =	simm.s32 $0x2;
	s21 =	simm.s32 $0x3  }
0x8: {  	s22 =	simm.s32 $0x4;
	s23 =	simm.s32 $0x5;
	s24 =	simm.s32 $0x6  }
0x9: {  	s25 =	simm.s32 $0x1B800;
	s4 =	sand.u32 $0x1, s4;
	s5 =	sshll.u32 s1, $0x1  }
0xa: {  	s26 =	simm.s32 $0x0;
	[smem:$0x7FF] =	sst s3;
	s5 =	sor.u32 s4, s5  }
0xb: {  	_ =	strace $0x80000047;
	s4 =	ssub.s32 $0x2, s4;
	s6 =	sshll.u32 s5, $0xC  }
0xc: {  	s5 =	sshll.u32 s5, $0xB;
	s31 =	sshrl.u32 s4, $0x1;
	s6 =	sadd.s32 s6, s0  }
0xd: {  	s0 =	sadd.s32 s5, s0;
	s7 =	ssub.s32 s4, s31;
	s4 =	sadd.s32 $0x1000, s6  }
0xe: {  	s5 =	sadd.s32 $0x21000, s0;
	s6 =	smax.u32 s7, $0x1;
	s7 =	simm.s32 $0x7  }
.LBB2_1:
0xf: {  	[tilespmem:s3], [sflag:$0x7] =	stream.linear.gather [hbm4b:s4+s3], $0x8000, $0x38;
	[tilespmem:$0x1F800] =	vst v63  }
0x10: {  	_ =	swait.ge [sflag:s7], $0x8000  }
0x11: {  	[sflag:s7] =	ssyncset.done $0x0  }
0x12: {  	[sflag:s7] =	ssyncadd.s32 $0xFFFF8000  }
0x13: {  	[tilespmem:s9], [sflag:$0x1] =	stream.indirect.gather [hbm4b:s2+s8], $0x80, s3, s8, $0xb8;
	[tilespmem:$0x1F800] =	vst v63  }
0x14: {  	_ = 	snop  }
0x15: {  	[tilespmem:s11], [sflag:$0x2] =	stream.indirect.gather [hbm4b:s2+s8], $0x80, s10, s8, $0xb8;
	[tilespmem:$0x1F800] =	vst v63  }
0x16: {  	_ = 	snop  }
0x17: {  	[tilespmem:s13], [sflag:$0x3] =	stream.indirect.gather [hbm4b:s2+s8], $0x80, s12, s8, $0xb8;
	[tilespmem:$0x1F800] =	vst v63  }
0x18: {  	_ = 	snop  }
0x19: {  	[tilespmem:s15], [sflag:$0x4] =	stream.indirect.gather [hbm4b:s2+s8], $0x80, s14, s8, $0xb8;
	[tilespmem:$0x1F800] =	vst v63  }
0x1a: {  	s28 =	simm.s32 $0x0  }
0x1b: {  	[tilespmem:s17], [sflag:$0x5] =	stream.indirect.gather [hbm4b:s2+s8], $0x80, s16, s8, $0xb8;
	[tilespmem:$0x1F800] =	vst v63  }
.LBB2_2:
0x1c: {  	s0 =	smul.u32 $0xC00, s28;
	_ =	sdelay $0x1  }
0x1d: {  	s29 =	sshra.s32 s0, $0x2  }
0x1e: {  	s0 =	sadd.s32 $0x280, s29  }
0x1f: {  	[tilespmem:s18], [sflag:$0x6] =	stream.indirect.gather [hbm4b:s2+s8], $0x80, s0, s8, $0xb8;
	[tilespmem:$0x1F800] =	vst v63  }
0x20: {  	_ =	swait.ge [sflag:s19], $0x3200  }
0x21: {  	[sflag:s19] =	ssyncset.done $0x0  }
0x22: {  	[sflag:s19] =	ssyncadd.s32 $0xFFFFCE00  }
0x23: {  	_ =	swait.ge [sflag:s20], $0x3200  }
0x24: {  	[sflag:s20] =	ssyncset.done $0x0  }
0x25: {  	s0 =	simm.s32 $0xB4F0;
	[sflag:s20] =	ssyncadd.s32 $0xFFFFCE00  }
0x26: {  	v4 =	vld [tilespmem:s0+$0xFFFFFF90]  }
0x27: {  	v5 =	vld [tilespmem:s0+$0xFFFFFFA0]  }
0x28: {  	v11 =	vld [tilespmem:s0+$0xFFFFFFB0]  }
0x29: {  	v12 =	vld [tilespmem:s0+$0xFFFFFFC0]  }
0x2a: {  	v0 =	vld [tilespmem:s0+$0xFFFFFFD0]  }
0x2b: {  	v1 =	vld [tilespmem:s0+$0xFFFFFFE0]  }
0x2c: {  	v6 =	vld [tilespmem:s0+$0xFFFFCB90]  }
0x2d: {  	v7 =	vld [tilespmem:s0+$0xFFFFCBA0]  }
0x2e: {  	v9 =	vld [tilespmem:s0+$0xFFFFCBB0]  }
0x2f: {  	v10 =	vld [tilespmem:s0+$0xFFFFCBC0]  }
0x30: {  	v3 =	vld [tilespmem:s0+$0xFFFFCBD0]  }
0x31: {  	v2 =	vld [tilespmem:s0+$0xFFFFCBE0]  }
0x32: {  	v8 =	vld [tilespmem:s0+$0xFFFFFF10]  }
0x33: {  	v13 =	vld [tilespmem:s0+$0xFFFFFF20]  }
0x34: {  	v14 =	vld [tilespmem:s0+$0xFFFFCB10]  }
0x35: {  	v15 =	vld [tilespmem:s0+$0xFFFFCB20]  }
0x36: {  	v16 =	vld [tilespmem:s0+$0xFFFFCB30]  }
0x37: {  	v17 =	vld [tilespmem:s0+$0xFFFFCB40]  }
0x38: {  	v18 =	vld [tilespmem:s0+$0xFFFFFF30]  }
0x39: {  	v19 =	vld [tilespmem:s0+$0xFFFFFF40]  }
0x3a: {  	v20 =	vimm.f32 $0.0e+00;
	v21 =	vld [tilespmem:s0+$0xFFFFFF50]  }
0x3b: {  	v22 =	vld [tilespmem:s0+$0xFFFFFF60];
	v14 =	vadd.f32 v14, v20;
	v15 =	vadd.f32 v15, v20  }
0x3c: {  	v23 =	vld [tilespmem:s0+$0xFFFFCB50];
	v16 =	vadd.f32 v16, v20;
	v17 =	vadd.f32 v17, v20  }
0x3d: {  	v24 =	vld [tilespmem:s0+$0xFFFFCB60];
	v8 =	vadd.f32 v8, v14;
	v13 =	vadd.f32 v13, v15  }
0x3e: {  	v14 =	vld [tilespmem:s0+$0xFFFFCB70];
	v15 =	vadd.f32 v18, v16;
	v16 =	vadd.f32 v19, v17  }
0x3f: {  	v17 =	vld [tilespmem:s0+$0xFFFFCB80];
	v6 =	vadd.f32 v6, v8;
	v13 =	vadd.f32 v7, v13  }
0x40: {  	v8 =	vld [tilespmem:s0+$0xFFFFFF70];
	v15 =	vadd.f32 v9, v15;
	v16 =	vadd.f32 v10, v16  }
0x41: {  	v10 =	vld [tilespmem:s0+$0xFFFFFF80];
	v7 =	vadd.f32 v4, v6;
	v6 =	vadd.f32 v5, v13  }
0x42: {  	v9 =	vld [tilespmem:s0+$0xFFFFCBF0];
	v5 =	vadd.f32 v11, v15;
	v4 =	vadd.f32 v12, v16  }
0x43: {  	v13 =	vadd.f32 v23, v20;
	v16 =	vadd.f32 v24, v20;
	v12 =	vld [tilespmem:s0+$0xFFFFCC00]  }
0x44: {  	v11 =	vld [tilespmem:s0+$0xFFFFFFF0];
	v15 =	vadd.f32 v14, v20;
	v14 =	vadd.f32 v17, v20  }
0x45: {  	s30 =	simm.s32 $0x0;
	s31 =	simm.s32 $0xB5F0;
	v17 =	vadd.f32 v21, v13;
	v16 =	vadd.f32 v22, v16;
	v13 =	vld [tilespmem:s0+$0x0]  }
.LBB2_3:
0x46: {  	v18 =	vld [tilespmem:s31+$0xFFFFFF90];
	v8 =	vadd.f32 v8, v15;
	v10 =	vadd.f32 v10, v14  }
0x47: {  	v14 =	vld [tilespmem:s31+$0xFFFFFFA0];
	v3 =	vadd.f32 v3, v17;
	v2 =	vadd.f32 v2, v16  }
0x48: {  	v15 =	vld [tilespmem:s31+$0xFFFFFFB0];
	v8 =	vadd.f32 v9, v8;
	v9 =	vadd.f32 v12, v10  }
0x49: {  	v12 =	vld [tilespmem:s31+$0xFFFFFFC0];
	v16 =	vadd.f32 v0, v3;
	v17 =	vadd.f32 v1, v2  }
0x4a: {  	v0 =	vld [tilespmem:s31+$0xFFFFFFD0];
	v11 =	vadd.f32 v11, v8;
	v13 =	vadd.f32 v13, v9  }
0x4b: {  	v1 =	vld [tilespmem:s31+$0xFFFFFFE0]  }
0x4c: {  	v8 =	vld [tilespmem:s31+$0xFFFFCB90]  }
0x4d: {  	v9 =	vld [tilespmem:s31+$0xFFFFCBA0]  }
0x4e: {  	v10 =	vld [tilespmem:s31+$0xFFFFCBB0]  }
0x4f: {  	v19 =	vld [tilespmem:s31+$0xFFFFCBC0]  }
0x50: {  	v3 =	vld [tilespmem:s31+$0xFFFFCBD0]  }
0x51: {  	v2 =	vld [tilespmem:s31+$0xFFFFCBE0]  }
0x52: {  	v20 =	vld [tilespmem:s31+$0xFFFFFF10]  }
0x53: {  	v21 =	vld [tilespmem:s31+$0xFFFFFF20]  }
0x54: {  	v22 =	vld [tilespmem:s31+$0xFFFFCB10]  }
0x55: {  	v23 =	vld [tilespmem:s31+$0xFFFFCB20]  }
0x56: {  	v24 =	vld [tilespmem:s31+$0xFFFFCB30]  }
0x57: {  	v25 =	vld [tilespmem:s31+$0xFFFFCB40]  }
0x58: {  	v26 =	vld [tilespmem:s31+$0xFFFFFF30]  }
0x59: {  	v27 =	vld [tilespmem:s31+$0xFFFFFF40]  }
0x5a: {  	v28 =	vld [tilespmem:s31+$0xFFFFFF50]  }
0x5b: {  	v7 =	vadd.f32 v22, v7;
	v6 =	vadd.f32 v23, v6;
	v22 =	vld [tilespmem:s31+$0xFFFFFF60]  }
0x5c: {  	v5 =	vadd.f32 v24, v5;
	v4 =	vadd.f32 v25, v4;
	v23 =	vld [tilespmem:s31+$0xFFFFCB50]  }
0x5d: {  	v7 =	vadd.f32 v20, v7;
	v6 =	vadd.f32 v21, v6;
	v24 =	vld [tilespmem:s31+$0xFFFFCB60]  }
0x5e: {  	v5 =	vadd.f32 v26, v5;
	v20 =	vld [tilespmem:s31+$0xFFFFCB70];
	v4 =	vadd.f32 v27, v4  }
0x5f: {  	s30 =	sadd.s32 $0x2, s30;
	v7 =	vadd.f32 v8, v7;
	v6 =	vadd.f32 v9, v6;
	v21 =	vld [tilespmem:s31+$0xFFFFCB80]  }
0x60: {  	p0 =	slt.u32 s30, $0x62;
	v5 =	vadd.f32 v10, v5;
	v8 =	vld [tilespmem:s31+$0xFFFFFF70];
	v4 =	vadd.f32 v19, v4  }
.Ltmp0:
0x61: {  	v7 =	vadd.f32 v18, v7;
	v6 =	vadd.f32 v14, v6;
	v10 =	vld [tilespmem:s31+$0xFFFFFF80];
	(pc) =	sbr.rel @p0 .LBB2_3-.Ltmp0, $4  }
0x62: {  	v5 =	vadd.f32 v15, v5;
	v9 =	vld [tilespmem:s31+$0xFFFFCBF0];
	v4 =	vadd.f32 v12, v4  }
0x63: {  	v16 =	vadd.f32 v23, v16;
	v18 =	vadd.f32 v24, v17;
	v12 =	vld [tilespmem:s31+$0xFFFFCC00]  }
0x64: {  	v15 =	vadd.f32 v20, v11;
	v14 =	vadd.f32 v21, v13;
	v11 =	vld [tilespmem:s31+$0xFFFFFFF0]  }
0x65: {  	v17 =	vadd.f32 v28, v16;
	v16 =	vadd.f32 v22, v18;
	v13 =	vld [tilespmem:s31+$0x0];
	s31 =	sadd.s32 $0x100, s31  }
0x66: {  	s0 =	smul.u32 $0x600, s28;
	_ =	sdelay $0x1  }
0x67: {  	s30 =	sshra.s32 s0, $0x2  }
0x68: {  	v8 =	vadd.f32 v8, v15;
	v3 =	vadd.f32 v3, v17;
	[tilespmem:s30+$0x1B800] =	vst v7  }
0x69: {  	v2 =	vadd.f32 v2, v16;
	v7 =	vadd.f32 v10, v14;
	[tilespmem:s30+$0x1B810] =	vst v6  }
0x6a: {  	v6 =	vadd.f32 v9, v8;
	v0 =	vadd.f32 v0, v3;
	[tilespmem:s30+$0x1B820] =	vst v5  }
0x6b: {  	v1 =	vadd.f32 v1, v2;
	[tilespmem:s30+$0x1B830] =	vst v4;
	v3 =	vadd.f32 v12, v7  }
0x6c: {  	v2 =	vadd.f32 v11, v6;
	[tilespmem:s30+$0x1B840] =	vst v0  }
0x6d: {  	[tilespmem:s30+$0x1B850] =	vst v1;
	v0 =	vadd.f32 v13, v3  }
0x6e: {  	[tilespmem:s30+$0x1B860] =	vst v2  }
0x6f: {  	s0 =	sadd.s32 $0x300, s29;
	[tilespmem:s30+$0x1B870] =	vst v0  }
0x70: {  	[tilespmem:s9], [sflag:$0x1] =	stream.indirect.gather [hbm4b:s2+s8], $0x80, s0, s8, $0xb8;
	[tilespmem:$0x1F800] =	vst v63  }
0x71: {  	s0 =	sadd.s32 $0x380, s29  }
0x72: {  	[tilespmem:s11], [sflag:$0x2] =	stream.indirect.gather [hbm4b:s2+s8], $0x80, s0, s8, $0xb8;
	[tilespmem:$0x1F800] =	vst v63  }
0x73: {  	_ =	swait.ge [sflag:s21], $0x3200  }
0x74: {  	[sflag:s21] =	ssyncset.done $0x0  }
0x75: {  	[sflag:s21] =	ssyncadd.s32 $0xFFFFCE00  }
0x76: {  	_ =	swait.ge [sflag:s22], $0x3200  }
0x77: {  	[sflag:s22] =	ssyncset.done $0x0  }
0x78: {  	s0 =	simm.s32 $0xE800;
	[sflag:s22] =	ssyncadd.s32 $0xFFFFCE00  }
0x79: {  	v4 =	vld [tilespmem:s0+$0x3480]  }
0x7a: {  	v5 =	vld [tilespmem:s0+$0x3490]  }
0x7b: {  	v11 =	vld [tilespmem:s0+$0x34A0]  }
0x7c: {  	v12 =	vld [tilespmem:s0+$0x34B0]  }
0x7d: {  	v0 =	vld [tilespmem:s0+$0x34C0]  }
0x7e: {  	v1 =	vld [tilespmem:s0+$0x34D0]  }
0x7f: {  	v6 =	vld [tilespmem:s0+$0x80]  }
0x80: {  	v7 =	vld [tilespmem:s0+$0x90]  }
0x81: {  	v9 =	vld [tilespmem:s0+$0xA0]  }
0x82: {  	v10 =	vld [tilespmem:s0+$0xB0]  }
0x83: {  	v3 =	vld [tilespmem:s0+$0xC0]  }
0x84: {  	v2 =	vld [tilespmem:s0+$0xD0]  }
0x85: {  	v8 =	vld [tilespmem:s0+$0x3400]  }
0x86: {  	v13 =	vld [tilespmem:s0+$0x3410]  }
0x87: {  	v14 =	vld [tilespmem:s0+$0x0]  }
0x88: {  	v15 =	vld [tilespmem:s0+$0x10]  }
0x89: {  	v16 =	vld [tilespmem:s0+$0x20]  }
0x8a: {  	v17 =	vld [tilespmem:s0+$0x30]  }
0x8b: {  	v18 =	vld [tilespmem:s0+$0x3420]  }
0x8c: {  	v19 =	vld [tilespmem:s0+$0x3430]  }
0x8d: {  	v20 =	vimm.f32 $0.0e+00;
	v21 =	vld [tilespmem:s0+$0x3440]  }
0x8e: {  	v22 =	vld [tilespmem:s0+$0x3450];
	v14 =	vadd.f32 v14, v20;
	v15 =	vadd.f32 v15, v20  }
0x8f: {  	v23 =	vld [tilespmem:s0+$0x40];
	v16 =	vadd.f32 v16, v20;
	v17 =	vadd.f32 v17, v20  }
0x90: {  	v24 =	vld [tilespmem:s0+$0x50];
	v8 =	vadd.f32 v8, v14;
	v13 =	vadd.f32 v13, v15  }
0x91: {  	v14 =	vld [tilespmem:s0+$0x60];
	v15 =	vadd.f32 v18, v16;
	v16 =	vadd.f32 v19, v17  }
0x92: {  	v17 =	vld [tilespmem:s0+$0x70];
	v6 =	vadd.f32 v6, v8;
	v13 =	vadd.f32 v7, v13  }
0x93: {  	v8 =	vld [tilespmem:s0+$0x3460];
	v15 =	vadd.f32 v9, v15;
	v16 =	vadd.f32 v10, v16  }
0x94: {  	v10 =	vld [tilespmem:s0+$0x3470];
	v7 =	vadd.f32 v4, v6;
	v6 =	vadd.f32 v5, v13  }
0x95: {  	v9 =	vld [tilespmem:s0+$0xE0];
	v5 =	vadd.f32 v11, v15;
	v4 =	vadd.f32 v12, v16  }
0x96: {  	v13 =	vadd.f32 v23, v20;
	v16 =	vadd.f32 v24, v20;
	v12 =	vld [tilespmem:s0+$0xF0]  }
0x97: {  	v11 =	vld [tilespmem:s0+$0x34E0];
	v15 =	vadd.f32 v14, v20;
	v14 =	vadd.f32 v17, v20  }
0x98: {  	s31 =	simm.s32 $0x0;
	v17 =	vadd.f32 v21, v13;
	v16 =	vadd.f32 v22, v16;
	v13 =	vld [tilespmem:s0+$0x34F0];
	s0 =	simm.s32 $0xE900  }
.LBB2_5:
0x99: {  	v18 =	vld [tilespmem:s0+$0x3480];
	v8 =	vadd.f32 v8, v15;
	v10 =	vadd.f32 v10, v14  }
0x9a: {  	v14 =	vld [tilespmem:s0+$0x3490];
	v3 =	vadd.f32 v3, v17;
	v2 =	vadd.f32 v2, v16  }
0x9b: {  	v15 =	vld [tilespmem:s0+$0x34A0];
	v8 =	vadd.f32 v9, v8;
	v9 =	vadd.f32 v12, v10  }
0x9c: {  	v12 =	vld [tilespmem:s0+$0x34B0];
	v16 =	vadd.f32 v0, v3;
	v17 =	vadd.f32 v1, v2  }
0x9d: {  	v0 =	vld [tilespmem:s0+$0x34C0];
	v11 =	vadd.f32 v11, v8;
	v13 =	vadd.f32 v13, v9  }
0x9e: {  	v1 =	vld [tilespmem:s0+$0x34D0]  }
0x9f: {  	v8 =	vld [tilespmem:s0+$0x80]  }
0xa0: {  	v9 =	vld [tilespmem:s0+$0x90]  }
0xa1: {  	v10 =	vld [tilespmem:s0+$0xA0]  }
0xa2: {  	v19 =	vld [tilespmem:s0+$0xB0]  }
0xa3: {  	v3 =	vld [tilespmem:s0+$0xC0]  }
0xa4: {  	v2 =	vld [tilespmem:s0+$0xD0]  }
0xa5: {  	v20 =	vld [tilespmem:s0+$0x3400]  }
0xa6: {  	v21 =	vld [tilespmem:s0+$0x3410]  }
0xa7: {  	v22 =	vld [tilespmem:s0+$0x0]  }
0xa8: {  	v23 =	vld [tilespmem:s0+$0x10]  }
0xa9: {  	v24 =	vld [tilespmem:s0+$0x20]  }
0xaa: {  	v25 =	vld [tilespmem:s0+$0x30]  }
0xab: {  	v26 =	vld [tilespmem:s0+$0x3420]  }
0xac: {  	v27 =	vld [tilespmem:s0+$0x3430]  }
0xad: {  	v28 =	vld [tilespmem:s0+$0x3440]  }
0xae: {  	v7 =	vadd.f32 v22, v7;
	v6 =	vadd.f32 v23, v6;
	v22 =	vld [tilespmem:s0+$0x3450]  }
0xaf: {  	v5 =	vadd.f32 v24, v5;
	v4 =	vadd.f32 v25, v4;
	v23 =	vld [tilespmem:s0+$0x40]  }
0xb0: {  	v7 =	vadd.f32 v20, v7;
	v6 =	vadd.f32 v21, v6;
	v24 =	vld [tilespmem:s0+$0x50]  }
0xb1: {  	v5 =	vadd.f32 v26, v5;
	v20 =	vld [tilespmem:s0+$0x60];
	v4 =	vadd.f32 v27, v4  }
0xb2: {  	s31 =	sadd.s32 $0x2, s31;
	v7 =	vadd.f32 v8, v7;
	v6 =	vadd.f32 v9, v6;
	v21 =	vld [tilespmem:s0+$0x70]  }
0xb3: {  	p0 =	slt.u32 s31, $0x62;
	v5 =	vadd.f32 v10, v5;
	v8 =	vld [tilespmem:s0+$0x3460];
	v4 =	vadd.f32 v19, v4  }
.Ltmp1:
0xb4: {  	v7 =	vadd.f32 v18, v7;
	v6 =	vadd.f32 v14, v6;
	v10 =	vld [tilespmem:s0+$0x3470];
	(pc) =	sbr.rel @p0 .LBB2_5-.Ltmp1, $4  }
0xb5: {  	v5 =	vadd.f32 v15, v5;
	v9 =	vld [tilespmem:s0+$0xE0];
	v4 =	vadd.f32 v12, v4  }
0xb6: {  	v16 =	vadd.f32 v23, v16;
	v18 =	vadd.f32 v24, v17;
	v12 =	vld [tilespmem:s0+$0xF0]  }
0xb7: {  	v15 =	vadd.f32 v20, v11;
	v14 =	vadd.f32 v21, v13;
	v11 =	vld [tilespmem:s0+$0x34E0]  }
0xb8: {  	v17 =	vadd.f32 v28, v16;
	v16 =	vadd.f32 v22, v18;
	v13 =	vld [tilespmem:s0+$0x34F0];
	s0 =	sadd.s32 $0x100, s0  }
0xb9: {  	_ = 	snop  }
0xba: {  	v8 =	vadd.f32 v8, v15;
	[tilespmem:s30+$0x1B880] =	vst v7;
	v3 =	vadd.f32 v3, v17  }
0xbb: {  	v7 =	vadd.f32 v10, v14;
	[tilespmem:s30+$0x1B890] =	vst v6;
	v2 =	vadd.f32 v2, v16  }
0xbc: {  	[tilespmem:s30+$0x1B8A0] =	vst v5;
	v6 =	vadd.f32 v9, v8;
	v0 =	vadd.f32 v0, v3  }
0xbd: {  	[tilespmem:s30+$0x1B8B0] =	vst v4;
	v3 =	vadd.f32 v12, v7;
	v1 =	vadd.f32 v1, v2  }
0xbe: {  	v2 =	vadd.f32 v11, v6;
	[tilespmem:s30+$0x1B8C0] =	vst v0  }
0xbf: {  	v0 =	vadd.f32 v13, v3;
	[tilespmem:s30+$0x1B8D0] =	vst v1  }
0xc0: {  	[tilespmem:s30+$0x1B8E0] =	vst v2  }
0xc1: {  	s0 =	sadd.s32 $0x400, s29;
	[tilespmem:s30+$0x1B8F0] =	vst v0  }
0xc2: {  	[tilespmem:s13], [sflag:$0x3] =	stream.indirect.gather [hbm4b:s2+s8], $0x80, s0, s8, $0xb8;
	[tilespmem:$0x1F800] =	vst v63  }
0xc3: {  	s0 =	sadd.s32 $0x480, s29  }
0xc4: {  	[tilespmem:s15], [sflag:$0x4] =	stream.indirect.gather [hbm4b:s2+s8], $0x80, s0, s8, $0xb8;
	[tilespmem:$0x1F800] =	vst v63  }
0xc5: {  	_ =	swait.ge [sflag:s23], $0x3200  }
0xc6: {  	[sflag:s23] =	ssyncset.done $0x0  }
0xc7: {  	[sflag:s23] =	ssyncadd.s32 $0xFFFFCE00  }
0xc8: {  	_ =	swait.ge [sflag:s24], $0x3200  }
0xc9: {  	[sflag:s24] =	ssyncset.done $0x0  }
0xca: {  	s0 =	simm.s32 $0x15000;
	[sflag:s24] =	ssyncadd.s32 $0xFFFFCE00  }
0xcb: {  	v4 =	vld [tilespmem:s0+$0x3480]  }
0xcc: {  	v5 =	vld [tilespmem:s0+$0x3490]  }
0xcd: {  	v11 =	vld [tilespmem:s0+$0x34A0]  }
0xce: {  	v12 =	vld [tilespmem:s0+$0x34B0]  }
0xcf: {  	v0 =	vld [tilespmem:s0+$0x34C0]  }
0xd0: {  	v1 =	vld [tilespmem:s0+$0x34D0]  }
0xd1: {  	v6 =	vld [tilespmem:s0+$0x80]  }
0xd2: {  	v7 =	vld [tilespmem:s0+$0x90]  }
0xd3: {  	v9 =	vld [tilespmem:s0+$0xA0]  }
0xd4: {  	v10 =	vld [tilespmem:s0+$0xB0]  }
0xd5: {  	v3 =	vld [tilespmem:s0+$0xC0]  }
0xd6: {  	v2 =	vld [tilespmem:s0+$0xD0]  }
0xd7: {  	v8 =	vld [tilespmem:s0+$0x3400]  }
0xd8: {  	v13 =	vld [tilespmem:s0+$0x3410]  }
0xd9: {  	v14 =	vld [tilespmem:s0+$0x0]  }
0xda: {  	v15 =	vld [tilespmem:s0+$0x10]  }
0xdb: {  	v16 =	vld [tilespmem:s0+$0x20]  }
0xdc: {  	v17 =	vld [tilespmem:s0+$0x30]  }
0xdd: {  	v18 =	vld [tilespmem:s0+$0x3420]  }
0xde: {  	v19 =	vld [tilespmem:s0+$0x3430]  }
0xdf: {  	v20 =	vimm.f32 $0.0e+00;
	v21 =	vld [tilespmem:s0+$0x3440]  }
0xe0: {  	v22 =	vld [tilespmem:s0+$0x3450];
	v14 =	vadd.f32 v14, v20;
	v15 =	vadd.f32 v15, v20  }
0xe1: {  	v23 =	vld [tilespmem:s0+$0x40];
	v16 =	vadd.f32 v16, v20;
	v17 =	vadd.f32 v17, v20  }
0xe2: {  	v24 =	vld [tilespmem:s0+$0x50];
	v8 =	vadd.f32 v8, v14;
	v13 =	vadd.f32 v13, v15  }
0xe3: {  	v14 =	vld [tilespmem:s0+$0x60];
	v15 =	vadd.f32 v18, v16;
	v16 =	vadd.f32 v19, v17  }
0xe4: {  	v17 =	vld [tilespmem:s0+$0x70];
	v6 =	vadd.f32 v6, v8;
	v13 =	vadd.f32 v7, v13  }
0xe5: {  	v8 =	vld [tilespmem:s0+$0x3460];
	v15 =	vadd.f32 v9, v15;
	v16 =	vadd.f32 v10, v16  }
0xe6: {  	v10 =	vld [tilespmem:s0+$0x3470];
	v7 =	vadd.f32 v4, v6;
	v6 =	vadd.f32 v5, v13  }
0xe7: {  	v9 =	vld [tilespmem:s0+$0xE0];
	v5 =	vadd.f32 v11, v15;
	v4 =	vadd.f32 v12, v16  }
0xe8: {  	v13 =	vadd.f32 v23, v20;
	v16 =	vadd.f32 v24, v20;
	v12 =	vld [tilespmem:s0+$0xF0]  }
0xe9: {  	v11 =	vld [tilespmem:s0+$0x34E0];
	v15 =	vadd.f32 v14, v20;
	v14 =	vadd.f32 v17, v20  }
0xea: {  	s31 =	simm.s32 $0x0;
	v17 =	vadd.f32 v21, v13;
	v16 =	vadd.f32 v22, v16;
	v13 =	vld [tilespmem:s0+$0x34F0];
	s0 =	simm.s32 $0x15100  }
.LBB2_7:
0xeb: {  	v18 =	vld [tilespmem:s0+$0x3480];
	v8 =	vadd.f32 v8, v15;
	v10 =	vadd.f32 v10, v14  }
0xec: {  	v14 =	vld [tilespmem:s0+$0x3490];
	v3 =	vadd.f32 v3, v17;
	v2 =	vadd.f32 v2, v16  }
0xed: {  	v15 =	vld [tilespmem:s0+$0x34A0];
	v8 =	vadd.f32 v9, v8;
	v9 =	vadd.f32 v12, v10  }
0xee: {  	v12 =	vld [tilespmem:s0+$0x34B0];
	v16 =	vadd.f32 v0, v3;
	v17 =	vadd.f32 v1, v2  }
0xef: {  	v0 =	vld [tilespmem:s0+$0x34C0];
	v11 =	vadd.f32 v11, v8;
	v13 =	vadd.f32 v13, v9  }
0xf0: {  	v1 =	vld [tilespmem:s0+$0x34D0]  }
0xf1: {  	v8 =	vld [tilespmem:s0+$0x80]  }
0xf2: {  	v9 =	vld [tilespmem:s0+$0x90]  }
0xf3: {  	v10 =	vld [tilespmem:s0+$0xA0]  }
0xf4: {  	v19 =	vld [tilespmem:s0+$0xB0]  }
0xf5: {  	v3 =	vld [tilespmem:s0+$0xC0]  }
0xf6: {  	v2 =	vld [tilespmem:s0+$0xD0]  }
0xf7: {  	v20 =	vld [tilespmem:s0+$0x3400]  }
0xf8: {  	v21 =	vld [tilespmem:s0+$0x3410]  }
0xf9: {  	v22 =	vld [tilespmem:s0+$0x0]  }
0xfa: {  	v23 =	vld [tilespmem:s0+$0x10]  }
0xfb: {  	v24 =	vld [tilespmem:s0+$0x20]  }
0xfc: {  	v25 =	vld [tilespmem:s0+$0x30]  }
0xfd: {  	v26 =	vld [tilespmem:s0+$0x3420]  }
0xfe: {  	v27 =	vld [tilespmem:s0+$0x3430]  }
0xff: {  	v28 =	vld [tilespmem:s0+$0x3440]  }
0x100: {  	v7 =	vadd.f32 v22, v7;
	v6 =	vadd.f32 v23, v6;
	v22 =	vld [tilespmem:s0+$0x3450]  }
0x101: {  	v5 =	vadd.f32 v24, v5;
	v4 =	vadd.f32 v25, v4;
	v23 =	vld [tilespmem:s0+$0x40]  }
0x102: {  	v7 =	vadd.f32 v20, v7;
	v6 =	vadd.f32 v21, v6;
	v24 =	vld [tilespmem:s0+$0x50]  }
0x103: {  	v5 =	vadd.f32 v26, v5;
	v20 =	vld [tilespmem:s0+$0x60];
	v4 =	vadd.f32 v27, v4  }
0x104: {  	s31 =	sadd.s32 $0x2, s31;
	v7 =	vadd.f32 v8, v7;
	v6 =	vadd.f32 v9, v6;
	v21 =	vld [tilespmem:s0+$0x70]  }
0x105: {  	p0 =	slt.u32 s31, $0x62;
	v5 =	vadd.f32 v10, v5;
	v8 =	vld [tilespmem:s0+$0x3460];
	v4 =	vadd.f32 v19, v4  }
.Ltmp2:
0x106: {  	v7 =	vadd.f32 v18, v7;
	v6 =	vadd.f32 v14, v6;
	v10 =	vld [tilespmem:s0+$0x3470];
	(pc) =	sbr.rel @p0 .LBB2_7-.Ltmp2, $4  }
0x107: {  	v5 =	vadd.f32 v15, v5;
	v9 =	vld [tilespmem:s0+$0xE0];
	v4 =	vadd.f32 v12, v4  }
0x108: {  	v16 =	vadd.f32 v23, v16;
	v18 =	vadd.f32 v24, v17;
	v12 =	vld [tilespmem:s0+$0xF0]  }
0x109: {  	v15 =	vadd.f32 v20, v11;
	v14 =	vadd.f32 v21, v13;
	v11 =	vld [tilespmem:s0+$0x34E0]  }
0x10a: {  	v17 =	vadd.f32 v28, v16;
	v16 =	vadd.f32 v22, v18;
	v13 =	vld [tilespmem:s0+$0x34F0];
	s0 =	sadd.s32 $0x100, s0  }
0x10b: {  	_ = 	snop  }
0x10c: {  	v8 =	vadd.f32 v8, v15;
	[tilespmem:s30+$0x1B900] =	vst v7;
	v3 =	vadd.f32 v3, v17  }
0x10d: {  	v59 =	vadd.f32 v10, v14;
	[tilespmem:s30+$0x1B910] =	vst v6;
	v2 =	vadd.f32 v2, v16  }
0x10e: {  	[tilespmem:s30+$0x1B920] =	vst v5;
	p0 =	seq.s32 s28, $0x29;
	v60 =	vadd.f32 v9, v8;
	v0 =	vadd.f32 v0, v3  }
.Ltmp3:
0x10f: {  	[tilespmem:s30+$0x1B930] =	vst v4;
	v61 =	vadd.f32 v12, v59;
	v1 =	vadd.f32 v1, v2;
	(pc) =	sbr.rel @p0 .LBB2_10-.Ltmp3, $4  }
0x110: {  	v62 =	vadd.f32 v11, v60;
	[tilespmem:s30+$0x1B940] =	vst v0  }
0x111: {  	v63 =	vadd.f32 v13, v61;
	[tilespmem:s30+$0x1B950] =	vst v1  }
0x112: {  	[tilespmem:s30+$0x1B960] =	vst v62  }
0x113: {  	[tilespmem:s30+$0x1B970] =	vst v63  }
.Ltmp4:
0x114: {  	(pc) =	sbr.rel .LBB2_2-.Ltmp4, $3  }
0x115: {  	_ =	sdelay $0x1  }
0x116: {  	s0 =	sadd.s32 $0x500, s29;
	s28 =	sadd.s32 $0x1, s28  }
0x117: {  	[tilespmem:s17], [sflag:$0x5] =	stream.indirect.gather [hbm4b:s2+s8], $0x80, s0, s8, $0xb8;
	[tilespmem:$0x1F800] =	vst v63  }
.LBB2_10:
0x118: {  	_ =	swait.ge [sflag:s19], $0x3200  }
0x119: {  	[sflag:s19] =	ssyncset.done $0x0  }
0x11a: {  	[sflag:s19] =	ssyncadd.s32 $0xFFFFCE00  }
0x11b: {  	_ =	swait.ge [sflag:s20], $0x3200  }
0x11c: {  	[sflag:s20] =	ssyncset.done $0x0  }
0x11d: {  	s0 =	simm.s32 $0xB4F0;
	[sflag:s20] =	ssyncadd.s32 $0xFFFFCE00  }
0x11e: {  	v4 =	vld [tilespmem:s0+$0xFFFFFF90]  }
0x11f: {  	v5 =	vld [tilespmem:s0+$0xFFFFFFA0]  }
0x120: {  	v11 =	vld [tilespmem:s0+$0xFFFFFFB0]  }
0x121: {  	v12 =	vld [tilespmem:s0+$0xFFFFFFC0]  }
0x122: {  	v0 =	vld [tilespmem:s0+$0xFFFFFFD0]  }
0x123: {  	v1 =	vld [tilespmem:s0+$0xFFFFFFE0]  }
0x124: {  	v6 =	vld [tilespmem:s0+$0xFFFFCB90]  }
0x125: {  	v7 =	vld [tilespmem:s0+$0xFFFFCBA0]  }
0x126: {  	v9 =	vld [tilespmem:s0+$0xFFFFCBB0]  }
0x127: {  	v10 =	vld [tilespmem:s0+$0xFFFFCBC0]  }
0x128: {  	v3 =	vld [tilespmem:s0+$0xFFFFCBD0]  }
0x129: {  	v2 =	vld [tilespmem:s0+$0xFFFFCBE0]  }
0x12a: {  	v8 =	vld [tilespmem:s0+$0xFFFFFF10]  }
0x12b: {  	v13 =	vld [tilespmem:s0+$0xFFFFFF20]  }
0x12c: {  	v14 =	vld [tilespmem:s0+$0xFFFFCB10]  }
0x12d: {  	v15 =	vld [tilespmem:s0+$0xFFFFCB20]  }
0x12e: {  	v16 =	vld [tilespmem:s0+$0xFFFFCB30]  }
0x12f: {  	v17 =	vld [tilespmem:s0+$0xFFFFCB40]  }
0x130: {  	v18 =	vld [tilespmem:s0+$0xFFFFFF30]  }
0x131: {  	v19 =	vld [tilespmem:s0+$0xFFFFFF40]  }
0x132: {  	v20 =	vimm.f32 $0.0e+00;
	v21 =	vld [tilespmem:s0+$0xFFFFFF50]  }
0x133: {  	v22 =	vld [tilespmem:s0+$0xFFFFFF60];
	v14 =	vadd.f32 v14, v20;
	v15 =	vadd.f32 v15, v20  }
0x134: {  	v23 =	vld [tilespmem:s0+$0xFFFFCB50];
	v16 =	vadd.f32 v16, v20;
	v17 =	vadd.f32 v17, v20  }
0x135: {  	v24 =	vld [tilespmem:s0+$0xFFFFCB60];
	v8 =	vadd.f32 v8, v14;
	v13 =	vadd.f32 v13, v15  }
0x136: {  	v14 =	vld [tilespmem:s0+$0xFFFFCB70];
	v15 =	vadd.f32 v18, v16;
	v16 =	vadd.f32 v19, v17  }
0x137: {  	v17 =	vld [tilespmem:s0+$0xFFFFCB80];
	v6 =	vadd.f32 v6, v8;
	v13 =	vadd.f32 v7, v13  }
0x138: {  	v8 =	vld [tilespmem:s0+$0xFFFFFF70];
	v15 =	vadd.f32 v9, v15;
	v16 =	vadd.f32 v10, v16  }
0x139: {  	v10 =	vld [tilespmem:s0+$0xFFFFFF80];
	v7 =	vadd.f32 v4, v6;
	v6 =	vadd.f32 v5, v13  }
0x13a: {  	v9 =	vld [tilespmem:s0+$0xFFFFCBF0];
	v5 =	vadd.f32 v11, v15;
	v4 =	vadd.f32 v12, v16  }
0x13b: {  	v13 =	vadd.f32 v23, v20;
	v16 =	vadd.f32 v24, v20;
	v12 =	vld [tilespmem:s0+$0xFFFFCC00]  }
0x13c: {  	v11 =	vld [tilespmem:s0+$0xFFFFFFF0];
	v15 =	vadd.f32 v14, v20;
	v14 =	vadd.f32 v17, v20  }
0x13d: {  	s28 =	simm.s32 $0x0;
	v17 =	vadd.f32 v21, v13;
	v16 =	vadd.f32 v22, v16;
	v13 =	vld [tilespmem:s0+$0x0];
	s0 =	simm.s32 $0xB5F0  }
.LBB2_11:
0x13e: {  	v18 =	vld [tilespmem:s0+$0xFFFFFF90];
	v8 =	vadd.f32 v8, v15;
	v10 =	vadd.f32 v10, v14  }
0x13f: {  	v14 =	vld [tilespmem:s0+$0xFFFFFFA0];
	v3 =	vadd.f32 v3, v17;
	v2 =	vadd.f32 v2, v16  }
0x140: {  	v15 =	vld [tilespmem:s0+$0xFFFFFFB0];
	v8 =	vadd.f32 v9, v8;
	v9 =	vadd.f32 v12, v10  }
0x141: {  	v12 =	vld [tilespmem:s0+$0xFFFFFFC0];
	v16 =	vadd.f32 v0, v3;
	v17 =	vadd.f32 v1, v2  }
0x142: {  	v0 =	vld [tilespmem:s0+$0xFFFFFFD0];
	v11 =	vadd.f32 v11, v8;
	v13 =	vadd.f32 v13, v9  }
0x143: {  	v1 =	vld [tilespmem:s0+$0xFFFFFFE0]  }
0x144: {  	v8 =	vld [tilespmem:s0+$0xFFFFCB90]  }
0x145: {  	v9 =	vld [tilespmem:s0+$0xFFFFCBA0]  }
0x146: {  	v10 =	vld [tilespmem:s0+$0xFFFFCBB0]  }
0x147: {  	v19 =	vld [tilespmem:s0+$0xFFFFCBC0]  }
0x148: {  	v3 =	vld [tilespmem:s0+$0xFFFFCBD0]  }
0x149: {  	v2 =	vld [tilespmem:s0+$0xFFFFCBE0]  }
0x14a: {  	v20 =	vld [tilespmem:s0+$0xFFFFFF10]  }
0x14b: {  	v21 =	vld [tilespmem:s0+$0xFFFFFF20]  }
0x14c: {  	v22 =	vld [tilespmem:s0+$0xFFFFCB10]  }
0x14d: {  	v23 =	vld [tilespmem:s0+$0xFFFFCB20]  }
0x14e: {  	v24 =	vld [tilespmem:s0+$0xFFFFCB30]  }
0x14f: {  	v25 =	vld [tilespmem:s0+$0xFFFFCB40]  }
0x150: {  	v26 =	vld [tilespmem:s0+$0xFFFFFF30]  }
0x151: {  	v27 =	vld [tilespmem:s0+$0xFFFFFF40]  }
0x152: {  	v28 =	vld [tilespmem:s0+$0xFFFFFF50]  }
0x153: {  	v7 =	vadd.f32 v22, v7;
	v6 =	vadd.f32 v23, v6;
	v22 =	vld [tilespmem:s0+$0xFFFFFF60]  }
0x154: {  	v5 =	vadd.f32 v24, v5;
	v4 =	vadd.f32 v25, v4;
	v23 =	vld [tilespmem:s0+$0xFFFFCB50]  }
0x155: {  	v7 =	vadd.f32 v20, v7;
	v6 =	vadd.f32 v21, v6;
	v24 =	vld [tilespmem:s0+$0xFFFFCB60]  }
0x156: {  	v5 =	vadd.f32 v26, v5;
	v20 =	vld [tilespmem:s0+$0xFFFFCB70];
	v4 =	vadd.f32 v27, v4  }
0x157: {  	s28 =	sadd.s32 $0x2, s28;
	v7 =	vadd.f32 v8, v7;
	v6 =	vadd.f32 v9, v6;
	v21 =	vld [tilespmem:s0+$0xFFFFCB80]  }
0x158: {  	p0 =	slt.u32 s28, $0x62;
	v5 =	vadd.f32 v10, v5;
	v8 =	vld [tilespmem:s0+$0xFFFFFF70];
	v4 =	vadd.f32 v19, v4  }
.Ltmp5:
0x159: {  	v7 =	vadd.f32 v18, v7;
	v6 =	vadd.f32 v14, v6;
	v10 =	vld [tilespmem:s0+$0xFFFFFF80];
	(pc) =	sbr.rel @p0 .LBB2_11-.Ltmp5, $4  }
0x15a: {  	v5 =	vadd.f32 v15, v5;
	v9 =	vld [tilespmem:s0+$0xFFFFCBF0];
	v4 =	vadd.f32 v12, v4  }
0x15b: {  	v16 =	vadd.f32 v23, v16;
	v18 =	vadd.f32 v24, v17;
	v12 =	vld [tilespmem:s0+$0xFFFFCC00]  }
0x15c: {  	v15 =	vadd.f32 v20, v11;
	v14 =	vadd.f32 v21, v13;
	v11 =	vld [tilespmem:s0+$0xFFFFFFF0]  }
0x15d: {  	v17 =	vadd.f32 v28, v16;
	v16 =	vadd.f32 v22, v18;
	v13 =	vld [tilespmem:s0+$0x0];
	s0 =	sadd.s32 $0x100, s0  }
0x15e: {  	_ = 	snop  }
0x15f: {  	v8 =	vadd.f32 v8, v15;
	[tilespmem:$0x1F700] =	vst v7;
	v3 =	vadd.f32 v3, v17  }
0x160: {  	v7 =	vadd.f32 v10, v14;
	[tilespmem:$0x1F710] =	vst v6;
	v2 =	vadd.f32 v2, v16  }
0x161: {  	[tilespmem:$0x1F720] =	vst v5;
	v6 =	vadd.f32 v9, v8;
	v0 =	vadd.f32 v0, v3  }
0x162: {  	[tilespmem:$0x1F730] =	vst v4;
	v3 =	vadd.f32 v12, v7;
	v1 =	vadd.f32 v1, v2  }
0x163: {  	v2 =	vadd.f32 v11, v6;
	[tilespmem:$0x1F740] =	vst v0  }
0x164: {  	v0 =	vadd.f32 v13, v3;
	[tilespmem:$0x1F750] =	vst v1  }
0x165: {  	[tilespmem:$0x1F760] =	vst v2  }
0x166: {  	[tilespmem:$0x1F770] =	vst v0  }
0x167: {  	_ =	swait.ge [sflag:s21], $0x3200  }
0x168: {  	[sflag:s21] =	ssyncset.done $0x0  }
0x169: {  	[sflag:s21] =	ssyncadd.s32 $0xFFFFCE00  }
0x16a: {  	_ =	swait.ge [sflag:s22], $0x3200  }
0x16b: {  	[sflag:s22] =	ssyncset.done $0x0  }
0x16c: {  	s0 =	simm.s32 $0xE800;
	[sflag:s22] =	ssyncadd.s32 $0xFFFFCE00  }
0x16d: {  	v4 =	vld [tilespmem:s0+$0x3480]  }
0x16e: {  	v5 =	vld [tilespmem:s0+$0x3490]  }
0x16f: {  	v11 =	vld [tilespmem:s0+$0x34A0]  }
0x170: {  	v12 =	vld [tilespmem:s0+$0x34B0]  }
0x171: {  	v0 =	vld [tilespmem:s0+$0x34C0]  }
0x172: {  	v1 =	vld [tilespmem:s0+$0x34D0]  }
0x173: {  	v6 =	vld [tilespmem:s0+$0x80]  }
0x174: {  	v7 =	vld [tilespmem:s0+$0x90]  }
0x175: {  	v9 =	vld [tilespmem:s0+$0xA0]  }
0x176: {  	v10 =	vld [tilespmem:s0+$0xB0]  }
0x177: {  	v3 =	vld [tilespmem:s0+$0xC0]  }
0x178: {  	v2 =	vld [tilespmem:s0+$0xD0]  }
0x179: {  	v8 =	vld [tilespmem:s0+$0x3400]  }
0x17a: {  	v13 =	vld [tilespmem:s0+$0x3410]  }
0x17b: {  	v14 =	vld [tilespmem:s0+$0x0]  }
0x17c: {  	v15 =	vld [tilespmem:s0+$0x10]  }
0x17d: {  	v16 =	vld [tilespmem:s0+$0x20]  }
0x17e: {  	v17 =	vld [tilespmem:s0+$0x30]  }
0x17f: {  	v18 =	vld [tilespmem:s0+$0x3420]  }
0x180: {  	v19 =	vld [tilespmem:s0+$0x3430]  }
0x181: {  	v20 =	vimm.f32 $0.0e+00;
	v21 =	vld [tilespmem:s0+$0x3440]  }
0x182: {  	v22 =	vld [tilespmem:s0+$0x3450];
	v14 =	vadd.f32 v14, v20;
	v15 =	vadd.f32 v15, v20  }
0x183: {  	v23 =	vld [tilespmem:s0+$0x40];
	v16 =	vadd.f32 v16, v20;
	v17 =	vadd.f32 v17, v20  }
0x184: {  	v24 =	vld [tilespmem:s0+$0x50];
	v8 =	vadd.f32 v8, v14;
	v13 =	vadd.f32 v13, v15  }
0x185: {  	v14 =	vld [tilespmem:s0+$0x60];
	v15 =	vadd.f32 v18, v16;
	v16 =	vadd.f32 v19, v17  }
0x186: {  	v17 =	vld [tilespmem:s0+$0x70];
	v6 =	vadd.f32 v6, v8;
	v13 =	vadd.f32 v7, v13  }
0x187: {  	v8 =	vld [tilespmem:s0+$0x3460];
	v15 =	vadd.f32 v9, v15;
	v16 =	vadd.f32 v10, v16  }
0x188: {  	v10 =	vld [tilespmem:s0+$0x3470];
	v7 =	vadd.f32 v4, v6;
	v6 =	vadd.f32 v5, v13  }
0x189: {  	v9 =	vld [tilespmem:s0+$0xE0];
	v5 =	vadd.f32 v11, v15;
	v4 =	vadd.f32 v12, v16  }
0x18a: {  	v13 =	vadd.f32 v23, v20;
	v16 =	vadd.f32 v24, v20;
	v12 =	vld [tilespmem:s0+$0xF0]  }
0x18b: {  	v11 =	vld [tilespmem:s0+$0x34E0];
	v15 =	vadd.f32 v14, v20;
	v14 =	vadd.f32 v17, v20  }
0x18c: {  	s28 =	simm.s32 $0x0;
	v17 =	vadd.f32 v21, v13;
	v16 =	vadd.f32 v22, v16;
	v13 =	vld [tilespmem:s0+$0x34F0];
	s0 =	simm.s32 $0xE900  }
.LBB2_13:
0x18d: {  	v18 =	vld [tilespmem:s0+$0x3480];
	v8 =	vadd.f32 v8, v15;
	v10 =	vadd.f32 v10, v14  }
0x18e: {  	v14 =	vld [tilespmem:s0+$0x3490];
	v3 =	vadd.f32 v3, v17;
	v2 =	vadd.f32 v2, v16  }
0x18f: {  	v15 =	vld [tilespmem:s0+$0x34A0];
	v8 =	vadd.f32 v9, v8;
	v9 =	vadd.f32 v12, v10  }
0x190: {  	v12 =	vld [tilespmem:s0+$0x34B0];
	v16 =	vadd.f32 v0, v3;
	v17 =	vadd.f32 v1, v2  }
0x191: {  	v0 =	vld [tilespmem:s0+$0x34C0];
	v11 =	vadd.f32 v11, v8;
	v13 =	vadd.f32 v13, v9  }
0x192: {  	v1 =	vld [tilespmem:s0+$0x34D0]  }
0x193: {  	v8 =	vld [tilespmem:s0+$0x80]  }
0x194: {  	v9 =	vld [tilespmem:s0+$0x90]  }
0x195: {  	v10 =	vld [tilespmem:s0+$0xA0]  }
0x196: {  	v19 =	vld [tilespmem:s0+$0xB0]  }
0x197: {  	v3 =	vld [tilespmem:s0+$0xC0]  }
0x198: {  	v2 =	vld [tilespmem:s0+$0xD0]  }
0x199: {  	v20 =	vld [tilespmem:s0+$0x3400]  }
0x19a: {  	v21 =	vld [tilespmem:s0+$0x3410]  }
0x19b: {  	v22 =	vld [tilespmem:s0+$0x0]  }
0x19c: {  	v23 =	vld [tilespmem:s0+$0x10]  }
0x19d: {  	v24 =	vld [tilespmem:s0+$0x20]  }
0x19e: {  	v25 =	vld [tilespmem:s0+$0x30]  }
0x19f: {  	v26 =	vld [tilespmem:s0+$0x3420]  }
0x1a0: {  	v27 =	vld [tilespmem:s0+$0x3430]  }
0x1a1: {  	v28 =	vld [tilespmem:s0+$0x3440]  }
0x1a2: {  	v7 =	vadd.f32 v22, v7;
	v6 =	vadd.f32 v23, v6;
	v22 =	vld [tilespmem:s0+$0x3450]  }
0x1a3: {  	v5 =	vadd.f32 v24, v5;
	v4 =	vadd.f32 v25, v4;
	v23 =	vld [tilespmem:s0+$0x40]  }
0x1a4: {  	v7 =	vadd.f32 v20, v7;
	v6 =	vadd.f32 v21, v6;
	v24 =	vld [tilespmem:s0+$0x50]  }
0x1a5: {  	v5 =	vadd.f32 v26, v5;
	v20 =	vld [tilespmem:s0+$0x60];
	v4 =	vadd.f32 v27, v4  }
0x1a6: {  	s28 =	sadd.s32 $0x2, s28;
	v7 =	vadd.f32 v8, v7;
	v6 =	vadd.f32 v9, v6;
	v21 =	vld [tilespmem:s0+$0x70]  }
0x1a7: {  	p0 =	slt.u32 s28, $0x62;
	v5 =	vadd.f32 v10, v5;
	v8 =	vld [tilespmem:s0+$0x3460];
	v4 =	vadd.f32 v19, v4  }
.Ltmp6:
0x1a8: {  	v7 =	vadd.f32 v18, v7;
	v6 =	vadd.f32 v14, v6;
	v10 =	vld [tilespmem:s0+$0x3470];
	(pc) =	sbr.rel @p0 .LBB2_13-.Ltmp6, $4  }
0x1a9: {  	v5 =	vadd.f32 v15, v5;
	v9 =	vld [tilespmem:s0+$0xE0];
	v4 =	vadd.f32 v12, v4  }
0x1aa: {  	v16 =	vadd.f32 v23, v16;
	v18 =	vadd.f32 v24, v17;
	v12 =	vld [tilespmem:s0+$0xF0]  }
0x1ab: {  	v15 =	vadd.f32 v20, v11;
	v14 =	vadd.f32 v21, v13;
	v11 =	vld [tilespmem:s0+$0x34E0]  }
0x1ac: {  	v17 =	vadd.f32 v28, v16;
	v16 =	vadd.f32 v22, v18;
	v13 =	vld [tilespmem:s0+$0x34F0];
	s0 =	sadd.s32 $0x100, s0  }
0x1ad: {  	_ = 	snop  }
0x1ae: {  	v8 =	vadd.f32 v8, v15;
	[tilespmem:$0x1F780] =	vst v7;
	v3 =	vadd.f32 v3, v17  }
0x1af: {  	v59 =	vadd.f32 v10, v14;
	[tilespmem:$0x1F790] =	vst v6;
	v2 =	vadd.f32 v2, v16  }
0x1b0: {  	[tilespmem:$0x1F7A0] =	vst v5;
	v60 =	vadd.f32 v9, v8;
	v0 =	vadd.f32 v0, v3  }
0x1b1: {  	[tilespmem:$0x1F7B0] =	vst v4;
	v61 =	vadd.f32 v12, v59;
	v1 =	vadd.f32 v1, v2  }
0x1b2: {  	v62 =	vadd.f32 v11, v60;
	[tilespmem:$0x1F7C0] =	vst v0  }
0x1b3: {  	s26 =	sadd.s32 $0x1, s26;
	v63 =	vadd.f32 v13, v61;
	[tilespmem:$0x1F7D0] =	vst v1  }
0x1b4: {  	p0 =	sne.s32 s26, s6;
	[tilespmem:$0x1F7E0] =	vst v62  }
.Ltmp7:
0x1b5: {  	[tilespmem:$0x1F7F0] =	vst v63;
	(pc) =	sbr.rel @p0 .LBB2_1-.Ltmp7, $4  }
0x1b6: {  	[hbm4b:s5+s3] =	stream.linear.scatter [tilespmem:s25], [sflag:$0x7], $0x4000, $0x38;
	[tilespmem:$0x1F800] =	vst v63  }
0x1b7: {  	_ =	swait.ge [sflag:s7], $0x4000  }
0x1b8: {  	[sflag:s7] =	ssyncset.done $0x0  }
0x1b9: {  	[sflag:s7] =	ssyncadd.s32 $0xFFFFC000  }
0x1ba: {  	_ =	sfence.sel $0x180000  }
0x1bb: {  	[bflag:$0x0] =	sbarrier.arrive $0xFFFF  }
0x1bc: {  	_ =	strace $0x90000047  }
0x1bd: {  	[bflag:$0x2] =	sbarrier.arrive $0xFFFF  }
0x1be: {  	p0 =	sne.s32 s1, $0x0;
	s0 =	rddreg [dreg:$0x2]  }
0x1bf: {  	s0 =	sadd.s32 @!p0 $0x100000, s0  }
0x1c0: {  	[sflag:s0] =	ssyncadd.tile.s32 @!p0 $0x1;
	_ =	shalt  }
.Lfunc_end2:
_tile_overlayer_lowered:
.L_overlay_start_2:
0x1c1: {  	(tag) =	ssettag $0x2  }
0x1c2: {  	s0 =	rddreg [dreg:$0x0];
	s2 =	stileid.u32  }
0x1c3: {  	s1 =	rddreg [dreg:$0x1];
	p0 =	sne.s32 s2, $0x0  }
0x1c4: {  	s3 =	rddreg [dreg:$0x2];
	[bflag:$0x3] =	sbarrier.arrive $0xFFFF;
	s2 =	simm.s32 @!p0 $0x1C07  }
0x1c5: {  	[timem:s3], [sflag:s2] =	dma.local @!p0 [hbm:s0], s1  }
0x1c6: {  	s0 =	simm.s32 @!p0 $0x7  }
0x1c7: {  	_ =	swait.ge @!p0 [sflag:s0], s1  }
0x1c8: {  	s1 =	ssub.s32 @!p0 $0x0, s1;
	[sflag:s0] =	ssyncset.done @!p0 $0x0  }
0x1c9: {  	[sflag:s0] =	ssyncadd.s32 @!p0 s1  }
0x1ca: {  	[bflag:$0x3] =	sbarrier.arrive $0xFFFF  }
0x1cb: {  	_ =	shalt  }

</sc_bundles>
